<compile_context>
chip_gen: v7x
topology: tpu7x:2x2x1
jax: 0.10.2.dev20260603
libtpu: 0.0.44.dev20260713+nightly
codegen_flags: <defaults>
</compile_context>

<pallas_src>
import functools

import jax
import jax.numpy as jnp
from jax import lax
from jax.experimental import pallas as pl
from jax.experimental.pallas import tpu as pltpu
from jax.experimental.pallas import tpu_sc as plsc

_RING = 6


@functools.partial(jax.jit, static_argnames=("b_per_w", "num_cores"))
def _sc_bucket_gather(boff, lane, order, table_t, *, b_per_w, num_cores):
  B = boff.shape[0]
  F = table_t.shape[0]
  n_chunks = b_per_w // 128
  n_groups = b_per_w // 16
  mesh = plsc.VectorSubcoreMesh(core_axis_name="c", subcore_axis_name="s")

  @functools.partial(
      pl.kernel,
      mesh=mesh,
      compiler_params=pltpu.CompilerParams(needs_layout_passes=False),
      out_type=jax.ShapeDtypeStruct((B, 128), jnp.float32),
      scratch_types=[
          pltpu.VMEM((b_per_w,), jnp.int32),
          pltpu.VMEM((b_per_w,), jnp.int32),
          pltpu.VMEM((n_chunks, 128), jnp.int32),
          pltpu.VMEM((_RING, F, 128), jnp.float32),
          pltpu.VMEM((b_per_w, 128), jnp.float32),
          pltpu.SMEM((b_per_w,), jnp.int32),
          pltpu.SMEM((b_per_w + 4,), jnp.int32),
          pltpu.SMEM((b_per_w + 4,), jnp.int32),
          pltpu.SemaphoreType.DMA,
          pltpu.SemaphoreType.DMA,
      ],
  )
  def gather_k(boff_hbm, lane_hbm, order_hbm, tab_hbm, out_hbm,
               boff_v, lane_v, ord_v, ring_v, out_v,
               lanes_s, bofs_s, seg_s, fsem, ssem):
    wid = lax.axis_index("s") * num_cores + lax.axis_index("c")
    base = wid * b_per_w
    pltpu.sync_copy(boff_hbm.at[pl.ds(base, b_per_w)], boff_v)
    pltpu.sync_copy(lane_hbm.at[pl.ds(base, b_per_w)], lane_v)
    pltpu.sync_copy(order_hbm.at[pl.ds(wid * n_chunks, n_chunks)], ord_v)

    def p1_body(g, carry):
      nb, prev = carry
      bvec = boff_v[pl.ds(g * 16, 16)]
      lvec = lane_v[pl.ds(g * 16, 16)]
      for j in range(16):
        t = g * 16 + j
        b = bvec[j]
        lanes_s[t] = lvec[j]
        new = b != prev

        @pl.when(new)
        def _():
          bofs_s[nb] = b
          seg_s[nb] = t

        nb = jnp.where(new, nb + 1, nb)
        prev = b
      return nb, prev

    nb, _ = lax.fori_loop(0, n_groups, p1_body, (0, -1))
    seg_s[nb] = b_per_w

    def issue(i, slot):
      return pltpu.async_copy(
          tab_hbm.at[:, pl.ds(pl.multiple_of(bofs_s[i], 128), 128)],
          ring_v.at[slot], fsem)

    def wait(slot):
      pltpu.make_async_copy(tab_hbm.at[:, pl.ds(0, 128)],
                            ring_v.at[slot], fsem).wait()

    for b in range(_RING):
      @pl.when(b < nb)
      def _(b=b):
        issue(b, b)

    rows = [lax.iota(jnp.int32, 16) + 16 * q for q in range(F // 16)]

    def outer(k, _):
      for b in range(_RING):
        i = k * _RING + b

        @pl.when(i < nb)
        def _(i=i, b=b):
          wait(b)
          s = seg_s[i]
          e = seg_s[i + 1]

          def tok(t, _):
            cols = jnp.full((16,), lanes_s[t], jnp.int32)
            tfull = jnp.full((16,), t, jnp.int32)
            for q in range(F // 16):
              v = plsc.load_gather(ring_v.at[b], [rows[q], cols])
              plsc.store_scatter(out_v, [tfull, rows[q]], v)
            return 0

          lax.fori_loop(s, e, tok, 0)

          @pl.when(i + _RING < nb)
          def _():
            issue(i + _RING, b)

      return 0

    lax.fori_loop(0, (b_per_w + _RING - 1) // _RING, outer, 0)

    scopies = [
        pltpu.async_copy(out_v.at[pl.ds(j * 128, 128)],
                         out_hbm.at[ord_v.at[j]], ssem)
        for j in range(n_chunks)
    ]
    for c in scopies:
      c.wait()

  return gather_k(boff, lane, order, table_t)


def _tc_combine(wg, dg, topic_embeds, *, block_b=2048):
  B = wg.shape[0]
  T, D = topic_embeds.shape

  def body(wg_ref, dg_ref, t_ref, o_ref):
    wv = wg_ref[:, 0:D]
    dwb = dg_ref[:, 0:T]
    m = jnp.max(dwb, axis=1, keepdims=True)
    e = jnp.exp(dwb - m)
    s = jnp.sum(e, axis=1, keepdims=True)
    doc = jnp.dot(e, t_ref[...], preferred_element_type=jnp.float32) / s
    o_ref[...] = wv + doc

  return pl.pallas_call(
      body,
      grid=(B // block_b,),
      in_specs=[
          pl.BlockSpec((block_b, 128), lambda i: (i, 0)),
          pl.BlockSpec((block_b, 128), lambda i: (i, 0)),
          pl.BlockSpec((T, D), lambda i: (0, 0)),
      ],
      out_specs=pl.BlockSpec((block_b, D), lambda i: (i, 0)),
      out_shape=jax.ShapeDtypeStruct((B, D), jnp.float32),
  )(wg, dg, topic_embeds)


def _sorted_bucket_inputs(ids, B):
  skey, sval = lax.sort_key_val(ids, lax.iota(jnp.int32, B))
  boff = (skey // 128) * 128
  lane = skey - boff
  return boff, lane, sval.reshape(B // 128, 128)


def kernel(center_id, doc_id, word_embeds, doc_weights, topic_embeds):
  B = center_id.shape[0]
  info = plsc.get_sparse_core_info()
  nw = info.num_cores * info.num_subcores
  b_per_w = B // nw
  cid = center_id.reshape(B).astype(jnp.int32)
  did = doc_id.reshape(B).astype(jnp.int32)
  cboff, clane, corder = _sorted_bucket_inputs(cid, B)
  dboff, dlane, dorder = _sorted_bucket_inputs(did, B)
  wg = _sc_bucket_gather(cboff, clane, corder, word_embeds.T,
                         b_per_w=b_per_w, num_cores=info.num_cores)
  dg = _sc_bucket_gather(dboff, dlane, dorder, doc_weights.T,
                         b_per_w=b_per_w, num_cores=info.num_cores)
  return _tc_combine(wg, dg, topic_embeds)

# --- scband reference (transcript-rebuilt; emitter-appended) ---
"""Pipeline reference for scband-lda2vec-75385265979792 (READ-ONLY COPY).

The authoritative reference and input builder live on the scoring server;
editing this copy changes nothing except your own understanding.
"""

import jax, jax.numpy as jnp
import numpy as np

V = 1000000
NUM_DOCS = 100000
D = 64
T = 32
B = 16384

def _orthogonal_matrix(shape, seed=0):
    rng = np.random.RandomState(seed)
    M1 = rng.randn(shape[0], shape[0])
    M2 = rng.randn(shape[1], shape[1])
    Q1, R1 = np.linalg.qr(M1)
    Q2, R2 = np.linalg.qr(M2)
    Q1 = Q1 * np.sign(np.diag(R1))
    Q2 = Q2 * np.sign(np.diag(R2))
    n_min = min(shape[0], shape[1])
    return jnp.asarray(np.dot(Q1[:, :n_min], Q2[:n_min, :]), dtype=jnp.float32)

def setup_inputs(seed: int = 0) -> dict:
    key = jax.random.key(seed)
    k1, k2, k3, k4 = jax.random.split(key, 4)
    center_id = jax.random.randint(k1, (B, 1), 0, V, dtype=jnp.int64) if jax.config.jax_enable_x64 else jax.random.randint(k1, (B, 1), 0, V, dtype=jnp.int32)
    doc_id = jax.random.randint(k2, (B, 1), 0, NUM_DOCS, dtype=jnp.int32)
    word_embeds = jax.random.normal(k3, (V, D), dtype=jnp.float32)
    doc_weights = jax.random.normal(k4, (NUM_DOCS, T), dtype=jnp.float32) / np.sqrt(NUM_DOCS + T)
    topic_embeds = _orthogonal_matrix((T, D))
    return {"center_id": center_id, "doc_id": doc_id, "word_embeds": word_embeds, "doc_weights": doc_weights, "topic_embeds": topic_embeds}

def reference(center_id, doc_id, word_embeds, doc_weights, topic_embeds):
    c = center_id[:, 0]
    d = doc_id[:, 0]
    word_vecs = jnp.take(word_embeds, c, axis=0)            # [B, D] gather
    dw = jnp.take(doc_weights, d, axis=0)                   # [B, T] gather
    proportions = jax.nn.softmax(dw, axis=1)[:, :, None]    # [B, T, 1]
    topic_vecs = topic_embeds[None, :, :]                   # [1, T, D]
    doc_vecs = jnp.sum(proportions * topic_vecs, axis=1)    # [B, D]
    context_vecs = word_vecs + doc_vecs
    return context_vecs

if __name__ == "__main__":
    import jax
    _d = setup_inputs()
    print(jax.jit(kernel)(*tuple(_d.values())))

</pallas_src>

<mosaic_0001>
#map = affine_map<(d0, d1) -> (0)>
#map1 = affine_map<(d0, d1) -> (0, 0)>
module attributes {stable_mosaic.version = 14 : i64} {
  func.func @gather_k(%arg0: i32, %arg1: i32, %arg2: memref<16384xi32, #tpu.memory_space<hbm>>, %arg3: memref<16384xi32, #tpu.memory_space<hbm>>, %arg4: memref<128x128xi32, #tpu.memory_space<hbm>>, %arg5: memref<64x1000000xf32, #tpu.memory_space<hbm>>, %arg6: memref<16384x128xf32, #tpu.memory_space<hbm>>, %arg7: memref<512xi32, #tpu.memory_space<vmem>>, %arg8: memref<512xi32, #tpu.memory_space<vmem>>, %arg9: memref<4x128xi32, #tpu.memory_space<vmem>>, %arg10: memref<6x64x128xf32, #tpu.memory_space<vmem>>, %arg11: memref<512x128xf32, #tpu.memory_space<vmem>>, %arg12: memref<512xi32, #tpu.memory_space<smem>>, %arg13: memref<516xi32, #tpu.memory_space<smem>>, %arg14: memref<516xi32, #tpu.memory_space<smem>>, %arg15: memref<!tpu.dma_semaphore, #tpu.memory_space<semaphore_mem>>, %arg16: memref<!tpu.dma_semaphore, #tpu.memory_space<semaphore_mem>>) attributes {dimension_semantics = [#tpu.dimension_semantics<core_parallel>, #tpu.dimension_semantics<subcore_parallel>], iteration_bounds = array<i64: 2, 16>, scalar_prefetch = 0 : i64, scratch_operands = 10 : i64, tpu.core_type = #tpu.core_type<sc_vector_subcore>, window_params = [{transform_indices = #map}, {transform_indices = #map}, {transform_indices = #map1}, {transform_indices = #map1}, {transform_indices = #map1}]} {
    %mul3A = arith.constant 2 : i32
    %mul3A_0 = arith.muli %arg1, %mul3A : i32
    %add3A = arith.addi %mul3A_0, %arg0 : i32
    %mul3A_1 = arith.constant 512 : i32
    %mul3A_2 = arith.muli %add3A, %mul3A_1 : i32
    "tpu.region"() ({
      %run_scoped3A = tpu.sem_alloc : memref<!tpu.dma_semaphore, #tpu.memory_space<semaphore_mem>>
      %dma_start3A_141 = tpu.memref_slice %arg2[%mul3A_2] : memref<16384xi32, #tpu.memory_space<hbm>> -> memref<512xi32, #tpu.memory_space<hbm>>
      %dma_start3A_142 = tpu.memref_slice %arg2[%mul3A_2] : memref<16384xi32, #tpu.memory_space<hbm>> -> memref<512xi32, #tpu.memory_space<hbm>>
      tpu.enqueue_dma source(%dma_start3A_142 : memref<512xi32, #tpu.memory_space<hbm>>) target(%arg7 : memref<512xi32, #tpu.memory_space<vmem>>) target_semaphore(%run_scoped3A : memref<!tpu.dma_semaphore, #tpu.memory_space<semaphore_mem>>)
      %dma_wait3A_143 = tpu.memref_slice %arg2[%mul3A_2] : memref<16384xi32, #tpu.memory_space<hbm>> -> memref<512xi32, #tpu.memory_space<hbm>>
      %dma_wait3A_144 = tpu.memref_slice %arg2[%mul3A_2] : memref<16384xi32, #tpu.memory_space<hbm>> -> memref<512xi32, #tpu.memory_space<hbm>>
      tpu.wait_dma2 semaphore(%run_scoped3A : memref<!tpu.dma_semaphore, #tpu.memory_space<semaphore_mem>>) src(%dma_wait3A_144 : memref<512xi32, #tpu.memory_space<hbm>>) dst(%arg7 : memref<512xi32, #tpu.memory_space<vmem>>)
      tpu.yield
    }) : () -> ()
    "tpu.region"() ({
      %run_scoped3A = tpu.sem_alloc : memref<!tpu.dma_semaphore, #tpu.memory_space<semaphore_mem>>
      %dma_start3A_141 = tpu.memref_slice %arg3[%mul3A_2] : memref<16384xi32, #tpu.memory_space<hbm>> -> memref<512xi32, #tpu.memory_space<hbm>>
      %dma_start3A_142 = tpu.memref_slice %arg3[%mul3A_2] : memref<16384xi32, #tpu.memory_space<hbm>> -> memref<512xi32, #tpu.memory_space<hbm>>
      tpu.enqueue_dma source(%dma_start3A_142 : memref<512xi32, #tpu.memory_space<hbm>>) target(%arg8 : memref<512xi32, #tpu.memory_space<vmem>>) target_semaphore(%run_scoped3A : memref<!tpu.dma_semaphore, #tpu.memory_space<semaphore_mem>>)
      %dma_wait3A_143 = tpu.memref_slice %arg3[%mul3A_2] : memref<16384xi32, #tpu.memory_space<hbm>> -> memref<512xi32, #tpu.memory_space<hbm>>
      %dma_wait3A_144 = tpu.memref_slice %arg3[%mul3A_2] : memref<16384xi32, #tpu.memory_space<hbm>> -> memref<512xi32, #tpu.memory_space<hbm>>
      tpu.wait_dma2 semaphore(%run_scoped3A : memref<!tpu.dma_semaphore, #tpu.memory_space<semaphore_mem>>) src(%dma_wait3A_144 : memref<512xi32, #tpu.memory_space<hbm>>) dst(%arg8 : memref<512xi32, #tpu.memory_space<vmem>>)
      tpu.yield
    }) : () -> ()
    %mul3A_3 = arith.constant 4 : i32
    %mul3A_4 = arith.muli %add3A, %mul3A_3 : i32
    "tpu.region"() ({
      %run_scoped3A = tpu.sem_alloc : memref<!tpu.dma_semaphore, #tpu.memory_space<semaphore_mem>>
      %dma_start3A_141 = arith.constant 0 : i32
      %dma_start3A_142 = tpu.memref_slice %arg4[%mul3A_4, %dma_start3A_141] : memref<128x128xi32, #tpu.memory_space<hbm>> -> memref<4x128xi32, #tpu.memory_space<hbm>>
      %dma_start3A_143 = arith.constant 0 : i32
      %dma_start3A_144 = tpu.memref_slice %arg4[%mul3A_4, %dma_start3A_143] : memref<128x128xi32, #tpu.memory_space<hbm>> -> memref<4x128xi32, #tpu.memory_space<hbm>>
      tpu.enqueue_dma source(%dma_start3A_144 : memref<4x128xi32, #tpu.memory_space<hbm>>) target(%arg9 : memref<4x128xi32, #tpu.memory_space<vmem>>) target_semaphore(%run_scoped3A : memref<!tpu.dma_semaphore, #tpu.memory_space<semaphore_mem>>)
      %dma_wait3A_145 = arith.constant 0 : i32
      %dma_wait3A_146 = tpu.memref_slice %arg4[%mul3A_4, %dma_wait3A_145] : memref<128x128xi32, #tpu.memory_space<hbm>> -> memref<4x128xi32, #tpu.memory_space<hbm>>
      %dma_wait3A_147 = arith.constant 0 : i32
      %dma_wait3A_148 = tpu.memref_slice %arg4[%mul3A_4, %dma_wait3A_147] : memref<128x128xi32, #tpu.memory_space<hbm>> -> memref<4x128xi32, #tpu.memory_space<hbm>>
      tpu.wait_dma2 semaphore(%run_scoped3A : memref<!tpu.dma_semaphore, #tpu.memory_space<semaphore_mem>>) src(%dma_wait3A_148 : memref<4x128xi32, #tpu.memory_space<hbm>>) dst(%arg9 : memref<4x128xi32, #tpu.memory_space<vmem>>)
      tpu.yield
    }) : () -> ()
    %scan3A = arith.constant 0 : i32
    %scan3A_5 = arith.constant -1 : i32
    %scan3A_6 = arith.constant 0 : i32
    %scan3A_7 = arith.constant 32 : i32
    %scan3A_8 = arith.addi %scan3A_6, %scan3A_7 : i32
    %scan3A_9 = arith.constant 1 : i32
    %scan3A_10:2 = scf.for %scan3A_141 = %scan3A_6 to %scan3A_8 step %scan3A_9 iter_args(%scan3A_142 = %scan3A, %scan3A_143 = %scan3A_5) -> (i32, i32)  : i32 {
      %mul3A_144 = arith.constant 16 : i32
      %mul3A_145 = arith.muli %scan3A_141, %mul3A_144 : i32
      %get3A = arith.index_cast %mul3A_145 : i32 to index
      %get3A_146 = tpu.vector_load %arg7[%get3A] {strides = array<i32>} : memref<512xi32, #tpu.memory_space<vmem>>, vector<16xi32>,
      %mul3A_147 = arith.constant 16 : i32
      %mul3A_148 = arith.muli %scan3A_141, %mul3A_147 : i32
      %get3A_149 = arith.index_cast %mul3A_148 : i32 to index
      %get3A_150 = tpu.vector_load %arg8[%get3A_149] {strides = array<i32>} : memref<512xi32, #tpu.memory_space<vmem>>, vector<16xi32>,
      %mul3A_151 = arith.constant 16 : i32
      %mul3A_152 = arith.muli %scan3A_141, %mul3A_151 : i32
      %add3A_153 = arith.constant 0 : i32
      %add3A_154 = arith.addi %mul3A_152, %add3A_153 : i32
      %slice3A = vector.extract_strided_slice %get3A_146 {offsets = [0], sizes = [1], strides = [1]} : vector<16xi32> to vector<1xi32>
      %squeeze3A = vector.extract %slice3A[0] : i32 from vector<1xi32>
      %slice3A_155 = vector.extract_strided_slice %get3A_150 {offsets = [0], sizes = [1], strides = [1]} : vector<16xi32> to vector<1xi32>
      %squeeze3A_156 = vector.extract %slice3A_155[0] : i32 from vector<1xi32>
      %swap3A_157 = arith.index_cast %add3A_154 : i32 to index
      %swap3A_158 = memref.load %arg12[%swap3A_157] : memref<512xi32, #tpu.memory_space<smem>>
      memref.store %squeeze3A_156, %arg12[%swap3A_157] : memref<512xi32, #tpu.memory_space<smem>>
      %ne3A = arith.cmpi ne, %squeeze3A, %scan3A_143 : i32
      %convert_element_type3A_159 = arith.extui %ne3A : i1 to i32
      %cond3A_160 = arith.constant 0 : i32
      %cond3A_161 = arith.cmpi ne, %convert_element_type3A_159, %cond3A_160 : i32
      scf.if %cond3A_161 {
        %swap3A_419 = arith.index_cast %scan3A_142 : i32 to index
        %swap3A_420 = memref.load %arg13[%swap3A_419] : memref<516xi32, #tpu.memory_space<smem>>
        memref.store %squeeze3A, %arg13[%swap3A_419] : memref<516xi32, #tpu.memory_space<smem>>
        %swap3A_421 = arith.index_cast %scan3A_142 : i32 to index
        %swap3A_422 = memref.load %arg14[%swap3A_421] : memref<516xi32, #tpu.memory_space<smem>>
        memref.store %add3A_154, %arg14[%swap3A_421] : memref<516xi32, #tpu.memory_space<smem>>
      } else {
      }
      %add3A_162 = arith.constant 1 : i32
      %add3A_163 = arith.addi %scan3A_142, %add3A_162 : i32
      %select_n3A = arith.select %ne3A, %add3A_163, %scan3A_142 : i32
      %mul3A_164 = arith.constant 16 : i32
      %mul3A_165 = arith.muli %scan3A_141, %mul3A_164 : i32
      %add3A_166 = arith.constant 1 : i32
      %add3A_167 = arith.addi %mul3A_165, %add3A_166 : i32
      %slice3A_168 = vector.extract_strided_slice %get3A_146 {offsets = [1], sizes = [1], strides = [1]} : vector<16xi32> to vector<1xi32>
      %squeeze3A_169 = vector.extract %slice3A_168[0] : i32 from vector<1xi32>
      %slice3A_170 = vector.extract_strided_slice %get3A_150 {offsets = [1], sizes = [1], strides = [1]} : vector<16xi32> to vector<1xi32>
      %squeeze3A_171 = vector.extract %slice3A_170[0] : i32 from vector<1xi32>
      %swap3A_172 = arith.index_cast %add3A_167 : i32 to index
      %swap3A_173 = memref.load %arg12[%swap3A_172] : memref<512xi32, #tpu.memory_space<smem>>
      memref.store %squeeze3A_171, %arg12[%swap3A_172] : memref<512xi32, #tpu.memory_space<smem>>
      %ne3A_174 = arith.cmpi ne, %squeeze3A_169, %squeeze3A : i32
      %convert_element_type3A_175 = arith.extui %ne3A_174 : i1 to i32
      %cond3A_176 = arith.constant 0 : i32
      %cond3A_177 = arith.cmpi ne, %convert_element_type3A_175, %cond3A_176 : i32
      scf.if %cond3A_177 {
        %swap3A_419 = arith.index_cast %select_n3A : i32 to index
        %swap3A_420 = memref.load %arg13[%swap3A_419] : memref<516xi32, #tpu.memory_space<smem>>
        memref.store %squeeze3A_169, %arg13[%swap3A_419] : memref<516xi32, #tpu.memory_space<smem>>
        %swap3A_421 = arith.index_cast %select_n3A : i32 to index
        %swap3A_422 = memref.load %arg14[%swap3A_421] : memref<516xi32, #tpu.memory_space<smem>>
        memref.store %add3A_167, %arg14[%swap3A_421] : memref<516xi32, #tpu.memory_space<smem>>
      } else {
      }
      %add3A_178 = arith.constant 1 : i32
      %add3A_179 = arith.addi %select_n3A, %add3A_178 : i32
      %select_n3A_180 = arith.select %ne3A_174, %add3A_179, %select_n3A : i32
      %mul3A_181 = arith.constant 16 : i32
      %mul3A_182 = arith.muli %scan3A_141, %mul3A_181 : i32
      %add3A_183 = arith.constant 2 : i32
      %add3A_184 = arith.addi %mul3A_182, %add3A_183 : i32
      %slice3A_185 = vector.extract_strided_slice %get3A_146 {offsets = [2], sizes = [1], strides = [1]} : vector<16xi32> to vector<1xi32>
      %squeeze3A_186 = vector.extract %slice3A_185[0] : i32 from vector<1xi32>
      %slice3A_187 = vector.extract_strided_slice %get3A_150 {offsets = [2], sizes = [1], strides = [1]} : vector<16xi32> to vector<1xi32>
      %squeeze3A_188 = vector.extract %slice3A_187[0] : i32 from vector<1xi32>
      %swap3A_189 = arith.index_cast %add3A_184 : i32 to index
      %swap3A_190 = memref.load %arg12[%swap3A_189] : memref<512xi32, #tpu.memory_space<smem>>
      memref.store %squeeze3A_188, %arg12[%swap3A_189] : memref<512xi32, #tpu.memory_space<smem>>
      %ne3A_191 = arith.cmpi ne, %squeeze3A_186, %squeeze3A_169 : i32
      %convert_element_type3A_192 = arith.extui %ne3A_191 : i1 to i32
      %cond3A_193 = arith.constant 0 : i32
      %cond3A_194 = arith.cmpi ne, %convert_element_type3A_192, %cond3A_193 : i32
      scf.if %cond3A_194 {
        %swap3A_419 = arith.index_cast %select_n3A_180 : i32 to index
        %swap3A_420 = memref.load %arg13[%swap3A_419] : memref<516xi32, #tpu.memory_space<smem>>
        memref.store %squeeze3A_186, %arg13[%swap3A_419] : memref<516xi32, #tpu.memory_space<smem>>
        %swap3A_421 = arith.index_cast %select_n3A_180 : i32 to index
        %swap3A_422 = memref.load %arg14[%swap3A_421] : memref<516xi32, #tpu.memory_space<smem>>
        memref.store %add3A_184, %arg14[%swap3A_421] : memref<516xi32, #tpu.memory_space<smem>>
      } else {
      }
      %add3A_195 = arith.constant 1 : i32
      %add3A_196 = arith.addi %select_n3A_180, %add3A_195 : i32
      %select_n3A_197 = arith.select %ne3A_191, %add3A_196, %select_n3A_180 : i32
      %mul3A_198 = arith.constant 16 : i32
      %mul3A_199 = arith.muli %scan3A_141, %mul3A_198 : i32
      %add3A_200 = arith.constant 3 : i32
      %add3A_201 = arith.addi %mul3A_199, %add3A_200 : i32
      %slice3A_202 = vector.extract_strided_slice %get3A_146 {offsets = [3], sizes = [1], strides = [1]} : vector<16xi32> to vector<1xi32>
      %squeeze3A_203 = vector.extract %slice3A_202[0] : i32 from vector<1xi32>
      %slice3A_204 = vector.extract_strided_slice %get3A_150 {offsets = [3], sizes = [1], strides = [1]} : vector<16xi32> to vector<1xi32>
      %squeeze3A_205 = vector.extract %slice3A_204[0] : i32 from vector<1xi32>
      %swap3A_206 = arith.index_cast %add3A_201 : i32 to index
      %swap3A_207 = memref.load %arg12[%swap3A_206] : memref<512xi32, #tpu.memory_space<smem>>
      memref.store %squeeze3A_205, %arg12[%swap3A_206] : memref<512xi32, #tpu.memory_space<smem>>
      %ne3A_208 = arith.cmpi ne, %squeeze3A_203, %squeeze3A_186 : i32
      %convert_element_type3A_209 = arith.extui %ne3A_208 : i1 to i32
      %cond3A_210 = arith.constant 0 : i32
      %cond3A_211 = arith.cmpi ne, %convert_element_type3A_209, %cond3A_210 : i32
      scf.if %cond3A_211 {
        %swap3A_419 = arith.index_cast %select_n3A_197 : i32 to index
        %swap3A_420 = memref.load %arg13[%swap3A_419] : memref<516xi32, #tpu.memory_space<smem>>
        memref.store %squeeze3A_203, %arg13[%swap3A_419] : memref<516xi32, #tpu.memory_space<smem>>
        %swap3A_421 = arith.index_cast %select_n3A_197 : i32 to index
        %swap3A_422 = memref.load %arg14[%swap3A_421] : memref<516xi32, #tpu.memory_space<smem>>
        memref.store %add3A_201, %arg14[%swap3A_421] : memref<516xi32, #tpu.memory_space<smem>>
      } else {
      }
      %add3A_212 = arith.constant 1 : i32
      %add3A_213 = arith.addi %select_n3A_197, %add3A_212 : i32
      %select_n3A_214 = arith.select %ne3A_208, %add3A_213, %select_n3A_197 : i32
      %mul3A_215 = arith.constant 16 : i32
      %mul3A_216 = arith.muli %scan3A_141, %mul3A_215 : i32
      %add3A_217 = arith.constant 4 : i32
      %add3A_218 = arith.addi %mul3A_216, %add3A_217 : i32
      %slice3A_219 = vector.extract_strided_slice %get3A_146 {offsets = [4], sizes = [1], strides = [1]} : vector<16xi32> to vector<1xi32>
      %squeeze3A_220 = vector.extract %slice3A_219[0] : i32 from vector<1xi32>
      %slice3A_221 = vector.extract_strided_slice %get3A_150 {offsets = [4], sizes = [1], strides = [1]} : vector<16xi32> to vector<1xi32>
      %squeeze3A_222 = vector.extract %slice3A_221[0] : i32 from vector<1xi32>
      %swap3A_223 = arith.index_cast %add3A_218 : i32 to index
      %swap3A_224 = memref.load %arg12[%swap3A_223] : memref<512xi32, #tpu.memory_space<smem>>
      memref.store %squeeze3A_222, %arg12[%swap3A_223] : memref<512xi32, #tpu.memory_space<smem>>
      %ne3A_225 = arith.cmpi ne, %squeeze3A_220, %squeeze3A_203 : i32
      %convert_element_type3A_226 = arith.extui %ne3A_225 : i1 to i32
      %cond3A_227 = arith.constant 0 : i32
      %cond3A_228 = arith.cmpi ne, %convert_element_type3A_226, %cond3A_227 : i32
      scf.if %cond3A_228 {
        %swap3A_419 = arith.index_cast %select_n3A_214 : i32 to index
        %swap3A_420 = memref.load %arg13[%swap3A_419] : memref<516xi32, #tpu.memory_space<smem>>
        memref.store %squeeze3A_220, %arg13[%swap3A_419] : memref<516xi32, #tpu.memory_space<smem>>
        %swap3A_421 = arith.index_cast %select_n3A_214 : i32 to index
        %swap3A_422 = memref.load %arg14[%swap3A_421] : memref<516xi32, #tpu.memory_space<smem>>
        memref.store %add3A_218, %arg14[%swap3A_421] : memref<516xi32, #tpu.memory_space<smem>>
      } else {
      }
      %add3A_229 = arith.constant 1 : i32
      %add3A_230 = arith.addi %select_n3A_214, %add3A_229 : i32
      %select_n3A_231 = arith.select %ne3A_225, %add3A_230, %select_n3A_214 : i32
      %mul3A_232 = arith.constant 16 : i32
      %mul3A_233 = arith.muli %scan3A_141, %mul3A_232 : i32
      %add3A_234 = arith.constant 5 : i32
      %add3A_235 = arith.addi %mul3A_233, %add3A_234 : i32
      %slice3A_236 = vector.extract_strided_slice %get3A_146 {offsets = [5], sizes = [1], strides = [1]} : vector<16xi32> to vector<1xi32>
      %squeeze3A_237 = vector.extract %slice3A_236[0] : i32 from vector<1xi32>
      %slice3A_238 = vector.extract_strided_slice %get3A_150 {offsets = [5], sizes = [1], strides = [1]} : vector<16xi32> to vector<1xi32>
      %squeeze3A_239 = vector.extract %slice3A_238[0] : i32 from vector<1xi32>
      %swap3A_240 = arith.index_cast %add3A_235 : i32 to index
      %swap3A_241 = memref.load %arg12[%swap3A_240] : memref<512xi32, #tpu.memory_space<smem>>
      memref.store %squeeze3A_239, %arg12[%swap3A_240] : memref<512xi32, #tpu.memory_space<smem>>
      %ne3A_242 = arith.cmpi ne, %squeeze3A_237, %squeeze3A_220 : i32
      %convert_element_type3A_243 = arith.extui %ne3A_242 : i1 to i32
      %cond3A_244 = arith.constant 0 : i32
      %cond3A_245 = arith.cmpi ne, %convert_element_type3A_243, %cond3A_244 : i32
      scf.if %cond3A_245 {
        %swap3A_419 = arith.index_cast %select_n3A_231 : i32 to index
        %swap3A_420 = memref.load %arg13[%swap3A_419] : memref<516xi32, #tpu.memory_space<smem>>
        memref.store %squeeze3A_237, %arg13[%swap3A_419] : memref<516xi32, #tpu.memory_space<smem>>
        %swap3A_421 = arith.index_cast %select_n3A_231 : i32 to index
        %swap3A_422 = memref.load %arg14[%swap3A_421] : memref<516xi32, #tpu.memory_space<smem>>
        memref.store %add3A_235, %arg14[%swap3A_421] : memref<516xi32, #tpu.memory_space<smem>>
      } else {
      }
      %add3A_246 = arith.constant 1 : i32
      %add3A_247 = arith.addi %select_n3A_231, %add3A_246 : i32
      %select_n3A_248 = arith.select %ne3A_242, %add3A_247, %select_n3A_231 : i32
      %mul3A_249 = arith.constant 16 : i32
      %mul3A_250 = arith.muli %scan3A_141, %mul3A_249 : i32
      %add3A_251 = arith.constant 6 : i32
      %add3A_252 = arith.addi %mul3A_250, %add3A_251 : i32
      %slice3A_253 = vector.extract_strided_slice %get3A_146 {offsets = [6], sizes = [1], strides = [1]} : vector<16xi32> to vector<1xi32>
      %squeeze3A_254 = vector.extract %slice3A_253[0] : i32 from vector<1xi32>
      %slice3A_255 = vector.extract_strided_slice %get3A_150 {offsets = [6], sizes = [1], strides = [1]} : vector<16xi32> to vector<1xi32>
      %squeeze3A_256 = vector.extract %slice3A_255[0] : i32 from vector<1xi32>
      %swap3A_257 = arith.index_cast %add3A_252 : i32 to index
      %swap3A_258 = memref.load %arg12[%swap3A_257] : memref<512xi32, #tpu.memory_space<smem>>
      memref.store %squeeze3A_256, %arg12[%swap3A_257] : memref<512xi32, #tpu.memory_space<smem>>
      %ne3A_259 = arith.cmpi ne, %squeeze3A_254, %squeeze3A_237 : i32
      %convert_element_type3A_260 = arith.extui %ne3A_259 : i1 to i32
      %cond3A_261 = arith.constant 0 : i32
      %cond3A_262 = arith.cmpi ne, %convert_element_type3A_260, %cond3A_261 : i32
      scf.if %cond3A_262 {
        %swap3A_419 = arith.index_cast %select_n3A_248 : i32 to index
        %swap3A_420 = memref.load %arg13[%swap3A_419] : memref<516xi32, #tpu.memory_space<smem>>
        memref.store %squeeze3A_254, %arg13[%swap3A_419] : memref<516xi32, #tpu.memory_space<smem>>
        %swap3A_421 = arith.index_cast %select_n3A_248 : i32 to index
        %swap3A_422 = memref.load %arg14[%swap3A_421] : memref<516xi32, #tpu.memory_space<smem>>
        memref.store %add3A_252, %arg14[%swap3A_421] : memref<516xi32, #tpu.memory_space<smem>>
      } else {
      }
      %add3A_263 = arith.constant 1 : i32
      %add3A_264 = arith.addi %select_n3A_248, %add3A_263 : i32
      %select_n3A_265 = arith.select %ne3A_259, %add3A_264, %select_n3A_248 : i32
      %mul3A_266 = arith.constant 16 : i32
      %mul3A_267 = arith.muli %scan3A_141, %mul3A_266 : i32
      %add3A_268 = arith.constant 7 : i32
      %add3A_269 = arith.addi %mul3A_267, %add3A_268 : i32
      %slice3A_270 = vector.extract_strided_slice %get3A_146 {offsets = [7], sizes = [1], strides = [1]} : vector<16xi32> to vector<1xi32>
      %squeeze3A_271 = vector.extract %slice3A_270[0] : i32 from vector<1xi32>
      %slice3A_272 = vector.extract_strided_slice %get3A_150 {offsets = [7], sizes = [1], strides = [1]} : vector<16xi32> to vector<1xi32>
      %squeeze3A_273 = vector.extract %slice3A_272[0] : i32 from vector<1xi32>
      %swap3A_274 = arith.index_cast %add3A_269 : i32 to index
      %swap3A_275 = memref.load %arg12[%swap3A_274] : memref<512xi32, #tpu.memory_space<smem>>
      memref.store %squeeze3A_273, %arg12[%swap3A_274] : memref<512xi32, #tpu.memory_space<smem>>
      %ne3A_276 = arith.cmpi ne, %squeeze3A_271, %squeeze3A_254 : i32
      %convert_element_type3A_277 = arith.extui %ne3A_276 : i1 to i32
      %cond3A_278 = arith.constant 0 : i32
      %cond3A_279 = arith.cmpi ne, %convert_element_type3A_277, %cond3A_278 : i32
      scf.if %cond3A_279 {
        %swap3A_419 = arith.index_cast %select_n3A_265 : i32 to index
        %swap3A_420 = memref.load %arg13[%swap3A_419] : memref<516xi32, #tpu.memory_space<smem>>
        memref.store %squeeze3A_271, %arg13[%swap3A_419] : memref<516xi32, #tpu.memory_space<smem>>
        %swap3A_421 = arith.index_cast %select_n3A_265 : i32 to index
        %swap3A_422 = memref.load %arg14[%swap3A_421] : memref<516xi32, #tpu.memory_space<smem>>
        memref.store %add3A_269, %arg14[%swap3A_421] : memref<516xi32, #tpu.memory_space<smem>>
      } else {
      }
      %add3A_280 = arith.constant 1 : i32
      %add3A_281 = arith.addi %select_n3A_265, %add3A_280 : i32
      %select_n3A_282 = arith.select %ne3A_276, %add3A_281, %select_n3A_265 : i32
      %mul3A_283 = arith.constant 16 : i32
      %mul3A_284 = arith.muli %scan3A_141, %mul3A_283 : i32
      %add3A_285 = arith.constant 8 : i32
      %add3A_286 = arith.addi %mul3A_284, %add3A_285 : i32
      %slice3A_287 = vector.extract_strided_slice %get3A_146 {offsets = [8], sizes = [1], strides = [1]} : vector<16xi32> to vector<1xi32>
      %squeeze3A_288 = vector.extract %slice3A_287[0] : i32 from vector<1xi32>
      %slice3A_289 = vector.extract_strided_slice %get3A_150 {offsets = [8], sizes = [1], strides = [1]} : vector<16xi32> to vector<1xi32>
      %squeeze3A_290 = vector.extract %slice3A_289[0] : i32 from vector<1xi32>
      %swap3A_291 = arith.index_cast %add3A_286 : i32 to index
      %swap3A_292 = memref.load %arg12[%swap3A_291] : memref<512xi32, #tpu.memory_space<smem>>
      memref.store %squeeze3A_290, %arg12[%swap3A_291] : memref<512xi32, #tpu.memory_space<smem>>
      %ne3A_293 = arith.cmpi ne, %squeeze3A_288, %squeeze3A_271 : i32
      %convert_element_type3A_294 = arith.extui %ne3A_293 : i1 to i32
      %cond3A_295 = arith.constant 0 : i32
      %cond3A_296 = arith.cmpi ne, %convert_element_type3A_294, %cond3A_295 : i32
      scf.if %cond3A_296 {
        %swap3A_419 = arith.index_cast %select_n3A_282 : i32 to index
        %swap3A_420 = memref.load %arg13[%swap3A_419] : memref<516xi32, #tpu.memory_space<smem>>
        memref.store %squeeze3A_288, %arg13[%swap3A_419] : memref<516xi32, #tpu.memory_space<smem>>
        %swap3A_421 = arith.index_cast %select_n3A_282 : i32 to index
        %swap3A_422 = memref.load %arg14[%swap3A_421] : memref<516xi32, #tpu.memory_space<smem>>
        memref.store %add3A_286, %arg14[%swap3A_421] : memref<516xi32, #tpu.memory_space<smem>>
      } else {
      }
      %add3A_297 = arith.constant 1 : i32
      %add3A_298 = arith.addi %select_n3A_282, %add3A_297 : i32
      %select_n3A_299 = arith.select %ne3A_293, %add3A_298, %select_n3A_282 : i32
      %mul3A_300 = arith.constant 16 : i32
      %mul3A_301 = arith.muli %scan3A_141, %mul3A_300 : i32
      %add3A_302 = arith.constant 9 : i32
      %add3A_303 = arith.addi %mul3A_301, %add3A_302 : i32
      %slice3A_304 = vector.extract_strided_slice %get3A_146 {offsets = [9], sizes = [1], strides = [1]} : vector<16xi32> to vector<1xi32>
      %squeeze3A_305 = vector.extract %slice3A_304[0] : i32 from vector<1xi32>
      %slice3A_306 = vector.extract_strided_slice %get3A_150 {offsets = [9], sizes = [1], strides = [1]} : vector<16xi32> to vector<1xi32>
      %squeeze3A_307 = vector.extract %slice3A_306[0] : i32 from vector<1xi32>
      %swap3A_308 = arith.index_cast %add3A_303 : i32 to index
      %swap3A_309 = memref.load %arg12[%swap3A_308] : memref<512xi32, #tpu.memory_space<smem>>
      memref.store %squeeze3A_307, %arg12[%swap3A_308] : memref<512xi32, #tpu.memory_space<smem>>
      %ne3A_310 = arith.cmpi ne, %squeeze3A_305, %squeeze3A_288 : i32
      %convert_element_type3A_311 = arith.extui %ne3A_310 : i1 to i32
      %cond3A_312 = arith.constant 0 : i32
      %cond3A_313 = arith.cmpi ne, %convert_element_type3A_311, %cond3A_312 : i32
      scf.if %cond3A_313 {
        %swap3A_419 = arith.index_cast %select_n3A_299 : i32 to index
        %swap3A_420 = memref.load %arg13[%swap3A_419] : memref<516xi32, #tpu.memory_space<smem>>
        memref.store %squeeze3A_305, %arg13[%swap3A_419] : memref<516xi32, #tpu.memory_space<smem>>
        %swap3A_421 = arith.index_cast %select_n3A_299 : i32 to index
        %swap3A_422 = memref.load %arg14[%swap3A_421] : memref<516xi32, #tpu.memory_space<smem>>
        memref.store %add3A_303, %arg14[%swap3A_421] : memref<516xi32, #tpu.memory_space<smem>>
      } else {
      }
      %add3A_314 = arith.constant 1 : i32
      %add3A_315 = arith.addi %select_n3A_299, %add3A_314 : i32
      %select_n3A_316 = arith.select %ne3A_310, %add3A_315, %select_n3A_299 : i32
      %mul3A_317 = arith.constant 16 : i32
      %mul3A_318 = arith.muli %scan3A_141, %mul3A_317 : i32
      %add3A_319 = arith.constant 10 : i32
      %add3A_320 = arith.addi %mul3A_318, %add3A_319 : i32
      %slice3A_321 = vector.extract_strided_slice %get3A_146 {offsets = [10], sizes = [1], strides = [1]} : vector<16xi32> to vector<1xi32>
      %squeeze3A_322 = vector.extract %slice3A_321[0] : i32 from vector<1xi32>
      %slice3A_323 = vector.extract_strided_slice %get3A_150 {offsets = [10], sizes = [1], strides = [1]} : vector<16xi32> to vector<1xi32>
      %squeeze3A_324 = vector.extract %slice3A_323[0] : i32 from vector<1xi32>
      %swap3A_325 = arith.index_cast %add3A_320 : i32 to index
      %swap3A_326 = memref.load %arg12[%swap3A_325] : memref<512xi32, #tpu.memory_space<smem>>
      memref.store %squeeze3A_324, %arg12[%swap3A_325] : memref<512xi32, #tpu.memory_space<smem>>
      %ne3A_327 = arith.cmpi ne, %squeeze3A_322, %squeeze3A_305 : i32
      %convert_element_type3A_328 = arith.extui %ne3A_327 : i1 to i32
      %cond3A_329 = arith.constant 0 : i32
      %cond3A_330 = arith.cmpi ne, %convert_element_type3A_328, %cond3A_329 : i32
      scf.if %cond3A_330 {
        %swap3A_419 = arith.index_cast %select_n3A_316 : i32 to index
        %swap3A_420 = memref.load %arg13[%swap3A_419] : memref<516xi32, #tpu.memory_space<smem>>
        memref.store %squeeze3A_322, %arg13[%swap3A_419] : memref<516xi32, #tpu.memory_space<smem>>
        %swap3A_421 = arith.index_cast %select_n3A_316 : i32 to index
        %swap3A_422 = memref.load %arg14[%swap3A_421] : memref<516xi32, #tpu.memory_space<smem>>
        memref.store %add3A_320, %arg14[%swap3A_421] : memref<516xi32, #tpu.memory_space<smem>>
      } else {
      }
      %add3A_331 = arith.constant 1 : i32
      %add3A_332 = arith.addi %select_n3A_316, %add3A_331 : i32
      %select_n3A_333 = arith.select %ne3A_327, %add3A_332, %select_n3A_316 : i32
      %mul3A_334 = arith.constant 16 : i32
      %mul3A_335 = arith.muli %scan3A_141, %mul3A_334 : i32
      %add3A_336 = arith.constant 11 : i32
      %add3A_337 = arith.addi %mul3A_335, %add3A_336 : i32
      %slice3A_338 = vector.extract_strided_slice %get3A_146 {offsets = [11], sizes = [1], strides = [1]} : vector<16xi32> to vector<1xi32>
      %squeeze3A_339 = vector.extract %slice3A_338[0] : i32 from vector<1xi32>
      %slice3A_340 = vector.extract_strided_slice %get3A_150 {offsets = [11], sizes = [1], strides = [1]} : vector<16xi32> to vector<1xi32>
      %squeeze3A_341 = vector.extract %slice3A_340[0] : i32 from vector<1xi32>
      %swap3A_342 = arith.index_cast %add3A_337 : i32 to index
      %swap3A_343 = memref.load %arg12[%swap3A_342] : memref<512xi32, #tpu.memory_space<smem>>
      memref.store %squeeze3A_341, %arg12[%swap3A_342] : memref<512xi32, #tpu.memory_space<smem>>
      %ne3A_344 = arith.cmpi ne, %squeeze3A_339, %squeeze3A_322 : i32
      %convert_element_type3A_345 = arith.extui %ne3A_344 : i1 to i32
      %cond3A_346 = arith.constant 0 : i32
      %cond3A_347 = arith.cmpi ne, %convert_element_type3A_345, %cond3A_346 : i32
      scf.if %cond3A_347 {
        %swap3A_419 = arith.index_cast %select_n3A_333 : i32 to index
        %swap3A_420 = memref.load %arg13[%swap3A_419] : memref<516xi32, #tpu.memory_space<smem>>
        memref.store %squeeze3A_339, %arg13[%swap3A_419] : memref<516xi32, #tpu.memory_space<smem>>
        %swap3A_421 = arith.index_cast %select_n3A_333 : i32 to index
        %swap3A_422 = memref.load %arg14[%swap3A_421] : memref<516xi32, #tpu.memory_space<smem>>
        memref.store %add3A_337, %arg14[%swap3A_421] : memref<516xi32, #tpu.memory_space<smem>>
      } else {
      }
      %add3A_348 = arith.constant 1 : i32
      %add3A_349 = arith.addi %select_n3A_333, %add3A_348 : i32
      %select_n3A_350 = arith.select %ne3A_344, %add3A_349, %select_n3A_333 : i32
      %mul3A_351 = arith.constant 16 : i32
      %mul3A_352 = arith.muli %scan3A_141, %mul3A_351 : i32
      %add3A_353 = arith.constant 12 : i32
      %add3A_354 = arith.addi %mul3A_352, %add3A_353 : i32
      %slice3A_355 = vector.extract_strided_slice %get3A_146 {offsets = [12], sizes = [1], strides = [1]} : vector<16xi32> to vector<1xi32>
      %squeeze3A_356 = vector.extract %slice3A_355[0] : i32 from vector<1xi32>
      %slice3A_357 = vector.extract_strided_slice %get3A_150 {offsets = [12], sizes = [1], strides = [1]} : vector<16xi32> to vector<1xi32>
      %squeeze3A_358 = vector.extract %slice3A_357[0] : i32 from vector<1xi32>
      %swap3A_359 = arith.index_cast %add3A_354 : i32 to index
      %swap3A_360 = memref.load %arg12[%swap3A_359] : memref<512xi32, #tpu.memory_space<smem>>
      memref.store %squeeze3A_358, %arg12[%swap3A_359] : memref<512xi32, #tpu.memory_space<smem>>
      %ne3A_361 = arith.cmpi ne, %squeeze3A_356, %squeeze3A_339 : i32
      %convert_element_type3A_362 = arith.extui %ne3A_361 : i1 to i32
      %cond3A_363 = arith.constant 0 : i32
      %cond3A_364 = arith.cmpi ne, %convert_element_type3A_362, %cond3A_363 : i32
      scf.if %cond3A_364 {
        %swap3A_419 = arith.index_cast %select_n3A_350 : i32 to index
        %swap3A_420 = memref.load %arg13[%swap3A_419] : memref<516xi32, #tpu.memory_space<smem>>
        memref.store %squeeze3A_356, %arg13[%swap3A_419] : memref<516xi32, #tpu.memory_space<smem>>
        %swap3A_421 = arith.index_cast %select_n3A_350 : i32 to index
        %swap3A_422 = memref.load %arg14[%swap3A_421] : memref<516xi32, #tpu.memory_space<smem>>
        memref.store %add3A_354, %arg14[%swap3A_421] : memref<516xi32, #tpu.memory_space<smem>>
      } else {
      }
      %add3A_365 = arith.constant 1 : i32
      %add3A_366 = arith.addi %select_n3A_350, %add3A_365 : i32
      %select_n3A_367 = arith.select %ne3A_361, %add3A_366, %select_n3A_350 : i32
      %mul3A_368 = arith.constant 16 : i32
      %mul3A_369 = arith.muli %scan3A_141, %mul3A_368 : i32
      %add3A_370 = arith.constant 13 : i32
      %add3A_371 = arith.addi %mul3A_369, %add3A_370 : i32
      %slice3A_372 = vector.extract_strided_slice %get3A_146 {offsets = [13], sizes = [1], strides = [1]} : vector<16xi32> to vector<1xi32>
      %squeeze3A_373 = vector.extract %slice3A_372[0] : i32 from vector<1xi32>
      %slice3A_374 = vector.extract_strided_slice %get3A_150 {offsets = [13], sizes = [1], strides = [1]} : vector<16xi32> to vector<1xi32>
      %squeeze3A_375 = vector.extract %slice3A_374[0] : i32 from vector<1xi32>
      %swap3A_376 = arith.index_cast %add3A_371 : i32 to index
      %swap3A_377 = memref.load %arg12[%swap3A_376] : memref<512xi32, #tpu.memory_space<smem>>
      memref.store %squeeze3A_375, %arg12[%swap3A_376] : memref<512xi32, #tpu.memory_space<smem>>
      %ne3A_378 = arith.cmpi ne, %squeeze3A_373, %squeeze3A_356 : i32
      %convert_element_type3A_379 = arith.extui %ne3A_378 : i1 to i32
      %cond3A_380 = arith.constant 0 : i32
      %cond3A_381 = arith.cmpi ne, %convert_element_type3A_379, %cond3A_380 : i32
      scf.if %cond3A_381 {
        %swap3A_419 = arith.index_cast %select_n3A_367 : i32 to index
        %swap3A_420 = memref.load %arg13[%swap3A_419] : memref<516xi32, #tpu.memory_space<smem>>
        memref.store %squeeze3A_373, %arg13[%swap3A_419] : memref<516xi32, #tpu.memory_space<smem>>
        %swap3A_421 = arith.index_cast %select_n3A_367 : i32 to index
        %swap3A_422 = memref.load %arg14[%swap3A_421] : memref<516xi32, #tpu.memory_space<smem>>
        memref.store %add3A_371, %arg14[%swap3A_421] : memref<516xi32, #tpu.memory_space<smem>>
      } else {
      }
      %add3A_382 = arith.constant 1 : i32
      %add3A_383 = arith.addi %select_n3A_367, %add3A_382 : i32
      %select_n3A_384 = arith.select %ne3A_378, %add3A_383, %select_n3A_367 : i32
      %mul3A_385 = arith.constant 16 : i32
      %mul3A_386 = arith.muli %scan3A_141, %mul3A_385 : i32
      %add3A_387 = arith.constant 14 : i32
      %add3A_388 = arith.addi %mul3A_386, %add3A_387 : i32
      %slice3A_389 = vector.extract_strided_slice %get3A_146 {offsets = [14], sizes = [1], strides = [1]} : vector<16xi32> to vector<1xi32>
      %squeeze3A_390 = vector.extract %slice3A_389[0] : i32 from vector<1xi32>
      %slice3A_391 = vector.extract_strided_slice %get3A_150 {offsets = [14], sizes = [1], strides = [1]} : vector<16xi32> to vector<1xi32>
      %squeeze3A_392 = vector.extract %slice3A_391[0] : i32 from vector<1xi32>
      %swap3A_393 = arith.index_cast %add3A_388 : i32 to index
      %swap3A_394 = memref.load %arg12[%swap3A_393] : memref<512xi32, #tpu.memory_space<smem>>
      memref.store %squeeze3A_392, %arg12[%swap3A_393] : memref<512xi32, #tpu.memory_space<smem>>
      %ne3A_395 = arith.cmpi ne, %squeeze3A_390, %squeeze3A_373 : i32
      %convert_element_type3A_396 = arith.extui %ne3A_395 : i1 to i32
      %cond3A_397 = arith.constant 0 : i32
      %cond3A_398 = arith.cmpi ne, %convert_element_type3A_396, %cond3A_397 : i32
      scf.if %cond3A_398 {
        %swap3A_419 = arith.index_cast %select_n3A_384 : i32 to index
        %swap3A_420 = memref.load %arg13[%swap3A_419] : memref<516xi32, #tpu.memory_space<smem>>
        memref.store %squeeze3A_390, %arg13[%swap3A_419] : memref<516xi32, #tpu.memory_space<smem>>
        %swap3A_421 = arith.index_cast %select_n3A_384 : i32 to index
        %swap3A_422 = memref.load %arg14[%swap3A_421] : memref<516xi32, #tpu.memory_space<smem>>
        memref.store %add3A_388, %arg14[%swap3A_421] : memref<516xi32, #tpu.memory_space<smem>>
      } else {
      }
      %add3A_399 = arith.constant 1 : i32
      %add3A_400 = arith.addi %select_n3A_384, %add3A_399 : i32
      %select_n3A_401 = arith.select %ne3A_395, %add3A_400, %select_n3A_384 : i32
      %mul3A_402 = arith.constant 16 : i32
      %mul3A_403 = arith.muli %scan3A_141, %mul3A_402 : i32
      %add3A_404 = arith.constant 15 : i32
      %add3A_405 = arith.addi %mul3A_403, %add3A_404 : i32
      %slice3A_406 = vector.extract_strided_slice %get3A_146 {offsets = [15], sizes = [1], strides = [1]} : vector<16xi32> to vector<1xi32>
      %squeeze3A_407 = vector.extract %slice3A_406[0] : i32 from vector<1xi32>
      %slice3A_408 = vector.extract_strided_slice %get3A_150 {offsets = [15], sizes = [1], strides = [1]} : vector<16xi32> to vector<1xi32>
      %squeeze3A_409 = vector.extract %slice3A_408[0] : i32 from vector<1xi32>
      %swap3A_410 = arith.index_cast %add3A_405 : i32 to index
      %swap3A_411 = memref.load %arg12[%swap3A_410] : memref<512xi32, #tpu.memory_space<smem>>
      memref.store %squeeze3A_409, %arg12[%swap3A_410] : memref<512xi32, #tpu.memory_space<smem>>
      %ne3A_412 = arith.cmpi ne, %squeeze3A_407, %squeeze3A_390 : i32
      %convert_element_type3A_413 = arith.extui %ne3A_412 : i1 to i32
      %cond3A_414 = arith.constant 0 : i32
      %cond3A_415 = arith.cmpi ne, %convert_element_type3A_413, %cond3A_414 : i32
      scf.if %cond3A_415 {
        %swap3A_419 = arith.index_cast %select_n3A_401 : i32 to index
        %swap3A_420 = memref.load %arg13[%swap3A_419] : memref<516xi32, #tpu.memory_space<smem>>
        memref.store %squeeze3A_407, %arg13[%swap3A_419] : memref<516xi32, #tpu.memory_space<smem>>
        %swap3A_421 = arith.index_cast %select_n3A_401 : i32 to index
        %swap3A_422 = memref.load %arg14[%swap3A_421] : memref<516xi32, #tpu.memory_space<smem>>
        memref.store %add3A_405, %arg14[%swap3A_421] : memref<516xi32, #tpu.memory_space<smem>>
      } else {
      }
      %add3A_416 = arith.constant 1 : i32
      %add3A_417 = arith.addi %select_n3A_401, %add3A_416 : i32
      %select_n3A_418 = arith.select %ne3A_412, %add3A_417, %select_n3A_401 : i32
      scf.yield %select_n3A_418, %squeeze3A_407 : i32, i32
    }
    %scan3A_11 = arith.constant 32 : i32
    %swap3A = arith.constant 512 : i32
    %swap3A_12 = arith.index_cast %scan3A_10#0 : i32 to index
    %swap3A_13 = memref.load %arg14[%swap3A_12] : memref<516xi32, #tpu.memory_space<smem>>
    memref.store %swap3A, %arg14[%swap3A_12] : memref<516xi32, #tpu.memory_space<smem>>
    %gt3A = arith.constant 0 : i32
    %gt3A_14 = arith.cmpi sgt, %scan3A_10#0, %gt3A : i32
    %convert_element_type3A = arith.extui %gt3A_14 : i1 to i32
    %cond3A = arith.constant 0 : i32
    %cond3A_15 = arith.cmpi ne, %convert_element_type3A, %cond3A : i32
    scf.if %cond3A_15 {
      %get3A = arith.constant 0 : i32
      %get3A_141 = arith.index_cast %get3A : i32 to index
      %get3A_142 = memref.load %arg13[%get3A_141] : memref<516xi32, #tpu.memory_space<smem>>
      %multiple_of3A = tpu.assume_multiple %get3A_142, 128 : i32
      %dma_start3A_143 = arith.constant 0 : i32
      %dma_start3A_144 = arith.constant 0 : i32
      %dma_start3A_145 = arith.constant 0 : i32
      %dma_start3A_146 = tpu.memref_slice %arg10[%dma_start3A_143, %dma_start3A_144, %dma_start3A_145] : memref<6x64x128xf32, #tpu.memory_space<vmem>> -> memref<1x64x128xf32, #tpu.memory_space<vmem>>
      %dma_start3A_147 = tpu.memref_squeeze %dma_start3A_146 : memref<1x64x128xf32, #tpu.memory_space<vmem>> -> memref<64x128xf32, #tpu.memory_space<vmem>>
      %dma_start3A_148 = arith.constant 0 : i32
      %dma_start3A_149 = tpu.memref_slice %arg5[%dma_start3A_148, %multiple_of3A] : memref<64x1000000xf32, #tpu.memory_space<hbm>> -> memref<64x128xf32, #tpu.memory_space<hbm>>
      %dma_start3A_150 = arith.constant 0 : i32
      %dma_start3A_151 = arith.constant 0 : i32
      %dma_start3A_152 = tpu.memref_slice %arg10[%dma_start3A_143, %dma_start3A_150, %dma_start3A_151] : memref<6x64x128xf32, #tpu.memory_space<vmem>> -> memref<1x64x128xf32, #tpu.memory_space<vmem>>
      %dma_start3A_153 = tpu.memref_squeeze %dma_start3A_152 : memref<1x64x128xf32, #tpu.memory_space<vmem>> -> memref<64x128xf32, #tpu.memory_space<vmem>>
      %dma_start3A_154 = arith.constant 0 : i32
      %dma_start3A_155 = tpu.memref_slice %arg5[%dma_start3A_154, %multiple_of3A] : memref<64x1000000xf32, #tpu.memory_space<hbm>> -> memref<64x128xf32, #tpu.memory_space<hbm>>
      tpu.enqueue_dma source(%dma_start3A_155 : memref<64x128xf32, #tpu.memory_space<hbm>>) target(%dma_start3A_153 : memref<64x128xf32, #tpu.memory_space<vmem>>) target_semaphore(%arg15 : memref<!tpu.dma_semaphore, #tpu.memory_space<semaphore_mem>>)
    } else {
    }
    %gt3A_16 = arith.constant 1 : i32
    %gt3A_17 = arith.cmpi sgt, %scan3A_10#0, %gt3A_16 : i32
    %convert_element_type3A_18 = arith.extui %gt3A_17 : i1 to i32
    %cond3A_19 = arith.constant 0 : i32
    %cond3A_20 = arith.cmpi ne, %convert_element_type3A_18, %cond3A_19 : i32
    scf.if %cond3A_20 {
      %get3A = arith.constant 1 : i32
      %get3A_141 = arith.index_cast %get3A : i32 to index
      %get3A_142 = memref.load %arg13[%get3A_141] : memref<516xi32, #tpu.memory_space<smem>>
      %multiple_of3A = tpu.assume_multiple %get3A_142, 128 : i32
      %dma_start3A_143 = arith.constant 1 : i32
      %dma_start3A_144 = arith.constant 0 : i32
      %dma_start3A_145 = arith.constant 0 : i32
      %dma_start3A_146 = tpu.memref_slice %arg10[%dma_start3A_143, %dma_start3A_144, %dma_start3A_145] : memref<6x64x128xf32, #tpu.memory_space<vmem>> -> memref<1x64x128xf32, #tpu.memory_space<vmem>>
      %dma_start3A_147 = tpu.memref_squeeze %dma_start3A_146 : memref<1x64x128xf32, #tpu.memory_space<vmem>> -> memref<64x128xf32, #tpu.memory_space<vmem>>
      %dma_start3A_148 = arith.constant 0 : i32
      %dma_start3A_149 = tpu.memref_slice %arg5[%dma_start3A_148, %multiple_of3A] : memref<64x1000000xf32, #tpu.memory_space<hbm>> -> memref<64x128xf32, #tpu.memory_space<hbm>>
      %dma_start3A_150 = arith.constant 0 : i32
      %dma_start3A_151 = arith.constant 0 : i32
      %dma_start3A_152 = tpu.memref_slice %arg10[%dma_start3A_143, %dma_start3A_150, %dma_start3A_151] : memref<6x64x128xf32, #tpu.memory_space<vmem>> -> memref<1x64x128xf32, #tpu.memory_space<vmem>>
      %dma_start3A_153 = tpu.memref_squeeze %dma_start3A_152 : memref<1x64x128xf32, #tpu.memory_space<vmem>> -> memref<64x128xf32, #tpu.memory_space<vmem>>
      %dma_start3A_154 = arith.constant 0 : i32
      %dma_start3A_155 = tpu.memref_slice %arg5[%dma_start3A_154, %multiple_of3A] : memref<64x1000000xf32, #tpu.memory_space<hbm>> -> memref<64x128xf32, #tpu.memory_space<hbm>>
      tpu.enqueue_dma source(%dma_start3A_155 : memref<64x128xf32, #tpu.memory_space<hbm>>) target(%dma_start3A_153 : memref<64x128xf32, #tpu.memory_space<vmem>>) target_semaphore(%arg15 : memref<!tpu.dma_semaphore, #tpu.memory_space<semaphore_mem>>)
    } else {
    }
    %gt3A_21 = arith.constant 2 : i32
    %gt3A_22 = arith.cmpi sgt, %scan3A_10#0, %gt3A_21 : i32
    %convert_element_type3A_23 = arith.extui %gt3A_22 : i1 to i32
    %cond3A_24 = arith.constant 0 : i32
    %cond3A_25 = arith.cmpi ne, %convert_element_type3A_23, %cond3A_24 : i32
    scf.if %cond3A_25 {
      %get3A = arith.constant 2 : i32
      %get3A_141 = arith.index_cast %get3A : i32 to index
      %get3A_142 = memref.load %arg13[%get3A_141] : memref<516xi32, #tpu.memory_space<smem>>
      %multiple_of3A = tpu.assume_multiple %get3A_142, 128 : i32
      %dma_start3A_143 = arith.constant 2 : i32
      %dma_start3A_144 = arith.constant 0 : i32
      %dma_start3A_145 = arith.constant 0 : i32
      %dma_start3A_146 = tpu.memref_slice %arg10[%dma_start3A_143, %dma_start3A_144, %dma_start3A_145] : memref<6x64x128xf32, #tpu.memory_space<vmem>> -> memref<1x64x128xf32, #tpu.memory_space<vmem>>
      %dma_start3A_147 = tpu.memref_squeeze %dma_start3A_146 : memref<1x64x128xf32, #tpu.memory_space<vmem>> -> memref<64x128xf32, #tpu.memory_space<vmem>>
      %dma_start3A_148 = arith.constant 0 : i32
      %dma_start3A_149 = tpu.memref_slice %arg5[%dma_start3A_148, %multiple_of3A] : memref<64x1000000xf32, #tpu.memory_space<hbm>> -> memref<64x128xf32, #tpu.memory_space<hbm>>
      %dma_start3A_150 = arith.constant 0 : i32
      %dma_start3A_151 = arith.constant 0 : i32
      %dma_start3A_152 = tpu.memref_slice %arg10[%dma_start3A_143, %dma_start3A_150, %dma_start3A_151] : memref<6x64x128xf32, #tpu.memory_space<vmem>> -> memref<1x64x128xf32, #tpu.memory_space<vmem>>
      %dma_start3A_153 = tpu.memref_squeeze %dma_start3A_152 : memref<1x64x128xf32, #tpu.memory_space<vmem>> -> memref<64x128xf32, #tpu.memory_space<vmem>>
      %dma_start3A_154 = arith.constant 0 : i32
      %dma_start3A_155 = tpu.memref_slice %arg5[%dma_start3A_154, %multiple_of3A] : memref<64x1000000xf32, #tpu.memory_space<hbm>> -> memref<64x128xf32, #tpu.memory_space<hbm>>
      tpu.enqueue_dma source(%dma_start3A_155 : memref<64x128xf32, #tpu.memory_space<hbm>>) target(%dma_start3A_153 : memref<64x128xf32, #tpu.memory_space<vmem>>) target_semaphore(%arg15 : memref<!tpu.dma_semaphore, #tpu.memory_space<semaphore_mem>>)
    } else {
    }
    %gt3A_26 = arith.constant 3 : i32
    %gt3A_27 = arith.cmpi sgt, %scan3A_10#0, %gt3A_26 : i32
    %convert_element_type3A_28 = arith.extui %gt3A_27 : i1 to i32
    %cond3A_29 = arith.constant 0 : i32
    %cond3A_30 = arith.cmpi ne, %convert_element_type3A_28, %cond3A_29 : i32
    scf.if %cond3A_30 {
      %get3A = arith.constant 3 : i32
      %get3A_141 = arith.index_cast %get3A : i32 to index
      %get3A_142 = memref.load %arg13[%get3A_141] : memref<516xi32, #tpu.memory_space<smem>>
      %multiple_of3A = tpu.assume_multiple %get3A_142, 128 : i32
      %dma_start3A_143 = arith.constant 3 : i32
      %dma_start3A_144 = arith.constant 0 : i32
      %dma_start3A_145 = arith.constant 0 : i32
      %dma_start3A_146 = tpu.memref_slice %arg10[%dma_start3A_143, %dma_start3A_144, %dma_start3A_145] : memref<6x64x128xf32, #tpu.memory_space<vmem>> -> memref<1x64x128xf32, #tpu.memory_space<vmem>>
      %dma_start3A_147 = tpu.memref_squeeze %dma_start3A_146 : memref<1x64x128xf32, #tpu.memory_space<vmem>> -> memref<64x128xf32, #tpu.memory_space<vmem>>
      %dma_start3A_148 = arith.constant 0 : i32
      %dma_start3A_149 = tpu.memref_slice %arg5[%dma_start3A_148, %multiple_of3A] : memref<64x1000000xf32, #tpu.memory_space<hbm>> -> memref<64x128xf32, #tpu.memory_space<hbm>>
      %dma_start3A_150 = arith.constant 0 : i32
      %dma_start3A_151 = arith.constant 0 : i32
      %dma_start3A_152 = tpu.memref_slice %arg10[%dma_start3A_143, %dma_start3A_150, %dma_start3A_151] : memref<6x64x128xf32, #tpu.memory_space<vmem>> -> memref<1x64x128xf32, #tpu.memory_space<vmem>>
      %dma_start3A_153 = tpu.memref_squeeze %dma_start3A_152 : memref<1x64x128xf32, #tpu.memory_space<vmem>> -> memref<64x128xf32, #tpu.memory_space<vmem>>
      %dma_start3A_154 = arith.constant 0 : i32
      %dma_start3A_155 = tpu.memref_slice %arg5[%dma_start3A_154, %multiple_of3A] : memref<64x1000000xf32, #tpu.memory_space<hbm>> -> memref<64x128xf32, #tpu.memory_space<hbm>>
      tpu.enqueue_dma source(%dma_start3A_155 : memref<64x128xf32, #tpu.memory_space<hbm>>) target(%dma_start3A_153 : memref<64x128xf32, #tpu.memory_space<vmem>>) target_semaphore(%arg15 : memref<!tpu.dma_semaphore, #tpu.memory_space<semaphore_mem>>)
    } else {
    }
    %gt3A_31 = arith.constant 4 : i32
    %gt3A_32 = arith.cmpi sgt, %scan3A_10#0, %gt3A_31 : i32
    %convert_element_type3A_33 = arith.extui %gt3A_32 : i1 to i32
    %cond3A_34 = arith.constant 0 : i32
    %cond3A_35 = arith.cmpi ne, %convert_element_type3A_33, %cond3A_34 : i32
    scf.if %cond3A_35 {
      %get3A = arith.constant 4 : i32
      %get3A_141 = arith.index_cast %get3A : i32 to index
      %get3A_142 = memref.load %arg13[%get3A_141] : memref<516xi32, #tpu.memory_space<smem>>
      %multiple_of3A = tpu.assume_multiple %get3A_142, 128 : i32
      %dma_start3A_143 = arith.constant 4 : i32
      %dma_start3A_144 = arith.constant 0 : i32
      %dma_start3A_145 = arith.constant 0 : i32
      %dma_start3A_146 = tpu.memref_slice %arg10[%dma_start3A_143, %dma_start3A_144, %dma_start3A_145] : memref<6x64x128xf32, #tpu.memory_space<vmem>> -> memref<1x64x128xf32, #tpu.memory_space<vmem>>
      %dma_start3A_147 = tpu.memref_squeeze %dma_start3A_146 : memref<1x64x128xf32, #tpu.memory_space<vmem>> -> memref<64x128xf32, #tpu.memory_space<vmem>>
      %dma_start3A_148 = arith.constant 0 : i32
      %dma_start3A_149 = tpu.memref_slice %arg5[%dma_start3A_148, %multiple_of3A] : memref<64x1000000xf32, #tpu.memory_space<hbm>> -> memref<64x128xf32, #tpu.memory_space<hbm>>
      %dma_start3A_150 = arith.constant 0 : i32
      %dma_start3A_151 = arith.constant 0 : i32
      %dma_start3A_152 = tpu.memref_slice %arg10[%dma_start3A_143, %dma_start3A_150, %dma_start3A_151] : memref<6x64x128xf32, #tpu.memory_space<vmem>> -> memref<1x64x128xf32, #tpu.memory_space<vmem>>
      %dma_start3A_153 = tpu.memref_squeeze %dma_start3A_152 : memref<1x64x128xf32, #tpu.memory_space<vmem>> -> memref<64x128xf32, #tpu.memory_space<vmem>>
      %dma_start3A_154 = arith.constant 0 : i32
      %dma_start3A_155 = tpu.memref_slice %arg5[%dma_start3A_154, %multiple_of3A] : memref<64x1000000xf32, #tpu.memory_space<hbm>> -> memref<64x128xf32, #tpu.memory_space<hbm>>
      tpu.enqueue_dma source(%dma_start3A_155 : memref<64x128xf32, #tpu.memory_space<hbm>>) target(%dma_start3A_153 : memref<64x128xf32, #tpu.memory_space<vmem>>) target_semaphore(%arg15 : memref<!tpu.dma_semaphore, #tpu.memory_space<semaphore_mem>>)
    } else {
    }
    %gt3A_36 = arith.constant 5 : i32
    %gt3A_37 = arith.cmpi sgt, %scan3A_10#0, %gt3A_36 : i32
    %convert_element_type3A_38 = arith.extui %gt3A_37 : i1 to i32
    %cond3A_39 = arith.constant 0 : i32
    %cond3A_40 = arith.cmpi ne, %convert_element_type3A_38, %cond3A_39 : i32
    scf.if %cond3A_40 {
      %get3A = arith.constant 5 : i32
      %get3A_141 = arith.index_cast %get3A : i32 to index
      %get3A_142 = memref.load %arg13[%get3A_141] : memref<516xi32, #tpu.memory_space<smem>>
      %multiple_of3A = tpu.assume_multiple %get3A_142, 128 : i32
      %dma_start3A_143 = arith.constant 5 : i32
      %dma_start3A_144 = arith.constant 0 : i32
      %dma_start3A_145 = arith.constant 0 : i32
      %dma_start3A_146 = tpu.memref_slice %arg10[%dma_start3A_143, %dma_start3A_144, %dma_start3A_145] : memref<6x64x128xf32, #tpu.memory_space<vmem>> -> memref<1x64x128xf32, #tpu.memory_space<vmem>>
      %dma_start3A_147 = tpu.memref_squeeze %dma_start3A_146 : memref<1x64x128xf32, #tpu.memory_space<vmem>> -> memref<64x128xf32, #tpu.memory_space<vmem>>
      %dma_start3A_148 = arith.constant 0 : i32
      %dma_start3A_149 = tpu.memref_slice %arg5[%dma_start3A_148, %multiple_of3A] : memref<64x1000000xf32, #tpu.memory_space<hbm>> -> memref<64x128xf32, #tpu.memory_space<hbm>>
      %dma_start3A_150 = arith.constant 0 : i32
      %dma_start3A_151 = arith.constant 0 : i32
      %dma_start3A_152 = tpu.memref_slice %arg10[%dma_start3A_143, %dma_start3A_150, %dma_start3A_151] : memref<6x64x128xf32, #tpu.memory_space<vmem>> -> memref<1x64x128xf32, #tpu.memory_space<vmem>>
      %dma_start3A_153 = tpu.memref_squeeze %dma_start3A_152 : memref<1x64x128xf32, #tpu.memory_space<vmem>> -> memref<64x128xf32, #tpu.memory_space<vmem>>
      %dma_start3A_154 = arith.constant 0 : i32
      %dma_start3A_155 = tpu.memref_slice %arg5[%dma_start3A_154, %multiple_of3A] : memref<64x1000000xf32, #tpu.memory_space<hbm>> -> memref<64x128xf32, #tpu.memory_space<hbm>>
      tpu.enqueue_dma source(%dma_start3A_155 : memref<64x128xf32, #tpu.memory_space<hbm>>) target(%dma_start3A_153 : memref<64x128xf32, #tpu.memory_space<vmem>>) target_semaphore(%arg15 : memref<!tpu.dma_semaphore, #tpu.memory_space<semaphore_mem>>)
    } else {
    }
    %iota3A = tpu.iota {dimensions = array<i32: 0>} : vector<16xi32>
    %add3A_41 = arith.constant 0 : i32
    %add3A_42 = vector.broadcast %add3A_41 : i32 to vector<16xi32>
    %add3A_43 = arith.addi %iota3A, %add3A_42 : vector<16xi32>
    %iota3A_44 = tpu.iota {dimensions = array<i32: 0>} : vector<16xi32>
    %add3A_45 = arith.constant 16 : i32
    %add3A_46 = vector.broadcast %add3A_45 : i32 to vector<16xi32>
    %add3A_47 = arith.addi %iota3A_44, %add3A_46 : vector<16xi32>
    %iota3A_48 = tpu.iota {dimensions = array<i32: 0>} : vector<16xi32>
    %add3A_49 = arith.constant 32 : i32
    %add3A_50 = vector.broadcast %add3A_49 : i32 to vector<16xi32>
    %add3A_51 = arith.addi %iota3A_48, %add3A_50 : vector<16xi32>
    %iota3A_52 = tpu.iota {dimensions = array<i32: 0>} : vector<16xi32>
    %add3A_53 = arith.constant 48 : i32
    %add3A_54 = vector.broadcast %add3A_53 : i32 to vector<16xi32>
    %add3A_55 = arith.addi %iota3A_52, %add3A_54 : vector<16xi32>
    %scan3A_56 = arith.constant 0 : i32
    %scan3A_57 = arith.constant 0 : i32
    %scan3A_58 = arith.constant 86 : i32
    %scan3A_59 = arith.addi %scan3A_57, %scan3A_58 : i32
    %scan3A_60 = arith.constant 1 : i32
    %scan3A_61 = scf.for %scan3A_141 = %scan3A_57 to %scan3A_59 step %scan3A_60 iter_args(%scan3A_142 = %scan3A_56) -> (i32)  : i32 {
      %mul3A_143 = arith.constant 6 : i32
      %mul3A_144 = arith.muli %scan3A_141, %mul3A_143 : i32
      %add3A_145 = arith.constant 0 : i32
      %add3A_146 = arith.addi %mul3A_144, %add3A_145 : i32
      %lt3A = arith.cmpi slt, %add3A_146, %scan3A_10#0 : i32
      %convert_element_type3A_147 = arith.extui %lt3A : i1 to i32
      %cond3A_148 = arith.constant 0 : i32
      %cond3A_149 = arith.cmpi ne, %convert_element_type3A_147, %cond3A_148 : i32
      scf.if %cond3A_149 {
        %dma_wait3A_191 = arith.constant 0 : i32
        %dma_wait3A_192 = arith.constant 0 : i32
        %dma_wait3A_193 = arith.constant 0 : i32
        %dma_wait3A_194 = tpu.memref_slice %arg10[%dma_wait3A_191, %dma_wait3A_192, %dma_wait3A_193] : memref<6x64x128xf32, #tpu.memory_space<vmem>> -> memref<1x64x128xf32, #tpu.memory_space<vmem>>
        %dma_wait3A_195 = tpu.memref_squeeze %dma_wait3A_194 : memref<1x64x128xf32, #tpu.memory_space<vmem>> -> memref<64x128xf32, #tpu.memory_space<vmem>>
        %dma_wait3A_196 = arith.constant 0 : i32
        %dma_wait3A_197 = arith.constant 0 : i32
        %dma_wait3A_198 = tpu.memref_slice %arg5[%dma_wait3A_196, %dma_wait3A_197] : memref<64x1000000xf32, #tpu.memory_space<hbm>> -> memref<64x128xf32, #tpu.memory_space<hbm>>
        %dma_wait3A_199 = arith.constant 0 : i32
        %dma_wait3A_200 = arith.constant 0 : i32
        %dma_wait3A_201 = tpu.memref_slice %arg10[%dma_wait3A_191, %dma_wait3A_199, %dma_wait3A_200] : memref<6x64x128xf32, #tpu.memory_space<vmem>> -> memref<1x64x128xf32, #tpu.memory_space<vmem>>
        %dma_wait3A_202 = tpu.memref_squeeze %dma_wait3A_201 : memref<1x64x128xf32, #tpu.memory_space<vmem>> -> memref<64x128xf32, #tpu.memory_space<vmem>>
        %dma_wait3A_203 = arith.constant 0 : i32
        %dma_wait3A_204 = arith.constant 0 : i32
        %dma_wait3A_205 = tpu.memref_slice %arg5[%dma_wait3A_203, %dma_wait3A_204] : memref<64x1000000xf32, #tpu.memory_space<hbm>> -> memref<64x128xf32, #tpu.memory_space<hbm>>
        tpu.wait_dma2 semaphore(%arg15 : memref<!tpu.dma_semaphore, #tpu.memory_space<semaphore_mem>>) src(%dma_wait3A_205 : memref<64x128xf32, #tpu.memory_space<hbm>>) dst(%dma_wait3A_202 : memref<64x128xf32, #tpu.memory_space<vmem>>)
        %get3A = arith.index_cast %add3A_146 : i32 to index
        %get3A_206 = memref.load %arg14[%get3A] : memref<516xi32, #tpu.memory_space<smem>>
        %add3A_207 = arith.constant 1 : i32
        %add3A_208 = arith.addi %add3A_146, %add3A_207 : i32
        %get3A_209 = arith.index_cast %add3A_208 : i32 to index
        %get3A_210 = memref.load %arg14[%get3A_209] : memref<516xi32, #tpu.memory_space<smem>>
        %while3A = arith.constant 0 : i32
        %while3A_211 = arith.subi %get3A_210, %get3A_206 : i32
        %while3A_212 = arith.addi %get3A_206, %while3A_211 : i32
        %while3A_213 = arith.constant 1 : i32
        %while3A_214 = arith.divsi %while3A_211, %while3A_213 : i32
        %while3A_215 = arith.muli %while3A_214, %while3A_213 : i32
        %while3A_216 = arith.addi %get3A_206, %while3A_215 : i32
        %while3A_217 = arith.constant 1 : i32
        %while3A_218 = scf.for %while3A_227 = %get3A_206 to %while3A_216 step %while3A_217 iter_args(%while3A_228 = %while3A) -> (i32)  : i32 {
          %get3A_229 = arith.index_cast %while3A_227 : i32 to index
          %get3A_230 = memref.load %arg12[%get3A_229] : memref<512xi32, #tpu.memory_space<smem>>
          %broadcast_in_dim3A = vector.broadcast %get3A_230 : i32 to vector<16xi32>
          %broadcast_in_dim3A_231 = vector.broadcast %while3A_227 : i32 to vector<16xi32>
          %gather3A = arith.constant 0 : i32
          %gather3A_232 = arith.constant 0 : i32
          %gather3A_233 = arith.constant 0 : i32
          %gather3A_234 = tpu.memref_slice %arg10[%gather3A, %gather3A_232, %gather3A_233] : memref<6x64x128xf32, #tpu.memory_space<vmem>> -> memref<1x64x128xf32, #tpu.memory_space<vmem>>
          %gather3A_235 = tpu.memref_squeeze %gather3A_234 : memref<1x64x128xf32, #tpu.memory_space<vmem>> -> memref<64x128xf32, #tpu.memory_space<vmem>>
          %gather3A_236 = tpu.vector_load_idx %gather3A_235[%add3A_43, %broadcast_in_dim3A] : memref<64x128xf32, #tpu.memory_space<vmem>>[vector<16xi32>, vector<16xi32>], vector<16xf32>,
          tpu.vector_store_idx %arg11[%broadcast_in_dim3A_231, %add3A_43], %gather3A_236 : memref<512x128xf32, #tpu.memory_space<vmem>>[vector<16xi32>, vector<16xi32>], vector<16xf32>,
          %gather3A_237 = arith.constant 0 : i32
          %gather3A_238 = arith.constant 0 : i32
          %gather3A_239 = arith.constant 0 : i32
          %gather3A_240 = tpu.memref_slice %arg10[%gather3A_237, %gather3A_238, %gather3A_239] : memref<6x64x128xf32, #tpu.memory_space<vmem>> -> memref<1x64x128xf32, #tpu.memory_space<vmem>>
          %gather3A_241 = tpu.memref_squeeze %gather3A_240 : memref<1x64x128xf32, #tpu.memory_space<vmem>> -> memref<64x128xf32, #tpu.memory_space<vmem>>
          %gather3A_242 = tpu.vector_load_idx %gather3A_241[%add3A_47, %broadcast_in_dim3A] : memref<64x128xf32, #tpu.memory_space<vmem>>[vector<16xi32>, vector<16xi32>], vector<16xf32>,
          tpu.vector_store_idx %arg11[%broadcast_in_dim3A_231, %add3A_47], %gather3A_242 : memref<512x128xf32, #tpu.memory_space<vmem>>[vector<16xi32>, vector<16xi32>], vector<16xf32>,
          %gather3A_243 = arith.constant 0 : i32
          %gather3A_244 = arith.constant 0 : i32
          %gather3A_245 = arith.constant 0 : i32
          %gather3A_246 = tpu.memref_slice %arg10[%gather3A_243, %gather3A_244, %gather3A_245] : memref<6x64x128xf32, #tpu.memory_space<vmem>> -> memref<1x64x128xf32, #tpu.memory_space<vmem>>
          %gather3A_247 = tpu.memref_squeeze %gather3A_246 : memref<1x64x128xf32, #tpu.memory_space<vmem>> -> memref<64x128xf32, #tpu.memory_space<vmem>>
          %gather3A_248 = tpu.vector_load_idx %gather3A_247[%add3A_51, %broadcast_in_dim3A] : memref<64x128xf32, #tpu.memory_space<vmem>>[vector<16xi32>, vector<16xi32>], vector<16xf32>,
          tpu.vector_store_idx %arg11[%broadcast_in_dim3A_231, %add3A_51], %gather3A_248 : memref<512x128xf32, #tpu.memory_space<vmem>>[vector<16xi32>, vector<16xi32>], vector<16xf32>,
          %gather3A_249 = arith.constant 0 : i32
          %gather3A_250 = arith.constant 0 : i32
          %gather3A_251 = arith.constant 0 : i32
          %gather3A_252 = tpu.memref_slice %arg10[%gather3A_249, %gather3A_250, %gather3A_251] : memref<6x64x128xf32, #tpu.memory_space<vmem>> -> memref<1x64x128xf32, #tpu.memory_space<vmem>>
          %gather3A_253 = tpu.memref_squeeze %gather3A_252 : memref<1x64x128xf32, #tpu.memory_space<vmem>> -> memref<64x128xf32, #tpu.memory_space<vmem>>
          %gather3A_254 = tpu.vector_load_idx %gather3A_253[%add3A_55, %broadcast_in_dim3A] : memref<64x128xf32, #tpu.memory_space<vmem>>[vector<16xi32>, vector<16xi32>], vector<16xf32>,
          tpu.vector_store_idx %arg11[%broadcast_in_dim3A_231, %add3A_55], %gather3A_254 : memref<512x128xf32, #tpu.memory_space<vmem>>[vector<16xi32>, vector<16xi32>], vector<16xf32>,
          %while3A_255 = arith.constant 0 : i32
          scf.yield %while3A_255 : i32
        }
        %while3A_219 = arith.constant 1 : i32
        %while3A_220 = scf.for %while3A_227 = %while3A_216 to %while3A_212 step %while3A_219 iter_args(%while3A_228 = %while3A_218) -> (i32)  : i32 {
          %get3A_229 = arith.index_cast %while3A_227 : i32 to index
          %get3A_230 = memref.load %arg12[%get3A_229] : memref<512xi32, #tpu.memory_space<smem>>
          %broadcast_in_dim3A = vector.broadcast %get3A_230 : i32 to vector<16xi32>
          %broadcast_in_dim3A_231 = vector.broadcast %while3A_227 : i32 to vector<16xi32>
          %gather3A = arith.constant 0 : i32
          %gather3A_232 = arith.constant 0 : i32
          %gather3A_233 = arith.constant 0 : i32
          %gather3A_234 = tpu.memref_slice %arg10[%gather3A, %gather3A_232, %gather3A_233] : memref<6x64x128xf32, #tpu.memory_space<vmem>> -> memref<1x64x128xf32, #tpu.memory_space<vmem>>
          %gather3A_235 = tpu.memref_squeeze %gather3A_234 : memref<1x64x128xf32, #tpu.memory_space<vmem>> -> memref<64x128xf32, #tpu.memory_space<vmem>>
          %gather3A_236 = tpu.vector_load_idx %gather3A_235[%add3A_43, %broadcast_in_dim3A] : memref<64x128xf32, #tpu.memory_space<vmem>>[vector<16xi32>, vector<16xi32>], vector<16xf32>,
          tpu.vector_store_idx %arg11[%broadcast_in_dim3A_231, %add3A_43], %gather3A_236 : memref<512x128xf32, #tpu.memory_space<vmem>>[vector<16xi32>, vector<16xi32>], vector<16xf32>,
          %gather3A_237 = arith.constant 0 : i32
          %gather3A_238 = arith.constant 0 : i32
          %gather3A_239 = arith.constant 0 : i32
          %gather3A_240 = tpu.memref_slice %arg10[%gather3A_237, %gather3A_238, %gather3A_239] : memref<6x64x128xf32, #tpu.memory_space<vmem>> -> memref<1x64x128xf32, #tpu.memory_space<vmem>>
          %gather3A_241 = tpu.memref_squeeze %gather3A_240 : memref<1x64x128xf32, #tpu.memory_space<vmem>> -> memref<64x128xf32, #tpu.memory_space<vmem>>
          %gather3A_242 = tpu.vector_load_idx %gather3A_241[%add3A_47, %broadcast_in_dim3A] : memref<64x128xf32, #tpu.memory_space<vmem>>[vector<16xi32>, vector<16xi32>], vector<16xf32>,
          tpu.vector_store_idx %arg11[%broadcast_in_dim3A_231, %add3A_47], %gather3A_242 : memref<512x128xf32, #tpu.memory_space<vmem>>[vector<16xi32>, vector<16xi32>], vector<16xf32>,
          %gather3A_243 = arith.constant 0 : i32
          %gather3A_244 = arith.constant 0 : i32
          %gather3A_245 = arith.constant 0 : i32
          %gather3A_246 = tpu.memref_slice %arg10[%gather3A_243, %gather3A_244, %gather3A_245] : memref<6x64x128xf32, #tpu.memory_space<vmem>> -> memref<1x64x128xf32, #tpu.memory_space<vmem>>
          %gather3A_247 = tpu.memref_squeeze %gather3A_246 : memref<1x64x128xf32, #tpu.memory_space<vmem>> -> memref<64x128xf32, #tpu.memory_space<vmem>>
          %gather3A_248 = tpu.vector_load_idx %gather3A_247[%add3A_51, %broadcast_in_dim3A] : memref<64x128xf32, #tpu.memory_space<vmem>>[vector<16xi32>, vector<16xi32>], vector<16xf32>,
          tpu.vector_store_idx %arg11[%broadcast_in_dim3A_231, %add3A_51], %gather3A_248 : memref<512x128xf32, #tpu.memory_space<vmem>>[vector<16xi32>, vector<16xi32>], vector<16xf32>,
          %gather3A_249 = arith.constant 0 : i32
          %gather3A_250 = arith.constant 0 : i32
          %gather3A_251 = arith.constant 0 : i32
          %gather3A_252 = tpu.memref_slice %arg10[%gather3A_249, %gather3A_250, %gather3A_251] : memref<6x64x128xf32, #tpu.memory_space<vmem>> -> memref<1x64x128xf32, #tpu.memory_space<vmem>>
          %gather3A_253 = tpu.memref_squeeze %gather3A_252 : memref<1x64x128xf32, #tpu.memory_space<vmem>> -> memref<64x128xf32, #tpu.memory_space<vmem>>
          %gather3A_254 = tpu.vector_load_idx %gather3A_253[%add3A_55, %broadcast_in_dim3A] : memref<64x128xf32, #tpu.memory_space<vmem>>[vector<16xi32>, vector<16xi32>], vector<16xf32>,
          tpu.vector_store_idx %arg11[%broadcast_in_dim3A_231, %add3A_55], %gather3A_254 : memref<512x128xf32, #tpu.memory_space<vmem>>[vector<16xi32>, vector<16xi32>], vector<16xf32>,
          %while3A_255 = arith.constant 0 : i32
          scf.yield %while3A_255 : i32
        }
        %add3A_221 = arith.constant 6 : i32
        %add3A_222 = arith.addi %add3A_146, %add3A_221 : i32
        %lt3A_223 = arith.cmpi slt, %add3A_222, %scan3A_10#0 : i32
        %convert_element_type3A_224 = arith.extui %lt3A_223 : i1 to i32
        %cond3A_225 = arith.constant 0 : i32
        %cond3A_226 = arith.cmpi ne, %convert_element_type3A_224, %cond3A_225 : i32
        scf.if %cond3A_226 {
          %add3A_227 = arith.constant 6 : i32
          %add3A_228 = arith.addi %add3A_146, %add3A_227 : i32
          %get3A_229 = arith.index_cast %add3A_228 : i32 to index
          %get3A_230 = memref.load %arg13[%get3A_229] : memref<516xi32, #tpu.memory_space<smem>>
          %multiple_of3A = tpu.assume_multiple %get3A_230, 128 : i32
          %dma_start3A_231 = arith.constant 0 : i32
          %dma_start3A_232 = arith.constant 0 : i32
          %dma_start3A_233 = arith.constant 0 : i32
          %dma_start3A_234 = tpu.memref_slice %arg10[%dma_start3A_231, %dma_start3A_232, %dma_start3A_233] : memref<6x64x128xf32, #tpu.memory_space<vmem>> -> memref<1x64x128xf32, #tpu.memory_space<vmem>>
          %dma_start3A_235 = tpu.memref_squeeze %dma_start3A_234 : memref<1x64x128xf32, #tpu.memory_space<vmem>> -> memref<64x128xf32, #tpu.memory_space<vmem>>
          %dma_start3A_236 = arith.constant 0 : i32
          %dma_start3A_237 = tpu.memref_slice %arg5[%dma_start3A_236, %multiple_of3A] : memref<64x1000000xf32, #tpu.memory_space<hbm>> -> memref<64x128xf32, #tpu.memory_space<hbm>>
          %dma_start3A_238 = arith.constant 0 : i32
          %dma_start3A_239 = arith.constant 0 : i32
          %dma_start3A_240 = tpu.memref_slice %arg10[%dma_start3A_231, %dma_start3A_238, %dma_start3A_239] : memref<6x64x128xf32, #tpu.memory_space<vmem>> -> memref<1x64x128xf32, #tpu.memory_space<vmem>>
          %dma_start3A_241 = tpu.memref_squeeze %dma_start3A_240 : memref<1x64x128xf32, #tpu.memory_space<vmem>> -> memref<64x128xf32, #tpu.memory_space<vmem>>
          %dma_start3A_242 = arith.constant 0 : i32
          %dma_start3A_243 = tpu.memref_slice %arg5[%dma_start3A_242, %multiple_of3A] : memref<64x1000000xf32, #tpu.memory_space<hbm>> -> memref<64x128xf32, #tpu.memory_space<hbm>>
          tpu.enqueue_dma source(%dma_start3A_243 : memref<64x128xf32, #tpu.memory_space<hbm>>) target(%dma_start3A_241 : memref<64x128xf32, #tpu.memory_space<vmem>>) target_semaphore(%arg15 : memref<!tpu.dma_semaphore, #tpu.memory_space<semaphore_mem>>)
        } else {
        }
      } else {
      }
      %mul3A_150 = arith.constant 6 : i32
      %mul3A_151 = arith.muli %scan3A_141, %mul3A_150 : i32
      %add3A_152 = arith.constant 1 : i32
      %add3A_153 = arith.addi %mul3A_151, %add3A_152 : i32
      %lt3A_154 = arith.cmpi slt, %add3A_153, %scan3A_10#0 : i32
      %convert_element_type3A_155 = arith.extui %lt3A_154 : i1 to i32
      %cond3A_156 = arith.constant 0 : i32
      %cond3A_157 = arith.cmpi ne, %convert_element_type3A_155, %cond3A_156 : i32
      scf.if %cond3A_157 {
        %dma_wait3A_191 = arith.constant 1 : i32
        %dma_wait3A_192 = arith.constant 0 : i32
        %dma_wait3A_193 = arith.constant 0 : i32
        %dma_wait3A_194 = tpu.memref_slice %arg10[%dma_wait3A_191, %dma_wait3A_192, %dma_wait3A_193] : memref<6x64x128xf32, #tpu.memory_space<vmem>> -> memref<1x64x128xf32, #tpu.memory_space<vmem>>
        %dma_wait3A_195 = tpu.memref_squeeze %dma_wait3A_194 : memref<1x64x128xf32, #tpu.memory_space<vmem>> -> memref<64x128xf32, #tpu.memory_space<vmem>>
        %dma_wait3A_196 = arith.constant 0 : i32
        %dma_wait3A_197 = arith.constant 0 : i32
        %dma_wait3A_198 = tpu.memref_slice %arg5[%dma_wait3A_196, %dma_wait3A_197] : memref<64x1000000xf32, #tpu.memory_space<hbm>> -> memref<64x128xf32, #tpu.memory_space<hbm>>
        %dma_wait3A_199 = arith.constant 0 : i32
        %dma_wait3A_200 = arith.constant 0 : i32
        %dma_wait3A_201 = tpu.memref_slice %arg10[%dma_wait3A_191, %dma_wait3A_199, %dma_wait3A_200] : memref<6x64x128xf32, #tpu.memory_space<vmem>> -> memref<1x64x128xf32, #tpu.memory_space<vmem>>
        %dma_wait3A_202 = tpu.memref_squeeze %dma_wait3A_201 : memref<1x64x128xf32, #tpu.memory_space<vmem>> -> memref<64x128xf32, #tpu.memory_space<vmem>>
        %dma_wait3A_203 = arith.constant 0 : i32
        %dma_wait3A_204 = arith.constant 0 : i32
        %dma_wait3A_205 = tpu.memref_slice %arg5[%dma_wait3A_203, %dma_wait3A_204] : memref<64x1000000xf32, #tpu.memory_space<hbm>> -> memref<64x128xf32, #tpu.memory_space<hbm>>
        tpu.wait_dma2 semaphore(%arg15 : memref<!tpu.dma_semaphore, #tpu.memory_space<semaphore_mem>>) src(%dma_wait3A_205 : memref<64x128xf32, #tpu.memory_space<hbm>>) dst(%dma_wait3A_202 : memref<64x128xf32, #tpu.memory_space<vmem>>)
        %get3A = arith.index_cast %add3A_153 : i32 to index
        %get3A_206 = memref.load %arg14[%get3A] : memref<516xi32, #tpu.memory_space<smem>>
        %add3A_207 = arith.constant 1 : i32
        %add3A_208 = arith.addi %add3A_153, %add3A_207 : i32
        %get3A_209 = arith.index_cast %add3A_208 : i32 to index
        %get3A_210 = memref.load %arg14[%get3A_209] : memref<516xi32, #tpu.memory_space<smem>>
        %while3A = arith.constant 0 : i32
        %while3A_211 = arith.subi %get3A_210, %get3A_206 : i32
        %while3A_212 = arith.addi %get3A_206, %while3A_211 : i32
        %while3A_213 = arith.constant 1 : i32
        %while3A_214 = arith.divsi %while3A_211, %while3A_213 : i32
        %while3A_215 = arith.muli %while3A_214, %while3A_213 : i32
        %while3A_216 = arith.addi %get3A_206, %while3A_215 : i32
        %while3A_217 = arith.constant 1 : i32
        %while3A_218 = scf.for %while3A_227 = %get3A_206 to %while3A_216 step %while3A_217 iter_args(%while3A_228 = %while3A) -> (i32)  : i32 {
          %get3A_229 = arith.index_cast %while3A_227 : i32 to index
          %get3A_230 = memref.load %arg12[%get3A_229] : memref<512xi32, #tpu.memory_space<smem>>
          %broadcast_in_dim3A = vector.broadcast %get3A_230 : i32 to vector<16xi32>
          %broadcast_in_dim3A_231 = vector.broadcast %while3A_227 : i32 to vector<16xi32>
          %gather3A = arith.constant 1 : i32
          %gather3A_232 = arith.constant 0 : i32
          %gather3A_233 = arith.constant 0 : i32
          %gather3A_234 = tpu.memref_slice %arg10[%gather3A, %gather3A_232, %gather3A_233] : memref<6x64x128xf32, #tpu.memory_space<vmem>> -> memref<1x64x128xf32, #tpu.memory_space<vmem>>
          %gather3A_235 = tpu.memref_squeeze %gather3A_234 : memref<1x64x128xf32, #tpu.memory_space<vmem>> -> memref<64x128xf32, #tpu.memory_space<vmem>>
          %gather3A_236 = tpu.vector_load_idx %gather3A_235[%add3A_43, %broadcast_in_dim3A] : memref<64x128xf32, #tpu.memory_space<vmem>>[vector<16xi32>, vector<16xi32>], vector<16xf32>,
          tpu.vector_store_idx %arg11[%broadcast_in_dim3A_231, %add3A_43], %gather3A_236 : memref<512x128xf32, #tpu.memory_space<vmem>>[vector<16xi32>, vector<16xi32>], vector<16xf32>,
          %gather3A_237 = arith.constant 1 : i32
          %gather3A_238 = arith.constant 0 : i32
          %gather3A_239 = arith.constant 0 : i32
          %gather3A_240 = tpu.memref_slice %arg10[%gather3A_237, %gather3A_238, %gather3A_239] : memref<6x64x128xf32, #tpu.memory_space<vmem>> -> memref<1x64x128xf32, #tpu.memory_space<vmem>>
          %gather3A_241 = tpu.memref_squeeze %gather3A_240 : memref<1x64x128xf32, #tpu.memory_space<vmem>> -> memref<64x128xf32, #tpu.memory_space<vmem>>
          %gather3A_242 = tpu.vector_load_idx %gather3A_241[%add3A_47, %broadcast_in_dim3A] : memref<64x128xf32, #tpu.memory_space<vmem>>[vector<16xi32>, vector<16xi32>], vector<16xf32>,
          tpu.vector_store_idx %arg11[%broadcast_in_dim3A_231, %add3A_47], %gather3A_242 : memref<512x128xf32, #tpu.memory_space<vmem>>[vector<16xi32>, vector<16xi32>], vector<16xf32>,
          %gather3A_243 = arith.constant 1 : i32
          %gather3A_244 = arith.constant 0 : i32
          %gather3A_245 = arith.constant 0 : i32
          %gather3A_246 = tpu.memref_slice %arg10[%gather3A_243, %gather3A_244, %gather3A_245] : memref<6x64x128xf32, #tpu.memory_space<vmem>> -> memref<1x64x128xf32, #tpu.memory_space<vmem>>
          %gather3A_247 = tpu.memref_squeeze %gather3A_246 : memref<1x64x128xf32, #tpu.memory_space<vmem>> -> memref<64x128xf32, #tpu.memory_space<vmem>>
          %gather3A_248 = tpu.vector_load_idx %gather3A_247[%add3A_51, %broadcast_in_dim3A] : memref<64x128xf32, #tpu.memory_space<vmem>>[vector<16xi32>, vector<16xi32>], vector<16xf32>,
          tpu.vector_store_idx %arg11[%broadcast_in_dim3A_231, %add3A_51], %gather3A_248 : memref<512x128xf32, #tpu.memory_space<vmem>>[vector<16xi32>, vector<16xi32>], vector<16xf32>,
          %gather3A_249 = arith.constant 1 : i32
          %gather3A_250 = arith.constant 0 : i32
          %gather3A_251 = arith.constant 0 : i32
          %gather3A_252 = tpu.memref_slice %arg10[%gather3A_249, %gather3A_250, %gather3A_251] : memref<6x64x128xf32, #tpu.memory_space<vmem>> -> memref<1x64x128xf32, #tpu.memory_space<vmem>>
          %gather3A_253 = tpu.memref_squeeze %gather3A_252 : memref<1x64x128xf32, #tpu.memory_space<vmem>> -> memref<64x128xf32, #tpu.memory_space<vmem>>
          %gather3A_254 = tpu.vector_load_idx %gather3A_253[%add3A_55, %broadcast_in_dim3A] : memref<64x128xf32, #tpu.memory_space<vmem>>[vector<16xi32>, vector<16xi32>], vector<16xf32>,
          tpu.vector_store_idx %arg11[%broadcast_in_dim3A_231, %add3A_55], %gather3A_254 : memref<512x128xf32, #tpu.memory_space<vmem>>[vector<16xi32>, vector<16xi32>], vector<16xf32>,
          %while3A_255 = arith.constant 0 : i32
          scf.yield %while3A_255 : i32
        }
        %while3A_219 = arith.constant 1 : i32
        %while3A_220 = scf.for %while3A_227 = %while3A_216 to %while3A_212 step %while3A_219 iter_args(%while3A_228 = %while3A_218) -> (i32)  : i32 {
          %get3A_229 = arith.index_cast %while3A_227 : i32 to index
          %get3A_230 = memref.load %arg12[%get3A_229] : memref<512xi32, #tpu.memory_space<smem>>
          %broadcast_in_dim3A = vector.broadcast %get3A_230 : i32 to vector<16xi32>
          %broadcast_in_dim3A_231 = vector.broadcast %while3A_227 : i32 to vector<16xi32>
          %gather3A = arith.constant 1 : i32
          %gather3A_232 = arith.constant 0 : i32
          %gather3A_233 = arith.constant 0 : i32
          %gather3A_234 = tpu.memref_slice %arg10[%gather3A, %gather3A_232, %gather3A_233] : memref<6x64x128xf32, #tpu.memory_space<vmem>> -> memref<1x64x128xf32, #tpu.memory_space<vmem>>
          %gather3A_235 = tpu.memref_squeeze %gather3A_234 : memref<1x64x128xf32, #tpu.memory_space<vmem>> -> memref<64x128xf32, #tpu.memory_space<vmem>>
          %gather3A_236 = tpu.vector_load_idx %gather3A_235[%add3A_43, %broadcast_in_dim3A] : memref<64x128xf32, #tpu.memory_space<vmem>>[vector<16xi32>, vector<16xi32>], vector<16xf32>,
          tpu.vector_store_idx %arg11[%broadcast_in_dim3A_231, %add3A_43], %gather3A_236 : memref<512x128xf32, #tpu.memory_space<vmem>>[vector<16xi32>, vector<16xi32>], vector<16xf32>,
          %gather3A_237 = arith.constant 1 : i32
          %gather3A_238 = arith.constant 0 : i32
          %gather3A_239 = arith.constant 0 : i32
          %gather3A_240 = tpu.memref_slice %arg10[%gather3A_237, %gather3A_238, %gather3A_239] : memref<6x64x128xf32, #tpu.memory_space<vmem>> -> memref<1x64x128xf32, #tpu.memory_space<vmem>>
          %gather3A_241 = tpu.memref_squeeze %gather3A_240 : memref<1x64x128xf32, #tpu.memory_space<vmem>> -> memref<64x128xf32, #tpu.memory_space<vmem>>
          %gather3A_242 = tpu.vector_load_idx %gather3A_241[%add3A_47, %broadcast_in_dim3A] : memref<64x128xf32, #tpu.memory_space<vmem>>[vector<16xi32>, vector<16xi32>], vector<16xf32>,
          tpu.vector_store_idx %arg11[%broadcast_in_dim3A_231, %add3A_47], %gather3A_242 : memref<512x128xf32, #tpu.memory_space<vmem>>[vector<16xi32>, vector<16xi32>], vector<16xf32>,
          %gather3A_243 = arith.constant 1 : i32
          %gather3A_244 = arith.constant 0 : i32
          %gather3A_245 = arith.constant 0 : i32
          %gather3A_246 = tpu.memref_slice %arg10[%gather3A_243, %gather3A_244, %gather3A_245] : memref<6x64x128xf32, #tpu.memory_space<vmem>> -> memref<1x64x128xf32, #tpu.memory_space<vmem>>
          %gather3A_247 = tpu.memref_squeeze %gather3A_246 : memref<1x64x128xf32, #tpu.memory_space<vmem>> -> memref<64x128xf32, #tpu.memory_space<vmem>>
          %gather3A_248 = tpu.vector_load_idx %gather3A_247[%add3A_51, %broadcast_in_dim3A] : memref<64x128xf32, #tpu.memory_space<vmem>>[vector<16xi32>, vector<16xi32>], vector<16xf32>,
          tpu.vector_store_idx %arg11[%broadcast_in_dim3A_231, %add3A_51], %gather3A_248 : memref<512x128xf32, #tpu.memory_space<vmem>>[vector<16xi32>, vector<16xi32>], vector<16xf32>,
          %gather3A_249 = arith.constant 1 : i32
          %gather3A_250 = arith.constant 0 : i32
          %gather3A_251 = arith.constant 0 : i32
          %gather3A_252 = tpu.memref_slice %arg10[%gather3A_249, %gather3A_250, %gather3A_251] : memref<6x64x128xf32, #tpu.memory_space<vmem>> -> memref<1x64x128xf32, #tpu.memory_space<vmem>>
          %gather3A_253 = tpu.memref_squeeze %gather3A_252 : memref<1x64x128xf32, #tpu.memory_space<vmem>> -> memref<64x128xf32, #tpu.memory_space<vmem>>
          %gather3A_254 = tpu.vector_load_idx %gather3A_253[%add3A_55, %broadcast_in_dim3A] : memref<64x128xf32, #tpu.memory_space<vmem>>[vector<16xi32>, vector<16xi32>], vector<16xf32>,
          tpu.vector_store_idx %arg11[%broadcast_in_dim3A_231, %add3A_55], %gather3A_254 : memref<512x128xf32, #tpu.memory_space<vmem>>[vector<16xi32>, vector<16xi32>], vector<16xf32>,
          %while3A_255 = arith.constant 0 : i32
          scf.yield %while3A_255 : i32
        }
        %add3A_221 = arith.constant 6 : i32
        %add3A_222 = arith.addi %add3A_153, %add3A_221 : i32
        %lt3A_223 = arith.cmpi slt, %add3A_222, %scan3A_10#0 : i32
        %convert_element_type3A_224 = arith.extui %lt3A_223 : i1 to i32
        %cond3A_225 = arith.constant 0 : i32
        %cond3A_226 = arith.cmpi ne, %convert_element_type3A_224, %cond3A_225 : i32
        scf.if %cond3A_226 {
          %add3A_227 = arith.constant 6 : i32
          %add3A_228 = arith.addi %add3A_153, %add3A_227 : i32
          %get3A_229 = arith.index_cast %add3A_228 : i32 to index
          %get3A_230 = memref.load %arg13[%get3A_229] : memref<516xi32, #tpu.memory_space<smem>>
          %multiple_of3A = tpu.assume_multiple %get3A_230, 128 : i32
          %dma_start3A_231 = arith.constant 1 : i32
          %dma_start3A_232 = arith.constant 0 : i32
          %dma_start3A_233 = arith.constant 0 : i32
          %dma_start3A_234 = tpu.memref_slice %arg10[%dma_start3A_231, %dma_start3A_232, %dma_start3A_233] : memref<6x64x128xf32, #tpu.memory_space<vmem>> -> memref<1x64x128xf32, #tpu.memory_space<vmem>>
          %dma_start3A_235 = tpu.memref_squeeze %dma_start3A_234 : memref<1x64x128xf32, #tpu.memory_space<vmem>> -> memref<64x128xf32, #tpu.memory_space<vmem>>
          %dma_start3A_236 = arith.constant 0 : i32
          %dma_start3A_237 = tpu.memref_slice %arg5[%dma_start3A_236, %multiple_of3A] : memref<64x1000000xf32, #tpu.memory_space<hbm>> -> memref<64x128xf32, #tpu.memory_space<hbm>>
          %dma_start3A_238 = arith.constant 0 : i32
          %dma_start3A_239 = arith.constant 0 : i32
          %dma_start3A_240 = tpu.memref_slice %arg10[%dma_start3A_231, %dma_start3A_238, %dma_start3A_239] : memref<6x64x128xf32, #tpu.memory_space<vmem>> -> memref<1x64x128xf32, #tpu.memory_space<vmem>>
          %dma_start3A_241 = tpu.memref_squeeze %dma_start3A_240 : memref<1x64x128xf32, #tpu.memory_space<vmem>> -> memref<64x128xf32, #tpu.memory_space<vmem>>
          %dma_start3A_242 = arith.constant 0 : i32
          %dma_start3A_243 = tpu.memref_slice %arg5[%dma_start3A_242, %multiple_of3A] : memref<64x1000000xf32, #tpu.memory_space<hbm>> -> memref<64x128xf32, #tpu.memory_space<hbm>>
          tpu.enqueue_dma source(%dma_start3A_243 : memref<64x128xf32, #tpu.memory_space<hbm>>) target(%dma_start3A_241 : memref<64x128xf32, #tpu.memory_space<vmem>>) target_semaphore(%arg15 : memref<!tpu.dma_semaphore, #tpu.memory_space<semaphore_mem>>)
        } else {
        }
      } else {
      }
      %mul3A_158 = arith.constant 6 : i32
      %mul3A_159 = arith.muli %scan3A_141, %mul3A_158 : i32
      %add3A_160 = arith.constant 2 : i32
      %add3A_161 = arith.addi %mul3A_159, %add3A_160 : i32
      %lt3A_162 = arith.cmpi slt, %add3A_161, %scan3A_10#0 : i32
      %convert_element_type3A_163 = arith.extui %lt3A_162 : i1 to i32
      %cond3A_164 = arith.constant 0 : i32
      %cond3A_165 = arith.cmpi ne, %convert_element_type3A_163, %cond3A_164 : i32
      scf.if %cond3A_165 {
        %dma_wait3A_191 = arith.constant 2 : i32
        %dma_wait3A_192 = arith.constant 0 : i32
        %dma_wait3A_193 = arith.constant 0 : i32
        %dma_wait3A_194 = tpu.memref_slice %arg10[%dma_wait3A_191, %dma_wait3A_192, %dma_wait3A_193] : memref<6x64x128xf32, #tpu.memory_space<vmem>> -> memref<1x64x128xf32, #tpu.memory_space<vmem>>
        %dma_wait3A_195 = tpu.memref_squeeze %dma_wait3A_194 : memref<1x64x128xf32, #tpu.memory_space<vmem>> -> memref<64x128xf32, #tpu.memory_space<vmem>>
        %dma_wait3A_196 = arith.constant 0 : i32
        %dma_wait3A_197 = arith.constant 0 : i32
        %dma_wait3A_198 = tpu.memref_slice %arg5[%dma_wait3A_196, %dma_wait3A_197] : memref<64x1000000xf32, #tpu.memory_space<hbm>> -> memref<64x128xf32, #tpu.memory_space<hbm>>
        %dma_wait3A_199 = arith.constant 0 : i32
        %dma_wait3A_200 = arith.constant 0 : i32
        %dma_wait3A_201 = tpu.memref_slice %arg10[%dma_wait3A_191, %dma_wait3A_199, %dma_wait3A_200] : memref<6x64x128xf32, #tpu.memory_space<vmem>> -> memref<1x64x128xf32, #tpu.memory_space<vmem>>
        %dma_wait3A_202 = tpu.memref_squeeze %dma_wait3A_201 : memref<1x64x128xf32, #tpu.memory_space<vmem>> -> memref<64x128xf32, #tpu.memory_space<vmem>>
        %dma_wait3A_203 = arith.constant 0 : i32
        %dma_wait3A_204 = arith.constant 0 : i32
        %dma_wait3A_205 = tpu.memref_slice %arg5[%dma_wait3A_203, %dma_wait3A_204] : memref<64x1000000xf32, #tpu.memory_space<hbm>> -> memref<64x128xf32, #tpu.memory_space<hbm>>
        tpu.wait_dma2 semaphore(%arg15 : memref<!tpu.dma_semaphore, #tpu.memory_space<semaphore_mem>>) src(%dma_wait3A_205 : memref<64x128xf32, #tpu.memory_space<hbm>>) dst(%dma_wait3A_202 : memref<64x128xf32, #tpu.memory_space<vmem>>)
        %get3A = arith.index_cast %add3A_161 : i32 to index
        %get3A_206 = memref.load %arg14[%get3A] : memref<516xi32, #tpu.memory_space<smem>>
        %add3A_207 = arith.constant 1 : i32
        %add3A_208 = arith.addi %add3A_161, %add3A_207 : i32
        %get3A_209 = arith.index_cast %add3A_208 : i32 to index
        %get3A_210 = memref.load %arg14[%get3A_209] : memref<516xi32, #tpu.memory_space<smem>>
        %while3A = arith.constant 0 : i32
        %while3A_211 = arith.subi %get3A_210, %get3A_206 : i32
        %while3A_212 = arith.addi %get3A_206, %while3A_211 : i32
        %while3A_213 = arith.constant 1 : i32
        %while3A_214 = arith.divsi %while3A_211, %while3A_213 : i32
        %while3A_215 = arith.muli %while3A_214, %while3A_213 : i32
        %while3A_216 = arith.addi %get3A_206, %while3A_215 : i32
        %while3A_217 = arith.constant 1 : i32
        %while3A_218 = scf.for %while3A_227 = %get3A_206 to %while3A_216 step %while3A_217 iter_args(%while3A_228 = %while3A) -> (i32)  : i32 {
          %get3A_229 = arith.index_cast %while3A_227 : i32 to index
          %get3A_230 = memref.load %arg12[%get3A_229] : memref<512xi32, #tpu.memory_space<smem>>
          %broadcast_in_dim3A = vector.broadcast %get3A_230 : i32 to vector<16xi32>
          %broadcast_in_dim3A_231 = vector.broadcast %while3A_227 : i32 to vector<16xi32>
          %gather3A = arith.constant 2 : i32
          %gather3A_232 = arith.constant 0 : i32
          %gather3A_233 = arith.constant 0 : i32
          %gather3A_234 = tpu.memref_slice %arg10[%gather3A, %gather3A_232, %gather3A_233] : memref<6x64x128xf32, #tpu.memory_space<vmem>> -> memref<1x64x128xf32, #tpu.memory_space<vmem>>
          %gather3A_235 = tpu.memref_squeeze %gather3A_234 : memref<1x64x128xf32, #tpu.memory_space<vmem>> -> memref<64x128xf32, #tpu.memory_space<vmem>>
          %gather3A_236 = tpu.vector_load_idx %gather3A_235[%add3A_43, %broadcast_in_dim3A] : memref<64x128xf32, #tpu.memory_space<vmem>>[vector<16xi32>, vector<16xi32>], vector<16xf32>,
          tpu.vector_store_idx %arg11[%broadcast_in_dim3A_231, %add3A_43], %gather3A_236 : memref<512x128xf32, #tpu.memory_space<vmem>>[vector<16xi32>, vector<16xi32>], vector<16xf32>,
          %gather3A_237 = arith.constant 2 : i32
          %gather3A_238 = arith.constant 0 : i32
          %gather3A_239 = arith.constant 0 : i32
          %gather3A_240 = tpu.memref_slice %arg10[%gather3A_237, %gather3A_238, %gather3A_239] : memref<6x64x128xf32, #tpu.memory_space<vmem>> -> memref<1x64x128xf32, #tpu.memory_space<vmem>>
          %gather3A_241 = tpu.memref_squeeze %gather3A_240 : memref<1x64x128xf32, #tpu.memory_space<vmem>> -> memref<64x128xf32, #tpu.memory_space<vmem>>
          %gather3A_242 = tpu.vector_load_idx %gather3A_241[%add3A_47, %broadcast_in_dim3A] : memref<64x128xf32, #tpu.memory_space<vmem>>[vector<16xi32>, vector<16xi32>], vector<16xf32>,
          tpu.vector_store_idx %arg11[%broadcast_in_dim3A_231, %add3A_47], %gather3A_242 : memref<512x128xf32, #tpu.memory_space<vmem>>[vector<16xi32>, vector<16xi32>], vector<16xf32>,
          %gather3A_243 = arith.constant 2 : i32
          %gather3A_244 = arith.constant 0 : i32
          %gather3A_245 = arith.constant 0 : i32
          %gather3A_246 = tpu.memref_slice %arg10[%gather3A_243, %gather3A_244, %gather3A_245] : memref<6x64x128xf32, #tpu.memory_space<vmem>> -> memref<1x64x128xf32, #tpu.memory_space<vmem>>
          %gather3A_247 = tpu.memref_squeeze %gather3A_246 : memref<1x64x128xf32, #tpu.memory_space<vmem>> -> memref<64x128xf32, #tpu.memory_space<vmem>>
          %gather3A_248 = tpu.vector_load_idx %gather3A_247[%add3A_51, %broadcast_in_dim3A] : memref<64x128xf32, #tpu.memory_space<vmem>>[vector<16xi32>, vector<16xi32>], vector<16xf32>,
          tpu.vector_store_idx %arg11[%broadcast_in_dim3A_231, %add3A_51], %gather3A_248 : memref<512x128xf32, #tpu.memory_space<vmem>>[vector<16xi32>, vector<16xi32>], vector<16xf32>,
          %gather3A_249 = arith.constant 2 : i32
          %gather3A_250 = arith.constant 0 : i32
          %gather3A_251 = arith.constant 0 : i32
          %gather3A_252 = tpu.memref_slice %arg10[%gather3A_249, %gather3A_250, %gather3A_251] : memref<6x64x128xf32, #tpu.memory_space<vmem>> -> memref<1x64x128xf32, #tpu.memory_space<vmem>>
          %gather3A_253 = tpu.memref_squeeze %gather3A_252 : memref<1x64x128xf32, #tpu.memory_space<vmem>> -> memref<64x128xf32, #tpu.memory_space<vmem>>
          %gather3A_254 = tpu.vector_load_idx %gather3A_253[%add3A_55, %broadcast_in_dim3A] : memref<64x128xf32, #tpu.memory_space<vmem>>[vector<16xi32>, vector<16xi32>], vector<16xf32>,
          tpu.vector_store_idx %arg11[%broadcast_in_dim3A_231, %add3A_55], %gather3A_254 : memref<512x128xf32, #tpu.memory_space<vmem>>[vector<16xi32>, vector<16xi32>], vector<16xf32>,
          %while3A_255 = arith.constant 0 : i32
          scf.yield %while3A_255 : i32
        }
        %while3A_219 = arith.constant 1 : i32
        %while3A_220 = scf.for %while3A_227 = %while3A_216 to %while3A_212 step %while3A_219 iter_args(%while3A_228 = %while3A_218) -> (i32)  : i32 {
          %get3A_229 = arith.index_cast %while3A_227 : i32 to index
          %get3A_230 = memref.load %arg12[%get3A_229] : memref<512xi32, #tpu.memory_space<smem>>
          %broadcast_in_dim3A = vector.broadcast %get3A_230 : i32 to vector<16xi32>
          %broadcast_in_dim3A_231 = vector.broadcast %while3A_227 : i32 to vector<16xi32>
          %gather3A = arith.constant 2 : i32
          %gather3A_232 = arith.constant 0 : i32
          %gather3A_233 = arith.constant 0 : i32
          %gather3A_234 = tpu.memref_slice %arg10[%gather3A, %gather3A_232, %gather3A_233] : memref<6x64x128xf32, #tpu.memory_space<vmem>> -> memref<1x64x128xf32, #tpu.memory_space<vmem>>
          %gather3A_235 = tpu.memref_squeeze %gather3A_234 : memref<1x64x128xf32, #tpu.memory_space<vmem>> -> memref<64x128xf32, #tpu.memory_space<vmem>>
          %gather3A_236 = tpu.vector_load_idx %gather3A_235[%add3A_43, %broadcast_in_dim3A] : memref<64x128xf32, #tpu.memory_space<vmem>>[vector<16xi32>, vector<16xi32>], vector<16xf32>,
          tpu.vector_store_idx %arg11[%broadcast_in_dim3A_231, %add3A_43], %gather3A_236 : memref<512x128xf32, #tpu.memory_space<vmem>>[vector<16xi32>, vector<16xi32>], vector<16xf32>,
          %gather3A_237 = arith.constant 2 : i32
          %gather3A_238 = arith.constant 0 : i32
          %gather3A_239 = arith.constant 0 : i32
          %gather3A_240 = tpu.memref_slice %arg10[%gather3A_237, %gather3A_238, %gather3A_239] : memref<6x64x128xf32, #tpu.memory_space<vmem>> -> memref<1x64x128xf32, #tpu.memory_space<vmem>>
          %gather3A_241 = tpu.memref_squeeze %gather3A_240 : memref<1x64x128xf32, #tpu.memory_space<vmem>> -> memref<64x128xf32, #tpu.memory_space<vmem>>
          %gather3A_242 = tpu.vector_load_idx %gather3A_241[%add3A_47, %broadcast_in_dim3A] : memref<64x128xf32, #tpu.memory_space<vmem>>[vector<16xi32>, vector<16xi32>], vector<16xf32>,
          tpu.vector_store_idx %arg11[%broadcast_in_dim3A_231, %add3A_47], %gather3A_242 : memref<512x128xf32, #tpu.memory_space<vmem>>[vector<16xi32>, vector<16xi32>], vector<16xf32>,
          %gather3A_243 = arith.constant 2 : i32
          %gather3A_244 = arith.constant 0 : i32
          %gather3A_245 = arith.constant 0 : i32
          %gather3A_246 = tpu.memref_slice %arg10[%gather3A_243, %gather3A_244, %gather3A_245] : memref<6x64x128xf32, #tpu.memory_space<vmem>> -> memref<1x64x128xf32, #tpu.memory_space<vmem>>
          %gather3A_247 = tpu.memref_squeeze %gather3A_246 : memref<1x64x128xf32, #tpu.memory_space<vmem>> -> memref<64x128xf32, #tpu.memory_space<vmem>>
          %gather3A_248 = tpu.vector_load_idx %gather3A_247[%add3A_51, %broadcast_in_dim3A] : memref<64x128xf32, #tpu.memory_space<vmem>>[vector<16xi32>, vector<16xi32>], vector<16xf32>,
          tpu.vector_store_idx %arg11[%broadcast_in_dim3A_231, %add3A_51], %gather3A_248 : memref<512x128xf32, #tpu.memory_space<vmem>>[vector<16xi32>, vector<16xi32>], vector<16xf32>,
          %gather3A_249 = arith.constant 2 : i32
          %gather3A_250 = arith.constant 0 : i32
          %gather3A_251 = arith.constant 0 : i32
          %gather3A_252 = tpu.memref_slice %arg10[%gather3A_249, %gather3A_250, %gather3A_251] : memref<6x64x128xf32, #tpu.memory_space<vmem>> -> memref<1x64x128xf32, #tpu.memory_space<vmem>>
          %gather3A_253 = tpu.memref_squeeze %gather3A_252 : memref<1x64x128xf32, #tpu.memory_space<vmem>> -> memref<64x128xf32, #tpu.memory_space<vmem>>
          %gather3A_254 = tpu.vector_load_idx %gather3A_253[%add3A_55, %broadcast_in_dim3A] : memref<64x128xf32, #tpu.memory_space<vmem>>[vector<16xi32>, vector<16xi32>], vector<16xf32>,
          tpu.vector_store_idx %arg11[%broadcast_in_dim3A_231, %add3A_55], %gather3A_254 : memref<512x128xf32, #tpu.memory_space<vmem>>[vector<16xi32>, vector<16xi32>], vector<16xf32>,
          %while3A_255 = arith.constant 0 : i32
          scf.yield %while3A_255 : i32
        }
        %add3A_221 = arith.constant 6 : i32
        %add3A_222 = arith.addi %add3A_161, %add3A_221 : i32
        %lt3A_223 = arith.cmpi slt, %add3A_222, %scan3A_10#0 : i32
        %convert_element_type3A_224 = arith.extui %lt3A_223 : i1 to i32
        %cond3A_225 = arith.constant 0 : i32
        %cond3A_226 = arith.cmpi ne, %convert_element_type3A_224, %cond3A_225 : i32
        scf.if %cond3A_226 {
          %add3A_227 = arith.constant 6 : i32
          %add3A_228 = arith.addi %add3A_161, %add3A_227 : i32
          %get3A_229 = arith.index_cast %add3A_228 : i32 to index
          %get3A_230 = memref.load %arg13[%get3A_229] : memref<516xi32, #tpu.memory_space<smem>>
          %multiple_of3A = tpu.assume_multiple %get3A_230, 128 : i32
          %dma_start3A_231 = arith.constant 2 : i32
          %dma_start3A_232 = arith.constant 0 : i32
          %dma_start3A_233 = arith.constant 0 : i32
          %dma_start3A_234 = tpu.memref_slice %arg10[%dma_start3A_231, %dma_start3A_232, %dma_start3A_233] : memref<6x64x128xf32, #tpu.memory_space<vmem>> -> memref<1x64x128xf32, #tpu.memory_space<vmem>>
          %dma_start3A_235 = tpu.memref_squeeze %dma_start3A_234 : memref<1x64x128xf32, #tpu.memory_space<vmem>> -> memref<64x128xf32, #tpu.memory_space<vmem>>
          %dma_start3A_236 = arith.constant 0 : i32
          %dma_start3A_237 = tpu.memref_slice %arg5[%dma_start3A_236, %multiple_of3A] : memref<64x1000000xf32, #tpu.memory_space<hbm>> -> memref<64x128xf32, #tpu.memory_space<hbm>>
          %dma_start3A_238 = arith.constant 0 : i32
          %dma_start3A_239 = arith.constant 0 : i32
          %dma_start3A_240 = tpu.memref_slice %arg10[%dma_start3A_231, %dma_start3A_238, %dma_start3A_239] : memref<6x64x128xf32, #tpu.memory_space<vmem>> -> memref<1x64x128xf32, #tpu.memory_space<vmem>>
          %dma_start3A_241 = tpu.memref_squeeze %dma_start3A_240 : memref<1x64x128xf32, #tpu.memory_space<vmem>> -> memref<64x128xf32, #tpu.memory_space<vmem>>
          %dma_start3A_242 = arith.constant 0 : i32
          %dma_start3A_243 = tpu.memref_slice %arg5[%dma_start3A_242, %multiple_of3A] : memref<64x1000000xf32, #tpu.memory_space<hbm>> -> memref<64x128xf32, #tpu.memory_space<hbm>>
          tpu.enqueue_dma source(%dma_start3A_243 : memref<64x128xf32, #tpu.memory_space<hbm>>) target(%dma_start3A_241 : memref<64x128xf32, #tpu.memory_space<vmem>>) target_semaphore(%arg15 : memref<!tpu.dma_semaphore, #tpu.memory_space<semaphore_mem>>)
        } else {
        }
      } else {
      }
      %mul3A_166 = arith.constant 6 : i32
      %mul3A_167 = arith.muli %scan3A_141, %mul3A_166 : i32
      %add3A_168 = arith.constant 3 : i32
      %add3A_169 = arith.addi %mul3A_167, %add3A_168 : i32
      %lt3A_170 = arith.cmpi slt, %add3A_169, %scan3A_10#0 : i32
      %convert_element_type3A_171 = arith.extui %lt3A_170 : i1 to i32
      %cond3A_172 = arith.constant 0 : i32
      %cond3A_173 = arith.cmpi ne, %convert_element_type3A_171, %cond3A_172 : i32
      scf.if %cond3A_173 {
        %dma_wait3A_191 = arith.constant 3 : i32
        %dma_wait3A_192 = arith.constant 0 : i32
        %dma_wait3A_193 = arith.constant 0 : i32
        %dma_wait3A_194 = tpu.memref_slice %arg10[%dma_wait3A_191, %dma_wait3A_192, %dma_wait3A_193] : memref<6x64x128xf32, #tpu.memory_space<vmem>> -> memref<1x64x128xf32, #tpu.memory_space<vmem>>
        %dma_wait3A_195 = tpu.memref_squeeze %dma_wait3A_194 : memref<1x64x128xf32, #tpu.memory_space<vmem>> -> memref<64x128xf32, #tpu.memory_space<vmem>>
        %dma_wait3A_196 = arith.constant 0 : i32
        %dma_wait3A_197 = arith.constant 0 : i32
        %dma_wait3A_198 = tpu.memref_slice %arg5[%dma_wait3A_196, %dma_wait3A_197] : memref<64x1000000xf32, #tpu.memory_space<hbm>> -> memref<64x128xf32, #tpu.memory_space<hbm>>
        %dma_wait3A_199 = arith.constant 0 : i32
        %dma_wait3A_200 = arith.constant 0 : i32
        %dma_wait3A_201 = tpu.memref_slice %arg10[%dma_wait3A_191, %dma_wait3A_199, %dma_wait3A_200] : memref<6x64x128xf32, #tpu.memory_space<vmem>> -> memref<1x64x128xf32, #tpu.memory_space<vmem>>
        %dma_wait3A_202 = tpu.memref_squeeze %dma_wait3A_201 : memref<1x64x128xf32, #tpu.memory_space<vmem>> -> memref<64x128xf32, #tpu.memory_space<vmem>>
        %dma_wait3A_203 = arith.constant 0 : i32
        %dma_wait3A_204 = arith.constant 0 : i32
        %dma_wait3A_205 = tpu.memref_slice %arg5[%dma_wait3A_203, %dma_wait3A_204] : memref<64x1000000xf32, #tpu.memory_space<hbm>> -> memref<64x128xf32, #tpu.memory_space<hbm>>
        tpu.wait_dma2 semaphore(%arg15 : memref<!tpu.dma_semaphore, #tpu.memory_space<semaphore_mem>>) src(%dma_wait3A_205 : memref<64x128xf32, #tpu.memory_space<hbm>>) dst(%dma_wait3A_202 : memref<64x128xf32, #tpu.memory_space<vmem>>)
        %get3A = arith.index_cast %add3A_169 : i32 to index
        %get3A_206 = memref.load %arg14[%get3A] : memref<516xi32, #tpu.memory_space<smem>>
        %add3A_207 = arith.constant 1 : i32
        %add3A_208 = arith.addi %add3A_169, %add3A_207 : i32
        %get3A_209 = arith.index_cast %add3A_208 : i32 to index
        %get3A_210 = memref.load %arg14[%get3A_209] : memref<516xi32, #tpu.memory_space<smem>>
        %while3A = arith.constant 0 : i32
        %while3A_211 = arith.subi %get3A_210, %get3A_206 : i32
        %while3A_212 = arith.addi %get3A_206, %while3A_211 : i32
        %while3A_213 = arith.constant 1 : i32
        %while3A_214 = arith.divsi %while3A_211, %while3A_213 : i32
        %while3A_215 = arith.muli %while3A_214, %while3A_213 : i32
        %while3A_216 = arith.addi %get3A_206, %while3A_215 : i32
        %while3A_217 = arith.constant 1 : i32
        %while3A_218 = scf.for %while3A_227 = %get3A_206 to %while3A_216 step %while3A_217 iter_args(%while3A_228 = %while3A) -> (i32)  : i32 {
          %get3A_229 = arith.index_cast %while3A_227 : i32 to index
          %get3A_230 = memref.load %arg12[%get3A_229] : memref<512xi32, #tpu.memory_space<smem>>
          %broadcast_in_dim3A = vector.broadcast %get3A_230 : i32 to vector<16xi32>
          %broadcast_in_dim3A_231 = vector.broadcast %while3A_227 : i32 to vector<16xi32>
          %gather3A = arith.constant 3 : i32
          %gather3A_232 = arith.constant 0 : i32
          %gather3A_233 = arith.constant 0 : i32
          %gather3A_234 = tpu.memref_slice %arg10[%gather3A, %gather3A_232, %gather3A_233] : memref<6x64x128xf32, #tpu.memory_space<vmem>> -> memref<1x64x128xf32, #tpu.memory_space<vmem>>
          %gather3A_235 = tpu.memref_squeeze %gather3A_234 : memref<1x64x128xf32, #tpu.memory_space<vmem>> -> memref<64x128xf32, #tpu.memory_space<vmem>>
          %gather3A_236 = tpu.vector_load_idx %gather3A_235[%add3A_43, %broadcast_in_dim3A] : memref<64x128xf32, #tpu.memory_space<vmem>>[vector<16xi32>, vector<16xi32>], vector<16xf32>,
          tpu.vector_store_idx %arg11[%broadcast_in_dim3A_231, %add3A_43], %gather3A_236 : memref<512x128xf32, #tpu.memory_space<vmem>>[vector<16xi32>, vector<16xi32>], vector<16xf32>,
          %gather3A_237 = arith.constant 3 : i32
          %gather3A_238 = arith.constant 0 : i32
          %gather3A_239 = arith.constant 0 : i32
          %gather3A_240 = tpu.memref_slice %arg10[%gather3A_237, %gather3A_238, %gather3A_239] : memref<6x64x128xf32, #tpu.memory_space<vmem>> -> memref<1x64x128xf32, #tpu.memory_space<vmem>>
          %gather3A_241 = tpu.memref_squeeze %gather3A_240 : memref<1x64x128xf32, #tpu.memory_space<vmem>> -> memref<64x128xf32, #tpu.memory_space<vmem>>
          %gather3A_242 = tpu.vector_load_idx %gather3A_241[%add3A_47, %broadcast_in_dim3A] : memref<64x128xf32, #tpu.memory_space<vmem>>[vector<16xi32>, vector<16xi32>], vector<16xf32>,
          tpu.vector_store_idx %arg11[%broadcast_in_dim3A_231, %add3A_47], %gather3A_242 : memref<512x128xf32, #tpu.memory_space<vmem>>[vector<16xi32>, vector<16xi32>], vector<16xf32>,
          %gather3A_243 = arith.constant 3 : i32
          %gather3A_244 = arith.constant 0 : i32
          %gather3A_245 = arith.constant 0 : i32
          %gather3A_246 = tpu.memref_slice %arg10[%gather3A_243, %gather3A_244, %gather3A_245] : memref<6x64x128xf32, #tpu.memory_space<vmem>> -> memref<1x64x128xf32, #tpu.memory_space<vmem>>
          %gather3A_247 = tpu.memref_squeeze %gather3A_246 : memref<1x64x128xf32, #tpu.memory_space<vmem>> -> memref<64x128xf32, #tpu.memory_space<vmem>>
          %gather3A_248 = tpu.vector_load_idx %gather3A_247[%add3A_51, %broadcast_in_dim3A] : memref<64x128xf32, #tpu.memory_space<vmem>>[vector<16xi32>, vector<16xi32>], vector<16xf32>,
          tpu.vector_store_idx %arg11[%broadcast_in_dim3A_231, %add3A_51], %gather3A_248 : memref<512x128xf32, #tpu.memory_space<vmem>>[vector<16xi32>, vector<16xi32>], vector<16xf32>,
          %gather3A_249 = arith.constant 3 : i32
          %gather3A_250 = arith.constant 0 : i32
          %gather3A_251 = arith.constant 0 : i32
          %gather3A_252 = tpu.memref_slice %arg10[%gather3A_249, %gather3A_250, %gather3A_251] : memref<6x64x128xf32, #tpu.memory_space<vmem>> -> memref<1x64x128xf32, #tpu.memory_space<vmem>>
          %gather3A_253 = tpu.memref_squeeze %gather3A_252 : memref<1x64x128xf32, #tpu.memory_space<vmem>> -> memref<64x128xf32, #tpu.memory_space<vmem>>
          %gather3A_254 = tpu.vector_load_idx %gather3A_253[%add3A_55, %broadcast_in_dim3A] : memref<64x128xf32, #tpu.memory_space<vmem>>[vector<16xi32>, vector<16xi32>], vector<16xf32>,
          tpu.vector_store_idx %arg11[%broadcast_in_dim3A_231, %add3A_55], %gather3A_254 : memref<512x128xf32, #tpu.memory_space<vmem>>[vector<16xi32>, vector<16xi32>], vector<16xf32>,
          %while3A_255 = arith.constant 0 : i32
          scf.yield %while3A_255 : i32
        }
        %while3A_219 = arith.constant 1 : i32
        %while3A_220 = scf.for %while3A_227 = %while3A_216 to %while3A_212 step %while3A_219 iter_args(%while3A_228 = %while3A_218) -> (i32)  : i32 {
          %get3A_229 = arith.index_cast %while3A_227 : i32 to index
          %get3A_230 = memref.load %arg12[%get3A_229] : memref<512xi32, #tpu.memory_space<smem>>
          %broadcast_in_dim3A = vector.broadcast %get3A_230 : i32 to vector<16xi32>
          %broadcast_in_dim3A_231 = vector.broadcast %while3A_227 : i32 to vector<16xi32>
          %gather3A = arith.constant 3 : i32
          %gather3A_232 = arith.constant 0 : i32
          %gather3A_233 = arith.constant 0 : i32
          %gather3A_234 = tpu.memref_slice %arg10[%gather3A, %gather3A_232, %gather3A_233] : memref<6x64x128xf32, #tpu.memory_space<vmem>> -> memref<1x64x128xf32, #tpu.memory_space<vmem>>
          %gather3A_235 = tpu.memref_squeeze %gather3A_234 : memref<1x64x128xf32, #tpu.memory_space<vmem>> -> memref<64x128xf32, #tpu.memory_space<vmem>>
          %gather3A_236 = tpu.vector_load_idx %gather3A_235[%add3A_43, %broadcast_in_dim3A] : memref<64x128xf32, #tpu.memory_space<vmem>>[vector<16xi32>, vector<16xi32>], vector<16xf32>,
          tpu.vector_store_idx %arg11[%broadcast_in_dim3A_231, %add3A_43], %gather3A_236 : memref<512x128xf32, #tpu.memory_space<vmem>>[vector<16xi32>, vector<16xi32>], vector<16xf32>,
          %gather3A_237 = arith.constant 3 : i32
          %gather3A_238 = arith.constant 0 : i32
          %gather3A_239 = arith.constant 0 : i32
          %gather3A_240 = tpu.memref_slice %arg10[%gather3A_237, %gather3A_238, %gather3A_239] : memref<6x64x128xf32, #tpu.memory_space<vmem>> -> memref<1x64x128xf32, #tpu.memory_space<vmem>>
          %gather3A_241 = tpu.memref_squeeze %gather3A_240 : memref<1x64x128xf32, #tpu.memory_space<vmem>> -> memref<64x128xf32, #tpu.memory_space<vmem>>
          %gather3A_242 = tpu.vector_load_idx %gather3A_241[%add3A_47, %broadcast_in_dim3A] : memref<64x128xf32, #tpu.memory_space<vmem>>[vector<16xi32>, vector<16xi32>], vector<16xf32>,
          tpu.vector_store_idx %arg11[%broadcast_in_dim3A_231, %add3A_47], %gather3A_242 : memref<512x128xf32, #tpu.memory_space<vmem>>[vector<16xi32>, vector<16xi32>], vector<16xf32>,
          %gather3A_243 = arith.constant 3 : i32
          %gather3A_244 = arith.constant 0 : i32
          %gather3A_245 = arith.constant 0 : i32
          %gather3A_246 = tpu.memref_slice %arg10[%gather3A_243, %gather3A_244, %gather3A_245] : memref<6x64x128xf32, #tpu.memory_space<vmem>> -> memref<1x64x128xf32, #tpu.memory_space<vmem>>
          %gather3A_247 = tpu.memref_squeeze %gather3A_246 : memref<1x64x128xf32, #tpu.memory_space<vmem>> -> memref<64x128xf32, #tpu.memory_space<vmem>>
          %gather3A_248 = tpu.vector_load_idx %gather3A_247[%add3A_51, %broadcast_in_dim3A] : memref<64x128xf32, #tpu.memory_space<vmem>>[vector<16xi32>, vector<16xi32>], vector<16xf32>,
          tpu.vector_store_idx %arg11[%broadcast_in_dim3A_231, %add3A_51], %gather3A_248 : memref<512x128xf32, #tpu.memory_space<vmem>>[vector<16xi32>, vector<16xi32>], vector<16xf32>,
          %gather3A_249 = arith.constant 3 : i32
          %gather3A_250 = arith.constant 0 : i32
          %gather3A_251 = arith.constant 0 : i32
          %gather3A_252 = tpu.memref_slice %arg10[%gather3A_249, %gather3A_250, %gather3A_251] : memref<6x64x128xf32, #tpu.memory_space<vmem>> -> memref<1x64x128xf32, #tpu.memory_space<vmem>>
          %gather3A_253 = tpu.memref_squeeze %gather3A_252 : memref<1x64x128xf32, #tpu.memory_space<vmem>> -> memref<64x128xf32, #tpu.memory_space<vmem>>
          %gather3A_254 = tpu.vector_load_idx %gather3A_253[%add3A_55, %broadcast_in_dim3A] : memref<64x128xf32, #tpu.memory_space<vmem>>[vector<16xi32>, vector<16xi32>], vector<16xf32>,
          tpu.vector_store_idx %arg11[%broadcast_in_dim3A_231, %add3A_55], %gather3A_254 : memref<512x128xf32, #tpu.memory_space<vmem>>[vector<16xi32>, vector<16xi32>], vector<16xf32>,
          %while3A_255 = arith.constant 0 : i32
          scf.yield %while3A_255 : i32
        }
        %add3A_221 = arith.constant 6 : i32
        %add3A_222 = arith.addi %add3A_169, %add3A_221 : i32
        %lt3A_223 = arith.cmpi slt, %add3A_222, %scan3A_10#0 : i32
        %convert_element_type3A_224 = arith.extui %lt3A_223 : i1 to i32
        %cond3A_225 = arith.constant 0 : i32
        %cond3A_226 = arith.cmpi ne, %convert_element_type3A_224, %cond3A_225 : i32
        scf.if %cond3A_226 {
          %add3A_227 = arith.constant 6 : i32
          %add3A_228 = arith.addi %add3A_169, %add3A_227 : i32
          %get3A_229 = arith.index_cast %add3A_228 : i32 to index
          %get3A_230 = memref.load %arg13[%get3A_229] : memref<516xi32, #tpu.memory_space<smem>>
          %multiple_of3A = tpu.assume_multiple %get3A_230, 128 : i32
          %dma_start3A_231 = arith.constant 3 : i32
          %dma_start3A_232 = arith.constant 0 : i32
          %dma_start3A_233 = arith.constant 0 : i32
          %dma_start3A_234 = tpu.memref_slice %arg10[%dma_start3A_231, %dma_start3A_232, %dma_start3A_233] : memref<6x64x128xf32, #tpu.memory_space<vmem>> -> memref<1x64x128xf32, #tpu.memory_space<vmem>>
          %dma_start3A_235 = tpu.memref_squeeze %dma_start3A_234 : memref<1x64x128xf32, #tpu.memory_space<vmem>> -> memref<64x128xf32, #tpu.memory_space<vmem>>
          %dma_start3A_236 = arith.constant 0 : i32
          %dma_start3A_237 = tpu.memref_slice %arg5[%dma_start3A_236, %multiple_of3A] : memref<64x1000000xf32, #tpu.memory_space<hbm>> -> memref<64x128xf32, #tpu.memory_space<hbm>>
          %dma_start3A_238 = arith.constant 0 : i32
          %dma_start3A_239 = arith.constant 0 : i32
          %dma_start3A_240 = tpu.memref_slice %arg10[%dma_start3A_231, %dma_start3A_238, %dma_start3A_239] : memref<6x64x128xf32, #tpu.memory_space<vmem>> -> memref<1x64x128xf32, #tpu.memory_space<vmem>>
          %dma_start3A_241 = tpu.memref_squeeze %dma_start3A_240 : memref<1x64x128xf32, #tpu.memory_space<vmem>> -> memref<64x128xf32, #tpu.memory_space<vmem>>
          %dma_start3A_242 = arith.constant 0 : i32
          %dma_start3A_243 = tpu.memref_slice %arg5[%dma_start3A_242, %multiple_of3A] : memref<64x1000000xf32, #tpu.memory_space<hbm>> -> memref<64x128xf32, #tpu.memory_space<hbm>>
          tpu.enqueue_dma source(%dma_start3A_243 : memref<64x128xf32, #tpu.memory_space<hbm>>) target(%dma_start3A_241 : memref<64x128xf32, #tpu.memory_space<vmem>>) target_semaphore(%arg15 : memref<!tpu.dma_semaphore, #tpu.memory_space<semaphore_mem>>)
        } else {
        }
      } else {
      }
      %mul3A_174 = arith.constant 6 : i32
      %mul3A_175 = arith.muli %scan3A_141, %mul3A_174 : i32
      %add3A_176 = arith.constant 4 : i32
      %add3A_177 = arith.addi %mul3A_175, %add3A_176 : i32
      %lt3A_178 = arith.cmpi slt, %add3A_177, %scan3A_10#0 : i32
      %convert_element_type3A_179 = arith.extui %lt3A_178 : i1 to i32
      %cond3A_180 = arith.constant 0 : i32
      %cond3A_181 = arith.cmpi ne, %convert_element_type3A_179, %cond3A_180 : i32
      scf.if %cond3A_181 {
        %dma_wait3A_191 = arith.constant 4 : i32
        %dma_wait3A_192 = arith.constant 0 : i32
        %dma_wait3A_193 = arith.constant 0 : i32
        %dma_wait3A_194 = tpu.memref_slice %arg10[%dma_wait3A_191, %dma_wait3A_192, %dma_wait3A_193] : memref<6x64x128xf32, #tpu.memory_space<vmem>> -> memref<1x64x128xf32, #tpu.memory_space<vmem>>
        %dma_wait3A_195 = tpu.memref_squeeze %dma_wait3A_194 : memref<1x64x128xf32, #tpu.memory_space<vmem>> -> memref<64x128xf32, #tpu.memory_space<vmem>>
        %dma_wait3A_196 = arith.constant 0 : i32
        %dma_wait3A_197 = arith.constant 0 : i32
        %dma_wait3A_198 = tpu.memref_slice %arg5[%dma_wait3A_196, %dma_wait3A_197] : memref<64x1000000xf32, #tpu.memory_space<hbm>> -> memref<64x128xf32, #tpu.memory_space<hbm>>
        %dma_wait3A_199 = arith.constant 0 : i32
        %dma_wait3A_200 = arith.constant 0 : i32
        %dma_wait3A_201 = tpu.memref_slice %arg10[%dma_wait3A_191, %dma_wait3A_199, %dma_wait3A_200] : memref<6x64x128xf32, #tpu.memory_space<vmem>> -> memref<1x64x128xf32, #tpu.memory_space<vmem>>
        %dma_wait3A_202 = tpu.memref_squeeze %dma_wait3A_201 : memref<1x64x128xf32, #tpu.memory_space<vmem>> -> memref<64x128xf32, #tpu.memory_space<vmem>>
        %dma_wait3A_203 = arith.constant 0 : i32
        %dma_wait3A_204 = arith.constant 0 : i32
        %dma_wait3A_205 = tpu.memref_slice %arg5[%dma_wait3A_203, %dma_wait3A_204] : memref<64x1000000xf32, #tpu.memory_space<hbm>> -> memref<64x128xf32, #tpu.memory_space<hbm>>
        tpu.wait_dma2 semaphore(%arg15 : memref<!tpu.dma_semaphore, #tpu.memory_space<semaphore_mem>>) src(%dma_wait3A_205 : memref<64x128xf32, #tpu.memory_space<hbm>>) dst(%dma_wait3A_202 : memref<64x128xf32, #tpu.memory_space<vmem>>)
        %get3A = arith.index_cast %add3A_177 : i32 to index
        %get3A_206 = memref.load %arg14[%get3A] : memref<516xi32, #tpu.memory_space<smem>>
        %add3A_207 = arith.constant 1 : i32
        %add3A_208 = arith.addi %add3A_177, %add3A_207 : i32
        %get3A_209 = arith.index_cast %add3A_208 : i32 to index
        %get3A_210 = memref.load %arg14[%get3A_209] : memref<516xi32, #tpu.memory_space<smem>>
        %while3A = arith.constant 0 : i32
        %while3A_211 = arith.subi %get3A_210, %get3A_206 : i32
        %while3A_212 = arith.addi %get3A_206, %while3A_211 : i32
        %while3A_213 = arith.constant 1 : i32
        %while3A_214 = arith.divsi %while3A_211, %while3A_213 : i32
        %while3A_215 = arith.muli %while3A_214, %while3A_213 : i32
        %while3A_216 = arith.addi %get3A_206, %while3A_215 : i32
        %while3A_217 = arith.constant 1 : i32
        %while3A_218 = scf.for %while3A_227 = %get3A_206 to %while3A_216 step %while3A_217 iter_args(%while3A_228 = %while3A) -> (i32)  : i32 {
          %get3A_229 = arith.index_cast %while3A_227 : i32 to index
          %get3A_230 = memref.load %arg12[%get3A_229] : memref<512xi32, #tpu.memory_space<smem>>
          %broadcast_in_dim3A = vector.broadcast %get3A_230 : i32 to vector<16xi32>
          %broadcast_in_dim3A_231 = vector.broadcast %while3A_227 : i32 to vector<16xi32>
          %gather3A = arith.constant 4 : i32
          %gather3A_232 = arith.constant 0 : i32
          %gather3A_233 = arith.constant 0 : i32
          %gather3A_234 = tpu.memref_slice %arg10[%gather3A, %gather3A_232, %gather3A_233] : memref<6x64x128xf32, #tpu.memory_space<vmem>> -> memref<1x64x128xf32, #tpu.memory_space<vmem>>
          %gather3A_235 = tpu.memref_squeeze %gather3A_234 : memref<1x64x128xf32, #tpu.memory_space<vmem>> -> memref<64x128xf32, #tpu.memory_space<vmem>>
          %gather3A_236 = tpu.vector_load_idx %gather3A_235[%add3A_43, %broadcast_in_dim3A] : memref<64x128xf32, #tpu.memory_space<vmem>>[vector<16xi32>, vector<16xi32>], vector<16xf32>,
          tpu.vector_store_idx %arg11[%broadcast_in_dim3A_231, %add3A_43], %gather3A_236 : memref<512x128xf32, #tpu.memory_space<vmem>>[vector<16xi32>, vector<16xi32>], vector<16xf32>,
          %gather3A_237 = arith.constant 4 : i32
          %gather3A_238 = arith.constant 0 : i32
          %gather3A_239 = arith.constant 0 : i32
          %gather3A_240 = tpu.memref_slice %arg10[%gather3A_237, %gather3A_238, %gather3A_239] : memref<6x64x128xf32, #tpu.memory_space<vmem>> -> memref<1x64x128xf32, #tpu.memory_space<vmem>>
          %gather3A_241 = tpu.memref_squeeze %gather3A_240 : memref<1x64x128xf32, #tpu.memory_space<vmem>> -> memref<64x128xf32, #tpu.memory_space<vmem>>
          %gather3A_242 = tpu.vector_load_idx %gather3A_241[%add3A_47, %broadcast_in_dim3A] : memref<64x128xf32, #tpu.memory_space<vmem>>[vector<16xi32>, vector<16xi32>], vector<16xf32>,
          tpu.vector_store_idx %arg11[%broadcast_in_dim3A_231, %add3A_47], %gather3A_242 : memref<512x128xf32, #tpu.memory_space<vmem>>[vector<16xi32>, vector<16xi32>], vector<16xf32>,
          %gather3A_243 = arith.constant 4 : i32
          %gather3A_244 = arith.constant 0 : i32
          %gather3A_245 = arith.constant 0 : i32
          %gather3A_246 = tpu.memref_slice %arg10[%gather3A_243, %gather3A_244, %gather3A_245] : memref<6x64x128xf32, #tpu.memory_space<vmem>> -> memref<1x64x128xf32, #tpu.memory_space<vmem>>
          %gather3A_247 = tpu.memref_squeeze %gather3A_246 : memref<1x64x128xf32, #tpu.memory_space<vmem>> -> memref<64x128xf32, #tpu.memory_space<vmem>>
          %gather3A_248 = tpu.vector_load_idx %gather3A_247[%add3A_51, %broadcast_in_dim3A] : memref<64x128xf32, #tpu.memory_space<vmem>>[vector<16xi32>, vector<16xi32>], vector<16xf32>,
          tpu.vector_store_idx %arg11[%broadcast_in_dim3A_231, %add3A_51], %gather3A_248 : memref<512x128xf32, #tpu.memory_space<vmem>>[vector<16xi32>, vector<16xi32>], vector<16xf32>,
          %gather3A_249 = arith.constant 4 : i32
          %gather3A_250 = arith.constant 0 : i32
          %gather3A_251 = arith.constant 0 : i32
          %gather3A_252 = tpu.memref_slice %arg10[%gather3A_249, %gather3A_250, %gather3A_251] : memref<6x64x128xf32, #tpu.memory_space<vmem>> -> memref<1x64x128xf32, #tpu.memory_space<vmem>>
          %gather3A_253 = tpu.memref_squeeze %gather3A_252 : memref<1x64x128xf32, #tpu.memory_space<vmem>> -> memref<64x128xf32, #tpu.memory_space<vmem>>
          %gather3A_254 = tpu.vector_load_idx %gather3A_253[%add3A_55, %broadcast_in_dim3A] : memref<64x128xf32, #tpu.memory_space<vmem>>[vector<16xi32>, vector<16xi32>], vector<16xf32>,
          tpu.vector_store_idx %arg11[%broadcast_in_dim3A_231, %add3A_55], %gather3A_254 : memref<512x128xf32, #tpu.memory_space<vmem>>[vector<16xi32>, vector<16xi32>], vector<16xf32>,
          %while3A_255 = arith.constant 0 : i32
          scf.yield %while3A_255 : i32
        }
        %while3A_219 = arith.constant 1 : i32
        %while3A_220 = scf.for %while3A_227 = %while3A_216 to %while3A_212 step %while3A_219 iter_args(%while3A_228 = %while3A_218) -> (i32)  : i32 {
          %get3A_229 = arith.index_cast %while3A_227 : i32 to index
          %get3A_230 = memref.load %arg12[%get3A_229] : memref<512xi32, #tpu.memory_space<smem>>
          %broadcast_in_dim3A = vector.broadcast %get3A_230 : i32 to vector<16xi32>
          %broadcast_in_dim3A_231 = vector.broadcast %while3A_227 : i32 to vector<16xi32>
          %gather3A = arith.constant 4 : i32
          %gather3A_232 = arith.constant 0 : i32
          %gather3A_233 = arith.constant 0 : i32
          %gather3A_234 = tpu.memref_slice %arg10[%gather3A, %gather3A_232, %gather3A_233] : memref<6x64x128xf32, #tpu.memory_space<vmem>> -> memref<1x64x128xf32, #tpu.memory_space<vmem>>
          %gather3A_235 = tpu.memref_squeeze %gather3A_234 : memref<1x64x128xf32, #tpu.memory_space<vmem>> -> memref<64x128xf32, #tpu.memory_space<vmem>>
          %gather3A_236 = tpu.vector_load_idx %gather3A_235[%add3A_43, %broadcast_in_dim3A] : memref<64x128xf32, #tpu.memory_space<vmem>>[vector<16xi32>, vector<16xi32>], vector<16xf32>,
          tpu.vector_store_idx %arg11[%broadcast_in_dim3A_231, %add3A_43], %gather3A_236 : memref<512x128xf32, #tpu.memory_space<vmem>>[vector<16xi32>, vector<16xi32>], vector<16xf32>,
          %gather3A_237 = arith.constant 4 : i32
          %gather3A_238 = arith.constant 0 : i32
          %gather3A_239 = arith.constant 0 : i32
          %gather3A_240 = tpu.memref_slice %arg10[%gather3A_237, %gather3A_238, %gather3A_239] : memref<6x64x128xf32, #tpu.memory_space<vmem>> -> memref<1x64x128xf32, #tpu.memory_space<vmem>>
          %gather3A_241 = tpu.memref_squeeze %gather3A_240 : memref<1x64x128xf32, #tpu.memory_space<vmem>> -> memref<64x128xf32, #tpu.memory_space<vmem>>
          %gather3A_242 = tpu.vector_load_idx %gather3A_241[%add3A_47, %broadcast_in_dim3A] : memref<64x128xf32, #tpu.memory_space<vmem>>[vector<16xi32>, vector<16xi32>], vector<16xf32>,
          tpu.vector_store_idx %arg11[%broadcast_in_dim3A_231, %add3A_47], %gather3A_242 : memref<512x128xf32, #tpu.memory_space<vmem>>[vector<16xi32>, vector<16xi32>], vector<16xf32>,
          %gather3A_243 = arith.constant 4 : i32
          %gather3A_244 = arith.constant 0 : i32
          %gather3A_245 = arith.constant 0 : i32
          %gather3A_246 = tpu.memref_slice %arg10[%gather3A_243, %gather3A_244, %gather3A_245] : memref<6x64x128xf32, #tpu.memory_space<vmem>> -> memref<1x64x128xf32, #tpu.memory_space<vmem>>
          %gather3A_247 = tpu.memref_squeeze %gather3A_246 : memref<1x64x128xf32, #tpu.memory_space<vmem>> -> memref<64x128xf32, #tpu.memory_space<vmem>>
          %gather3A_248 = tpu.vector_load_idx %gather3A_247[%add3A_51, %broadcast_in_dim3A] : memref<64x128xf32, #tpu.memory_space<vmem>>[vector<16xi32>, vector<16xi32>], vector<16xf32>,
          tpu.vector_store_idx %arg11[%broadcast_in_dim3A_231, %add3A_51], %gather3A_248 : memref<512x128xf32, #tpu.memory_space<vmem>>[vector<16xi32>, vector<16xi32>], vector<16xf32>,
          %gather3A_249 = arith.constant 4 : i32
          %gather3A_250 = arith.constant 0 : i32
          %gather3A_251 = arith.constant 0 : i32
          %gather3A_252 = tpu.memref_slice %arg10[%gather3A_249, %gather3A_250, %gather3A_251] : memref<6x64x128xf32, #tpu.memory_space<vmem>> -> memref<1x64x128xf32, #tpu.memory_space<vmem>>
          %gather3A_253 = tpu.memref_squeeze %gather3A_252 : memref<1x64x128xf32, #tpu.memory_space<vmem>> -> memref<64x128xf32, #tpu.memory_space<vmem>>
          %gather3A_254 = tpu.vector_load_idx %gather3A_253[%add3A_55, %broadcast_in_dim3A] : memref<64x128xf32, #tpu.memory_space<vmem>>[vector<16xi32>, vector<16xi32>], vector<16xf32>,
          tpu.vector_store_idx %arg11[%broadcast_in_dim3A_231, %add3A_55], %gather3A_254 : memref<512x128xf32, #tpu.memory_space<vmem>>[vector<16xi32>, vector<16xi32>], vector<16xf32>,
          %while3A_255 = arith.constant 0 : i32
          scf.yield %while3A_255 : i32
        }
        %add3A_221 = arith.constant 6 : i32
        %add3A_222 = arith.addi %add3A_177, %add3A_221 : i32
        %lt3A_223 = arith.cmpi slt, %add3A_222, %scan3A_10#0 : i32
        %convert_element_type3A_224 = arith.extui %lt3A_223 : i1 to i32
        %cond3A_225 = arith.constant 0 : i32
        %cond3A_226 = arith.cmpi ne, %convert_element_type3A_224, %cond3A_225 : i32
        scf.if %cond3A_226 {
          %add3A_227 = arith.constant 6 : i32
          %add3A_228 = arith.addi %add3A_177, %add3A_227 : i32
          %get3A_229 = arith.index_cast %add3A_228 : i32 to index
          %get3A_230 = memref.load %arg13[%get3A_229] : memref<516xi32, #tpu.memory_space<smem>>
          %multiple_of3A = tpu.assume_multiple %get3A_230, 128 : i32
          %dma_start3A_231 = arith.constant 4 : i32
          %dma_start3A_232 = arith.constant 0 : i32
          %dma_start3A_233 = arith.constant 0 : i32
          %dma_start3A_234 = tpu.memref_slice %arg10[%dma_start3A_231, %dma_start3A_232, %dma_start3A_233] : memref<6x64x128xf32, #tpu.memory_space<vmem>> -> memref<1x64x128xf32, #tpu.memory_space<vmem>>
          %dma_start3A_235 = tpu.memref_squeeze %dma_start3A_234 : memref<1x64x128xf32, #tpu.memory_space<vmem>> -> memref<64x128xf32, #tpu.memory_space<vmem>>
          %dma_start3A_236 = arith.constant 0 : i32
          %dma_start3A_237 = tpu.memref_slice %arg5[%dma_start3A_236, %multiple_of3A] : memref<64x1000000xf32, #tpu.memory_space<hbm>> -> memref<64x128xf32, #tpu.memory_space<hbm>>
          %dma_start3A_238 = arith.constant 0 : i32
          %dma_start3A_239 = arith.constant 0 : i32
          %dma_start3A_240 = tpu.memref_slice %arg10[%dma_start3A_231, %dma_start3A_238, %dma_start3A_239] : memref<6x64x128xf32, #tpu.memory_space<vmem>> -> memref<1x64x128xf32, #tpu.memory_space<vmem>>
          %dma_start3A_241 = tpu.memref_squeeze %dma_start3A_240 : memref<1x64x128xf32, #tpu.memory_space<vmem>> -> memref<64x128xf32, #tpu.memory_space<vmem>>
          %dma_start3A_242 = arith.constant 0 : i32
          %dma_start3A_243 = tpu.memref_slice %arg5[%dma_start3A_242, %multiple_of3A] : memref<64x1000000xf32, #tpu.memory_space<hbm>> -> memref<64x128xf32, #tpu.memory_space<hbm>>
          tpu.enqueue_dma source(%dma_start3A_243 : memref<64x128xf32, #tpu.memory_space<hbm>>) target(%dma_start3A_241 : memref<64x128xf32, #tpu.memory_space<vmem>>) target_semaphore(%arg15 : memref<!tpu.dma_semaphore, #tpu.memory_space<semaphore_mem>>)
        } else {
        }
      } else {
      }
      %mul3A_182 = arith.constant 6 : i32
      %mul3A_183 = arith.muli %scan3A_141, %mul3A_182 : i32
      %add3A_184 = arith.constant 5 : i32
      %add3A_185 = arith.addi %mul3A_183, %add3A_184 : i32
      %lt3A_186 = arith.cmpi slt, %add3A_185, %scan3A_10#0 : i32
      %convert_element_type3A_187 = arith.extui %lt3A_186 : i1 to i32
      %cond3A_188 = arith.constant 0 : i32
      %cond3A_189 = arith.cmpi ne, %convert_element_type3A_187, %cond3A_188 : i32
      scf.if %cond3A_189 {
        %dma_wait3A_191 = arith.constant 5 : i32
        %dma_wait3A_192 = arith.constant 0 : i32
        %dma_wait3A_193 = arith.constant 0 : i32
        %dma_wait3A_194 = tpu.memref_slice %arg10[%dma_wait3A_191, %dma_wait3A_192, %dma_wait3A_193] : memref<6x64x128xf32, #tpu.memory_space<vmem>> -> memref<1x64x128xf32, #tpu.memory_space<vmem>>
        %dma_wait3A_195 = tpu.memref_squeeze %dma_wait3A_194 : memref<1x64x128xf32, #tpu.memory_space<vmem>> -> memref<64x128xf32, #tpu.memory_space<vmem>>
        %dma_wait3A_196 = arith.constant 0 : i32
        %dma_wait3A_197 = arith.constant 0 : i32
        %dma_wait3A_198 = tpu.memref_slice %arg5[%dma_wait3A_196, %dma_wait3A_197] : memref<64x1000000xf32, #tpu.memory_space<hbm>> -> memref<64x128xf32, #tpu.memory_space<hbm>>
        %dma_wait3A_199 = arith.constant 0 : i32
        %dma_wait3A_200 = arith.constant 0 : i32
        %dma_wait3A_201 = tpu.memref_slice %arg10[%dma_wait3A_191, %dma_wait3A_199, %dma_wait3A_200] : memref<6x64x128xf32, #tpu.memory_space<vmem>> -> memref<1x64x128xf32, #tpu.memory_space<vmem>>
        %dma_wait3A_202 = tpu.memref_squeeze %dma_wait3A_201 : memref<1x64x128xf32, #tpu.memory_space<vmem>> -> memref<64x128xf32, #tpu.memory_space<vmem>>
        %dma_wait3A_203 = arith.constant 0 : i32
        %dma_wait3A_204 = arith.constant 0 : i32
        %dma_wait3A_205 = tpu.memref_slice %arg5[%dma_wait3A_203, %dma_wait3A_204] : memref<64x1000000xf32, #tpu.memory_space<hbm>> -> memref<64x128xf32, #tpu.memory_space<hbm>>
        tpu.wait_dma2 semaphore(%arg15 : memref<!tpu.dma_semaphore, #tpu.memory_space<semaphore_mem>>) src(%dma_wait3A_205 : memref<64x128xf32, #tpu.memory_space<hbm>>) dst(%dma_wait3A_202 : memref<64x128xf32, #tpu.memory_space<vmem>>)
        %get3A = arith.index_cast %add3A_185 : i32 to index
        %get3A_206 = memref.load %arg14[%get3A] : memref<516xi32, #tpu.memory_space<smem>>
        %add3A_207 = arith.constant 1 : i32
        %add3A_208 = arith.addi %add3A_185, %add3A_207 : i32
        %get3A_209 = arith.index_cast %add3A_208 : i32 to index
        %get3A_210 = memref.load %arg14[%get3A_209] : memref<516xi32, #tpu.memory_space<smem>>
        %while3A = arith.constant 0 : i32
        %while3A_211 = arith.subi %get3A_210, %get3A_206 : i32
        %while3A_212 = arith.addi %get3A_206, %while3A_211 : i32
        %while3A_213 = arith.constant 1 : i32
        %while3A_214 = arith.divsi %while3A_211, %while3A_213 : i32
        %while3A_215 = arith.muli %while3A_214, %while3A_213 : i32
        %while3A_216 = arith.addi %get3A_206, %while3A_215 : i32
        %while3A_217 = arith.constant 1 : i32
        %while3A_218 = scf.for %while3A_227 = %get3A_206 to %while3A_216 step %while3A_217 iter_args(%while3A_228 = %while3A) -> (i32)  : i32 {
          %get3A_229 = arith.index_cast %while3A_227 : i32 to index
          %get3A_230 = memref.load %arg12[%get3A_229] : memref<512xi32, #tpu.memory_space<smem>>
          %broadcast_in_dim3A = vector.broadcast %get3A_230 : i32 to vector<16xi32>
          %broadcast_in_dim3A_231 = vector.broadcast %while3A_227 : i32 to vector<16xi32>
          %gather3A = arith.constant 5 : i32
          %gather3A_232 = arith.constant 0 : i32
          %gather3A_233 = arith.constant 0 : i32
          %gather3A_234 = tpu.memref_slice %arg10[%gather3A, %gather3A_232, %gather3A_233] : memref<6x64x128xf32, #tpu.memory_space<vmem>> -> memref<1x64x128xf32, #tpu.memory_space<vmem>>
          %gather3A_235 = tpu.memref_squeeze %gather3A_234 : memref<1x64x128xf32, #tpu.memory_space<vmem>> -> memref<64x128xf32, #tpu.memory_space<vmem>>
          %gather3A_236 = tpu.vector_load_idx %gather3A_235[%add3A_43, %broadcast_in_dim3A] : memref<64x128xf32, #tpu.memory_space<vmem>>[vector<16xi32>, vector<16xi32>], vector<16xf32>,
          tpu.vector_store_idx %arg11[%broadcast_in_dim3A_231, %add3A_43], %gather3A_236 : memref<512x128xf32, #tpu.memory_space<vmem>>[vector<16xi32>, vector<16xi32>], vector<16xf32>,
          %gather3A_237 = arith.constant 5 : i32
          %gather3A_238 = arith.constant 0 : i32
          %gather3A_239 = arith.constant 0 : i32
          %gather3A_240 = tpu.memref_slice %arg10[%gather3A_237, %gather3A_238, %gather3A_239] : memref<6x64x128xf32, #tpu.memory_space<vmem>> -> memref<1x64x128xf32, #tpu.memory_space<vmem>>
          %gather3A_241 = tpu.memref_squeeze %gather3A_240 : memref<1x64x128xf32, #tpu.memory_space<vmem>> -> memref<64x128xf32, #tpu.memory_space<vmem>>
          %gather3A_242 = tpu.vector_load_idx %gather3A_241[%add3A_47, %broadcast_in_dim3A] : memref<64x128xf32, #tpu.memory_space<vmem>>[vector<16xi32>, vector<16xi32>], vector<16xf32>,
          tpu.vector_store_idx %arg11[%broadcast_in_dim3A_231, %add3A_47], %gather3A_242 : memref<512x128xf32, #tpu.memory_space<vmem>>[vector<16xi32>, vector<16xi32>], vector<16xf32>,
          %gather3A_243 = arith.constant 5 : i32
          %gather3A_244 = arith.constant 0 : i32
          %gather3A_245 = arith.constant 0 : i32
          %gather3A_246 = tpu.memref_slice %arg10[%gather3A_243, %gather3A_244, %gather3A_245] : memref<6x64x128xf32, #tpu.memory_space<vmem>> -> memref<1x64x128xf32, #tpu.memory_space<vmem>>
          %gather3A_247 = tpu.memref_squeeze %gather3A_246 : memref<1x64x128xf32, #tpu.memory_space<vmem>> -> memref<64x128xf32, #tpu.memory_space<vmem>>
          %gather3A_248 = tpu.vector_load_idx %gather3A_247[%add3A_51, %broadcast_in_dim3A] : memref<64x128xf32, #tpu.memory_space<vmem>>[vector<16xi32>, vector<16xi32>], vector<16xf32>,
          tpu.vector_store_idx %arg11[%broadcast_in_dim3A_231, %add3A_51], %gather3A_248 : memref<512x128xf32, #tpu.memory_space<vmem>>[vector<16xi32>, vector<16xi32>], vector<16xf32>,
          %gather3A_249 = arith.constant 5 : i32
          %gather3A_250 = arith.constant 0 : i32
          %gather3A_251 = arith.constant 0 : i32
          %gather3A_252 = tpu.memref_slice %arg10[%gather3A_249, %gather3A_250, %gather3A_251] : memref<6x64x128xf32, #tpu.memory_space<vmem>> -> memref<1x64x128xf32, #tpu.memory_space<vmem>>
          %gather3A_253 = tpu.memref_squeeze %gather3A_252 : memref<1x64x128xf32, #tpu.memory_space<vmem>> -> memref<64x128xf32, #tpu.memory_space<vmem>>
          %gather3A_254 = tpu.vector_load_idx %gather3A_253[%add3A_55, %broadcast_in_dim3A] : memref<64x128xf32, #tpu.memory_space<vmem>>[vector<16xi32>, vector<16xi32>], vector<16xf32>,
          tpu.vector_store_idx %arg11[%broadcast_in_dim3A_231, %add3A_55], %gather3A_254 : memref<512x128xf32, #tpu.memory_space<vmem>>[vector<16xi32>, vector<16xi32>], vector<16xf32>,
          %while3A_255 = arith.constant 0 : i32
          scf.yield %while3A_255 : i32
        }
        %while3A_219 = arith.constant 1 : i32
        %while3A_220 = scf.for %while3A_227 = %while3A_216 to %while3A_212 step %while3A_219 iter_args(%while3A_228 = %while3A_218) -> (i32)  : i32 {
          %get3A_229 = arith.index_cast %while3A_227 : i32 to index
          %get3A_230 = memref.load %arg12[%get3A_229] : memref<512xi32, #tpu.memory_space<smem>>
          %broadcast_in_dim3A = vector.broadcast %get3A_230 : i32 to vector<16xi32>
          %broadcast_in_dim3A_231 = vector.broadcast %while3A_227 : i32 to vector<16xi32>
          %gather3A = arith.constant 5 : i32
          %gather3A_232 = arith.constant 0 : i32
          %gather3A_233 = arith.constant 0 : i32
          %gather3A_234 = tpu.memref_slice %arg10[%gather3A, %gather3A_232, %gather3A_233] : memref<6x64x128xf32, #tpu.memory_space<vmem>> -> memref<1x64x128xf32, #tpu.memory_space<vmem>>
          %gather3A_235 = tpu.memref_squeeze %gather3A_234 : memref<1x64x128xf32, #tpu.memory_space<vmem>> -> memref<64x128xf32, #tpu.memory_space<vmem>>
          %gather3A_236 = tpu.vector_load_idx %gather3A_235[%add3A_43, %broadcast_in_dim3A] : memref<64x128xf32, #tpu.memory_space<vmem>>[vector<16xi32>, vector<16xi32>], vector<16xf32>,
          tpu.vector_store_idx %arg11[%broadcast_in_dim3A_231, %add3A_43], %gather3A_236 : memref<512x128xf32, #tpu.memory_space<vmem>>[vector<16xi32>, vector<16xi32>], vector<16xf32>,
          %gather3A_237 = arith.constant 5 : i32
          %gather3A_238 = arith.constant 0 : i32
          %gather3A_239 = arith.constant 0 : i32
          %gather3A_240 = tpu.memref_slice %arg10[%gather3A_237, %gather3A_238, %gather3A_239] : memref<6x64x128xf32, #tpu.memory_space<vmem>> -> memref<1x64x128xf32, #tpu.memory_space<vmem>>
          %gather3A_241 = tpu.memref_squeeze %gather3A_240 : memref<1x64x128xf32, #tpu.memory_space<vmem>> -> memref<64x128xf32, #tpu.memory_space<vmem>>
          %gather3A_242 = tpu.vector_load_idx %gather3A_241[%add3A_47, %broadcast_in_dim3A] : memref<64x128xf32, #tpu.memory_space<vmem>>[vector<16xi32>, vector<16xi32>], vector<16xf32>,
          tpu.vector_store_idx %arg11[%broadcast_in_dim3A_231, %add3A_47], %gather3A_242 : memref<512x128xf32, #tpu.memory_space<vmem>>[vector<16xi32>, vector<16xi32>], vector<16xf32>,
          %gather3A_243 = arith.constant 5 : i32
          %gather3A_244 = arith.constant 0 : i32
          %gather3A_245 = arith.constant 0 : i32
          %gather3A_246 = tpu.memref_slice %arg10[%gather3A_243, %gather3A_244, %gather3A_245] : memref<6x64x128xf32, #tpu.memory_space<vmem>> -> memref<1x64x128xf32, #tpu.memory_space<vmem>>
          %gather3A_247 = tpu.memref_squeeze %gather3A_246 : memref<1x64x128xf32, #tpu.memory_space<vmem>> -> memref<64x128xf32, #tpu.memory_space<vmem>>
          %gather3A_248 = tpu.vector_load_idx %gather3A_247[%add3A_51, %broadcast_in_dim3A] : memref<64x128xf32, #tpu.memory_space<vmem>>[vector<16xi32>, vector<16xi32>], vector<16xf32>,
          tpu.vector_store_idx %arg11[%broadcast_in_dim3A_231, %add3A_51], %gather3A_248 : memref<512x128xf32, #tpu.memory_space<vmem>>[vector<16xi32>, vector<16xi32>], vector<16xf32>,
          %gather3A_249 = arith.constant 5 : i32
          %gather3A_250 = arith.constant 0 : i32
          %gather3A_251 = arith.constant 0 : i32
          %gather3A_252 = tpu.memref_slice %arg10[%gather3A_249, %gather3A_250, %gather3A_251] : memref<6x64x128xf32, #tpu.memory_space<vmem>> -> memref<1x64x128xf32, #tpu.memory_space<vmem>>
          %gather3A_253 = tpu.memref_squeeze %gather3A_252 : memref<1x64x128xf32, #tpu.memory_space<vmem>> -> memref<64x128xf32, #tpu.memory_space<vmem>>
          %gather3A_254 = tpu.vector_load_idx %gather3A_253[%add3A_55, %broadcast_in_dim3A] : memref<64x128xf32, #tpu.memory_space<vmem>>[vector<16xi32>, vector<16xi32>], vector<16xf32>,
          tpu.vector_store_idx %arg11[%broadcast_in_dim3A_231, %add3A_55], %gather3A_254 : memref<512x128xf32, #tpu.memory_space<vmem>>[vector<16xi32>, vector<16xi32>], vector<16xf32>,
          %while3A_255 = arith.constant 0 : i32
          scf.yield %while3A_255 : i32
        }
        %add3A_221 = arith.constant 6 : i32
        %add3A_222 = arith.addi %add3A_185, %add3A_221 : i32
        %lt3A_223 = arith.cmpi slt, %add3A_222, %scan3A_10#0 : i32
        %convert_element_type3A_224 = arith.extui %lt3A_223 : i1 to i32
        %cond3A_225 = arith.constant 0 : i32
        %cond3A_226 = arith.cmpi ne, %convert_element_type3A_224, %cond3A_225 : i32
        scf.if %cond3A_226 {
          %add3A_227 = arith.constant 6 : i32
          %add3A_228 = arith.addi %add3A_185, %add3A_227 : i32
          %get3A_229 = arith.index_cast %add3A_228 : i32 to index
          %get3A_230 = memref.load %arg13[%get3A_229] : memref<516xi32, #tpu.memory_space<smem>>
          %multiple_of3A = tpu.assume_multiple %get3A_230, 128 : i32
          %dma_start3A_231 = arith.constant 5 : i32
          %dma_start3A_232 = arith.constant 0 : i32
          %dma_start3A_233 = arith.constant 0 : i32
          %dma_start3A_234 = tpu.memref_slice %arg10[%dma_start3A_231, %dma_start3A_232, %dma_start3A_233] : memref<6x64x128xf32, #tpu.memory_space<vmem>> -> memref<1x64x128xf32, #tpu.memory_space<vmem>>
          %dma_start3A_235 = tpu.memref_squeeze %dma_start3A_234 : memref<1x64x128xf32, #tpu.memory_space<vmem>> -> memref<64x128xf32, #tpu.memory_space<vmem>>
          %dma_start3A_236 = arith.constant 0 : i32
          %dma_start3A_237 = tpu.memref_slice %arg5[%dma_start3A_236, %multiple_of3A] : memref<64x1000000xf32, #tpu.memory_space<hbm>> -> memref<64x128xf32, #tpu.memory_space<hbm>>
          %dma_start3A_238 = arith.constant 0 : i32
          %dma_start3A_239 = arith.constant 0 : i32
          %dma_start3A_240 = tpu.memref_slice %arg10[%dma_start3A_231, %dma_start3A_238, %dma_start3A_239] : memref<6x64x128xf32, #tpu.memory_space<vmem>> -> memref<1x64x128xf32, #tpu.memory_space<vmem>>
          %dma_start3A_241 = tpu.memref_squeeze %dma_start3A_240 : memref<1x64x128xf32, #tpu.memory_space<vmem>> -> memref<64x128xf32, #tpu.memory_space<vmem>>
          %dma_start3A_242 = arith.constant 0 : i32
          %dma_start3A_243 = tpu.memref_slice %arg5[%dma_start3A_242, %multiple_of3A] : memref<64x1000000xf32, #tpu.memory_space<hbm>> -> memref<64x128xf32, #tpu.memory_space<hbm>>
          tpu.enqueue_dma source(%dma_start3A_243 : memref<64x128xf32, #tpu.memory_space<hbm>>) target(%dma_start3A_241 : memref<64x128xf32, #tpu.memory_space<vmem>>) target_semaphore(%arg15 : memref<!tpu.dma_semaphore, #tpu.memory_space<semaphore_mem>>)
        } else {
        }
      } else {
      }
      %scan3A_190 = arith.constant 0 : i32
      scf.yield %scan3A_190 : i32
    }
    %scan3A_62 = arith.constant 86 : i32
    %dma_start3A = arith.constant 0 : i32
    %dma_start3A_63 = arith.constant 0 : i32
    %dma_start3A_64 = arith.constant 0 : i32
    %dma_start3A_65 = tpu.memref_slice %arg11[%dma_start3A_63, %dma_start3A_64] : memref<512x128xf32, #tpu.memory_space<vmem>> -> memref<128x128xf32, #tpu.memory_space<vmem>>
    %dma_start3A_66 = arith.constant 0 : i32
    %dma_start3A_67 = tpu.memref_slice %arg9[%dma_start3A, %dma_start3A_66] : memref<4x128xi32, #tpu.memory_space<vmem>> -> memref<1x128xi32, #tpu.memory_space<vmem>>
    %dma_start3A_68 = tpu.memref_squeeze %dma_start3A_67 : memref<1x128xi32, #tpu.memory_space<vmem>> -> memref<128xi32, #tpu.memory_space<vmem>>
    %dma_start3A_69 = arith.constant 0 : i32
    %dma_start3A_70 = arith.constant 0 : i32
    %dma_start3A_71 = tpu.memref_slice %arg6[%dma_start3A_69, %dma_start3A_70] : memref<16384x128xf32, #tpu.memory_space<hbm>> -> memref<16384x128xf32, #tpu.memory_space<hbm>>
    tpu.enqueue_indirect_dma source(%dma_start3A_65 : memref<128x128xf32, #tpu.memory_space<vmem>>) target(%dma_start3A_71 : memref<16384x128xf32, #tpu.memory_space<hbm>>) offsets(%dma_start3A_68 : memref<128xi32, #tpu.memory_space<vmem>>) semaphore(%arg16 : memref<!tpu.dma_semaphore, #tpu.memory_space<semaphore_mem>>)
    %dma_start3A_72 = arith.constant 1 : i32
    %dma_start3A_73 = arith.constant 128 : i32
    %dma_start3A_74 = arith.constant 0 : i32
    %dma_start3A_75 = tpu.memref_slice %arg11[%dma_start3A_73, %dma_start3A_74] : memref<512x128xf32, #tpu.memory_space<vmem>> -> memref<128x128xf32, #tpu.memory_space<vmem>>
    %dma_start3A_76 = arith.constant 0 : i32
    %dma_start3A_77 = tpu.memref_slice %arg9[%dma_start3A_72, %dma_start3A_76] : memref<4x128xi32, #tpu.memory_space<vmem>> -> memref<1x128xi32, #tpu.memory_space<vmem>>
    %dma_start3A_78 = tpu.memref_squeeze %dma_start3A_77 : memref<1x128xi32, #tpu.memory_space<vmem>> -> memref<128xi32, #tpu.memory_space<vmem>>
    %dma_start3A_79 = arith.constant 0 : i32
    %dma_start3A_80 = arith.constant 0 : i32
    %dma_start3A_81 = tpu.memref_slice %arg6[%dma_start3A_79, %dma_start3A_80] : memref<16384x128xf32, #tpu.memory_space<hbm>> -> memref<16384x128xf32, #tpu.memory_space<hbm>>
    tpu.enqueue_indirect_dma source(%dma_start3A_75 : memref<128x128xf32, #tpu.memory_space<vmem>>) target(%dma_start3A_81 : memref<16384x128xf32, #tpu.memory_space<hbm>>) offsets(%dma_start3A_78 : memref<128xi32, #tpu.memory_space<vmem>>) semaphore(%arg16 : memref<!tpu.dma_semaphore, #tpu.memory_space<semaphore_mem>>)
    %dma_start3A_82 = arith.constant 2 : i32
    %dma_start3A_83 = arith.constant 256 : i32
    %dma_start3A_84 = arith.constant 0 : i32
    %dma_start3A_85 = tpu.memref_slice %arg11[%dma_start3A_83, %dma_start3A_84] : memref<512x128xf32, #tpu.memory_space<vmem>> -> memref<128x128xf32, #tpu.memory_space<vmem>>
    %dma_start3A_86 = arith.constant 0 : i32
    %dma_start3A_87 = tpu.memref_slice %arg9[%dma_start3A_82, %dma_start3A_86] : memref<4x128xi32, #tpu.memory_space<vmem>> -> memref<1x128xi32, #tpu.memory_space<vmem>>
    %dma_start3A_88 = tpu.memref_squeeze %dma_start3A_87 : memref<1x128xi32, #tpu.memory_space<vmem>> -> memref<128xi32, #tpu.memory_space<vmem>>
    %dma_start3A_89 = arith.constant 0 : i32
    %dma_start3A_90 = arith.constant 0 : i32
    %dma_start3A_91 = tpu.memref_slice %arg6[%dma_start3A_89, %dma_start3A_90] : memref<16384x128xf32, #tpu.memory_space<hbm>> -> memref<16384x128xf32, #tpu.memory_space<hbm>>
    tpu.enqueue_indirect_dma source(%dma_start3A_85 : memref<128x128xf32, #tpu.memory_space<vmem>>) target(%dma_start3A_91 : memref<16384x128xf32, #tpu.memory_space<hbm>>) offsets(%dma_start3A_88 : memref<128xi32, #tpu.memory_space<vmem>>) semaphore(%arg16 : memref<!tpu.dma_semaphore, #tpu.memory_space<semaphore_mem>>)
    %dma_start3A_92 = arith.constant 3 : i32
    %dma_start3A_93 = arith.constant 384 : i32
    %dma_start3A_94 = arith.constant 0 : i32
    %dma_start3A_95 = tpu.memref_slice %arg11[%dma_start3A_93, %dma_start3A_94] : memref<512x128xf32, #tpu.memory_space<vmem>> -> memref<128x128xf32, #tpu.memory_space<vmem>>
    %dma_start3A_96 = arith.constant 0 : i32
    %dma_start3A_97 = tpu.memref_slice %arg9[%dma_start3A_92, %dma_start3A_96] : memref<4x128xi32, #tpu.memory_space<vmem>> -> memref<1x128xi32, #tpu.memory_space<vmem>>
    %dma_start3A_98 = tpu.memref_squeeze %dma_start3A_97 : memref<1x128xi32, #tpu.memory_space<vmem>> -> memref<128xi32, #tpu.memory_space<vmem>>
    %dma_start3A_99 = arith.constant 0 : i32
    %dma_start3A_100 = arith.constant 0 : i32
    %dma_start3A_101 = tpu.memref_slice %arg6[%dma_start3A_99, %dma_start3A_100] : memref<16384x128xf32, #tpu.memory_space<hbm>> -> memref<16384x128xf32, #tpu.memory_space<hbm>>
    tpu.enqueue_indirect_dma source(%dma_start3A_95 : memref<128x128xf32, #tpu.memory_space<vmem>>) target(%dma_start3A_101 : memref<16384x128xf32, #tpu.memory_space<hbm>>) offsets(%dma_start3A_98 : memref<128xi32, #tpu.memory_space<vmem>>) semaphore(%arg16 : memref<!tpu.dma_semaphore, #tpu.memory_space<semaphore_mem>>)
    %dma_wait3A = arith.constant 0 : i32
    %dma_wait3A_102 = arith.constant 0 : i32
    %dma_wait3A_103 = arith.constant 0 : i32
    %dma_wait3A_104 = tpu.memref_slice %arg11[%dma_wait3A_102, %dma_wait3A_103] : memref<512x128xf32, #tpu.memory_space<vmem>> -> memref<128x128xf32, #tpu.memory_space<vmem>>
    %dma_wait3A_105 = arith.constant 0 : i32
    %dma_wait3A_106 = tpu.memref_slice %arg9[%dma_wait3A, %dma_wait3A_105] : memref<4x128xi32, #tpu.memory_space<vmem>> -> memref<1x128xi32, #tpu.memory_space<vmem>>
    %dma_wait3A_107 = tpu.memref_squeeze %dma_wait3A_106 : memref<1x128xi32, #tpu.memory_space<vmem>> -> memref<128xi32, #tpu.memory_space<vmem>>
    %dma_wait3A_108 = arith.constant 0 : i32
    %dma_wait3A_109 = arith.constant 0 : i32
    %dma_wait3A_110 = tpu.memref_slice %arg6[%dma_wait3A_108, %dma_wait3A_109] : memref<16384x128xf32, #tpu.memory_space<hbm>> -> memref<16384x128xf32, #tpu.memory_space<hbm>>
    tpu.wait_indirect_dma semaphore(%arg16 : memref<!tpu.dma_semaphore, #tpu.memory_space<semaphore_mem>>) src(%dma_wait3A_104 : memref<128x128xf32, #tpu.memory_space<vmem>>) dst(%dma_wait3A_110 : memref<16384x128xf32, #tpu.memory_space<hbm>>)
    %dma_wait3A_111 = arith.constant 1 : i32
    %dma_wait3A_112 = arith.constant 128 : i32
    %dma_wait3A_113 = arith.constant 0 : i32
    %dma_wait3A_114 = tpu.memref_slice %arg11[%dma_wait3A_112, %dma_wait3A_113] : memref<512x128xf32, #tpu.memory_space<vmem>> -> memref<128x128xf32, #tpu.memory_space<vmem>>
    %dma_wait3A_115 = arith.constant 0 : i32
    %dma_wait3A_116 = tpu.memref_slice %arg9[%dma_wait3A_111, %dma_wait3A_115] : memref<4x128xi32, #tpu.memory_space<vmem>> -> memref<1x128xi32, #tpu.memory_space<vmem>>
    %dma_wait3A_117 = tpu.memref_squeeze %dma_wait3A_116 : memref<1x128xi32, #tpu.memory_space<vmem>> -> memref<128xi32, #tpu.memory_space<vmem>>
    %dma_wait3A_118 = arith.constant 0 : i32
    %dma_wait3A_119 = arith.constant 0 : i32
    %dma_wait3A_120 = tpu.memref_slice %arg6[%dma_wait3A_118, %dma_wait3A_119] : memref<16384x128xf32, #tpu.memory_space<hbm>> -> memref<16384x128xf32, #tpu.memory_space<hbm>>
    tpu.wait_indirect_dma semaphore(%arg16 : memref<!tpu.dma_semaphore, #tpu.memory_space<semaphore_mem>>) src(%dma_wait3A_114 : memref<128x128xf32, #tpu.memory_space<vmem>>) dst(%dma_wait3A_120 : memref<16384x128xf32, #tpu.memory_space<hbm>>)
    %dma_wait3A_121 = arith.constant 2 : i32
    %dma_wait3A_122 = arith.constant 256 : i32
    %dma_wait3A_123 = arith.constant 0 : i32
    %dma_wait3A_124 = tpu.memref_slice %arg11[%dma_wait3A_122, %dma_wait3A_123] : memref<512x128xf32, #tpu.memory_space<vmem>> -> memref<128x128xf32, #tpu.memory_space<vmem>>
    %dma_wait3A_125 = arith.constant 0 : i32
    %dma_wait3A_126 = tpu.memref_slice %arg9[%dma_wait3A_121, %dma_wait3A_125] : memref<4x128xi32, #tpu.memory_space<vmem>> -> memref<1x128xi32, #tpu.memory_space<vmem>>
    %dma_wait3A_127 = tpu.memref_squeeze %dma_wait3A_126 : memref<1x128xi32, #tpu.memory_space<vmem>> -> memref<128xi32, #tpu.memory_space<vmem>>
    %dma_wait3A_128 = arith.constant 0 : i32
    %dma_wait3A_129 = arith.constant 0 : i32
    %dma_wait3A_130 = tpu.memref_slice %arg6[%dma_wait3A_128, %dma_wait3A_129] : memref<16384x128xf32, #tpu.memory_space<hbm>> -> memref<16384x128xf32, #tpu.memory_space<hbm>>
    tpu.wait_indirect_dma semaphore(%arg16 : memref<!tpu.dma_semaphore, #tpu.memory_space<semaphore_mem>>) src(%dma_wait3A_124 : memref<128x128xf32, #tpu.memory_space<vmem>>) dst(%dma_wait3A_130 : memref<16384x128xf32, #tpu.memory_space<hbm>>)
    %dma_wait3A_131 = arith.constant 3 : i32
    %dma_wait3A_132 = arith.constant 384 : i32
    %dma_wait3A_133 = arith.constant 0 : i32
    %dma_wait3A_134 = tpu.memref_slice %arg11[%dma_wait3A_132, %dma_wait3A_133] : memref<512x128xf32, #tpu.memory_space<vmem>> -> memref<128x128xf32, #tpu.memory_space<vmem>>
    %dma_wait3A_135 = arith.constant 0 : i32
    %dma_wait3A_136 = tpu.memref_slice %arg9[%dma_wait3A_131, %dma_wait3A_135] : memref<4x128xi32, #tpu.memory_space<vmem>> -> memref<1x128xi32, #tpu.memory_space<vmem>>
    %dma_wait3A_137 = tpu.memref_squeeze %dma_wait3A_136 : memref<1x128xi32, #tpu.memory_space<vmem>> -> memref<128xi32, #tpu.memory_space<vmem>>
    %dma_wait3A_138 = arith.constant 0 : i32
    %dma_wait3A_139 = arith.constant 0 : i32
    %dma_wait3A_140 = tpu.memref_slice %arg6[%dma_wait3A_138, %dma_wait3A_139] : memref<16384x128xf32, #tpu.memory_space<hbm>> -> memref<16384x128xf32, #tpu.memory_space<hbm>>
    tpu.wait_indirect_dma semaphore(%arg16 : memref<!tpu.dma_semaphore, #tpu.memory_space<semaphore_mem>>) src(%dma_wait3A_134 : memref<128x128xf32, #tpu.memory_space<vmem>>) dst(%dma_wait3A_140 : memref<16384x128xf32, #tpu.memory_space<hbm>>)
    return
  }
}

</mosaic_0001>

<sc_bundles>
// kernel: _sc_bucket_gather.3.cloned.1.call-start
scs
__scs_entry_jumppad:
0x0: {  	(pc) =	sbr.rel $0x88, $3  }
0x1: {  	(tag) =	ssettag $0x0;
	lr =	simm.s32 $0x1  }
0x2: {  	[smem:$0x3F9D] =	sst lr;
	_ =	strace $0xD0000000  }
0x3: {  	_ = 	snop  }
0x4: {  	_ = 	snop  }
0x5: {  	_ = 	snop  }
0x6: {  	_ = 	snop  }
0x7: {  	_ = 	snop  }
__scs_overlays_trampoline_lowered:
0x8: {  	[smem:$0x3FAC] =	sst s0  }
0x9: {  	[smem:$0x3FAD] =	sst s1  }
0xa: {  	[smem:$0x3FAE] =	sst s2  }
0xb: {  	[smem:$0x3FAF] =	sst s3  }
0xc: {  	[smem:$0x3FB0] =	sst s4  }
0xd: {  	[smem:$0x3FB1] =	sst s5  }
0xe: {  	[smem:$0x3FB2] =	sst s6  }
0xf: {  	[smem:$0x3FB3] =	sst s7  }
0x10: {  	[smem:$0x3FB4] =	sst s8  }
0x11: {  	[smem:$0x3FB5] =	sst s9;
	s0 =	simm.s32 @!p0 $0x0  }
0x12: {  	s1 =	sld [smem:$0x3F9B];
	s0 =	simm.s32 @p0 $0x1  }
0x13: {  	[smem:$0x3FB6] =	sst s0;
	s0 =	simm.s32 @!p1 $0x0  }
0x14: {  	s2 =	sld [smem:$0x3F9A];
	s0 =	simm.s32 @p1 $0x1  }
0x15: {  	[smem:$0x3FB7] =	sst s0;
	s0 =	simm.s32 @!p2 $0x0  }
0x16: {  	s3 =	sld [smem:$0x3FDB];
	s0 =	simm.s32 @p2 $0x1  }
0x17: {  	s4 =	simm.s32 $0x1BF5;
	[smem:$0x3FB9] =	sst s0  }
0x18: {  	s0 =	sld [smem:$0x3F9C];
	_ =	swait.ge [sflag:s4], $0x0  }
0x19: {  	s7 =	sld [smem:$0x3F9D]  }
0x1a: {  	s8 =	sadd.s32 $0xFFFFE003, lr  }
0x1b: {  	s9 =	sadd.s32 $0xFFFFFEF7, lr;
	s5 =	simm.s32 $0xFFFFFFFF;
	p2 =	slt.u32 s8, $0xFFFFF086  }
0x1c: {  	p1 =	slt.u32 s9, $0xF7A;
	s5 =	simm.s32 @!p2 $0x0  }
0x1d: {  	s5 =	simm.s32 @p1 $0x1;
	p0 =	seq.s32 s7, s2  }
0x1e: {  	s7 =	smul.u32 @!p0 $0xF7A, s2;
	p2 =	seq.s32 @!p0 s5, $0x0  }
0x1f: {  	s9 =	smul.u32 $0xF7A, s1;
	s8 =	simm.s32 @!p0 $0x1BF5;
	p2 =	por !p2, p0  }
0x20: {  	[sflag:s8] =	ssyncset.s32 @!p0 $0xFFFFF086;
	s6 =	sadd.s32 @!p0 s3, s7;
	s7 =	simm.s32 @!p0 $0x108  }
0x21: {  	s3 =	sadd.s32 s3, s9;
	s6 =	sadd.s32 @!p0 $0x88, s6;
	s7 =	simm.s32 @p2 $0x1082  }
0x22: {  	[simem:s7], [sflag:s8] =	dma.local @!p0 [hbm:s6], $0xF7A  }
0x23: {  	s9 =	sor.u32 $0xD0000000, s2;
	s6 =	simm.s32 $0x108;
	_ =	swait.ge @!p0 [sflag:s8], $0x0  }
0x24: {  	s3 =	sadd.s32 $0x88, s3;
	s6 =	simm.s32 @!p1 $0x1082;
	[sflag:s4] =	ssyncset.s32 $0xFFFFF086  }
0x25: {  	[simem:s6], [sflag:s4] =	dma.local [hbm:s3], $0xF7A  }
0x26: {  	[smem:$0x3F9D] =	sst s1;
	(tag) =	ssettag s2;
	_ =	strace s9  }
0x27: {  	s1 =	sld [smem:$0x3FAD]  }
0x28: {  	s2 =	sld [smem:$0x3FAE]  }
0x29: {  	s4 =	sld [smem:$0x3FB0]  }
0x2a: {  	p0 =	seq.s32 s5, $0x0;
	s5 =	sld [smem:$0x3FB1]  }
0x2b: {  	s6 =	sld [smem:$0x3FB2]  }
0x2c: {  	s7 =	sld [smem:$0x3FB3]  }
0x2d: {  	s3 =	simm.s32 $0x108;
	s8 =	sld [smem:$0x3FB4]  }
0x2e: {  	s3 =	simm.s32 @!p0 $0x1082;
	s9 =	sld [smem:$0x3FB5]  }
0x2f: {  	lr =	sadd.s32 s0, s3;
	s0 =	sld [smem:$0x3FAC]  }
0x30: {  	s3 =	sld [smem:$0x3FAF]  }
0x31: {  	[smem:$0x3FB8] =	sst s10  }
0x32: {  	s10 =	sld [smem:$0x3FB6];
	_ =	sdelay $0x3  }
0x33: {  	p0 =	seq.s32 s10, $0x1;
	s10 =	sld [smem:$0x3FB8];
	_ =	sdelay $0x3  }
0x34: {  	[smem:$0x3FB8] =	sst s10  }
0x35: {  	s10 =	sld [smem:$0x3FB7];
	_ =	sdelay $0x3  }
0x36: {  	p1 =	seq.s32 s10, $0x1;
	s10 =	sld [smem:$0x3FB8];
	_ =	sdelay $0x3  }
0x37: {  	[smem:$0x3FB8] =	sst s10  }
0x38: {  	s10 =	sld [smem:$0x3FB9]  }
0x39: {  	_ = 	snop;
	(pc) =	sbr.ind lr, $3  }
0x3a: {  	_ = 	snop  }
0x3b: {  	_ = 	snop  }
0x3c: {  	p2 =	seq.s32 s10, $0x1;
	s10 =	sld [smem:$0x3FB8]  }
0x3d: {  	_ =	shalt  }
0x3e: {  	_ =	shalt  }
0x3f: {  	_ =	shalt  }
0x40: {  	_ =	shalt  }
0x41: {  	_ =	shalt  }
0x42: {  	_ =	shalt  }
0x43: {  	_ =	shalt  }
0x44: {  	_ =	shalt  }
0x45: {  	_ =	shalt  }
0x46: {  	_ =	shalt  }
0x47: {  	_ =	shalt  }
0x48: {  	_ =	shalt  }
0x49: {  	_ =	shalt  }
0x4a: {  	_ =	shalt  }
0x4b: {  	_ =	shalt  }
0x4c: {  	_ =	shalt  }
0x4d: {  	_ =	shalt  }
0x4e: {  	_ =	shalt  }
0x4f: {  	_ =	shalt  }
0x50: {  	_ =	shalt  }
0x51: {  	_ =	shalt  }
0x52: {  	_ =	shalt  }
0x53: {  	_ =	shalt  }
0x54: {  	_ =	shalt  }
0x55: {  	_ =	shalt  }
0x56: {  	_ =	shalt  }
0x57: {  	_ =	shalt  }
0x58: {  	_ =	shalt  }
0x59: {  	_ =	shalt  }
0x5a: {  	_ =	shalt  }
0x5b: {  	_ =	shalt  }
0x5c: {  	_ =	shalt  }
0x5d: {  	_ =	shalt  }
0x5e: {  	_ =	shalt  }
0x5f: {  	_ =	shalt  }
0x60: {  	_ =	shalt  }
0x61: {  	_ =	shalt  }
0x62: {  	_ =	shalt  }
0x63: {  	_ =	shalt  }
0x64: {  	_ =	shalt  }
0x65: {  	_ =	shalt  }
0x66: {  	_ =	shalt  }
0x67: {  	_ =	shalt  }
0x68: {  	_ =	shalt  }
0x69: {  	_ =	shalt  }
0x6a: {  	_ =	shalt  }
0x6b: {  	_ =	shalt  }
0x6c: {  	_ =	shalt  }
0x6d: {  	_ =	shalt  }
0x6e: {  	_ =	shalt  }
0x6f: {  	_ =	shalt  }
0x70: {  	_ =	shalt  }
0x71: {  	_ =	shalt  }
0x72: {  	_ =	shalt  }
0x73: {  	_ =	shalt  }
0x74: {  	_ =	shalt  }
0x75: {  	_ =	shalt  }
0x76: {  	_ =	shalt  }
0x77: {  	_ =	shalt  }
0x78: {  	_ =	shalt  }
0x79: {  	_ =	shalt  }
0x7a: {  	_ =	shalt  }
0x7b: {  	_ =	shalt  }
0x7c: {  	_ =	shalt  }
0x7d: {  	_ =	shalt  }
0x7e: {  	_ =	shalt  }
0x7f: {  	_ =	shalt  }
0x80: {  	_ =	shalt  }
0x81: {  	_ =	shalt  }
0x82: {  	_ =	shalt  }
0x83: {  	_ =	shalt  }
0x84: {  	_ =	shalt  }
0x85: {  	_ =	shalt  }
0x86: {  	_ =	shalt  }
0x87: {  	_ =	shalt  }
.Lfunc_end0:
.L_simem_size_0:
called_computation_lowered:
.L_overlay_start_0:
0x88: {  	s2 =	sld [smem:$0x3FD9]  }
0x89: {  	s3 =	sld [smem:$0x3FFE];
	_ =	sdelay $0x1  }
0x8a: {  	s1 =	srdreg.scid  }
0x8b: {  	s0 =	sand.u32 $0x1, s1  }
0x8c: {  	s18 =	sshll.u32 s0, $0xA;
	s2 =	sadd.s32 s3, s2  }
0x8d: {  	s2 =	sadd.s32 s2, s18  }
0x8e: {  	[smem:$0x3FC4] =	sst s2  }
0x8f: {  	_ = 	snop  }
0x90: {  	s2 =	sld [smem:$0x3FC9]  }
0x91: {  	s19 =	sld [smem:$0x3FC8]  }
0x92: {  	s4 =	sld [smem:$0x3FC7]  }
0x93: {  	s5 =	sld [smem:$0x3FC6]  }
0x94: {  	s6 =	sld [smem:$0x3FD0];
	(tm) =	ssettm $0x1  }
0x95: {  	s7 =	sld [smem:$0x3FFB];
	_ =	sdelay $0x3  }
0x96: {  	_ =	strace s7  }
0x97: {  	s7 =	sld [smem:$0x3FFC];
	_ =	sdelay $0x3  }
0x98: {  	_ =	strace s7  }
0x99: {  	s7 =	sld [smem:$0x3FFD];
	_ =	sdelay $0x3  }
0x9a: {  	_ =	strace s7  }
0x9b: {  	_ =	strace $0x8FFFFFFF  }
0x9c: {  	s20 =	sld [smem:$0x3FDB];
	_ =	sdelay $0x1  }
0x9d: {  	s8 =	simm.s32 $_scs_section_size  }
0x9e: {  	s9 =	simm.s32 $_size__tile_overlayer_lowered;
	s10 =	simm.s32 $_tile_overlayer_lowered  }
0x9f: {  	s23 =	simm.s32 $0x1BFF;
	s22 =	sshll.u32 s10, $0x1;
	s7 =	sadd.s32 s8, s20  }
0xa0: {  	s11 =	simm.s32 $0x0;
	s21 =	sshll.u32 s9, $0x1;
	s9 =	sadd.s32 s22, s7  }
0xa1: {  	[timem:s11], [sflag:s23] =	dma.local [hbm:s9], s21  }
0xa2: {  	_ =	swait.ge [sflag:s23], s21  }
0xa3: {  	s8 =	ssub.s32 $0x0, s21;
	[sflag:s23] =	ssyncset.done $0x0  }
0xa4: {  	[sflag:s23] =	ssyncadd.s32 s8;
	_ =	sdelay $0x1  }
0xa5: {  	s24 =	simm.s32 $0x1B8B  }
0xa6: {  	_ =	swait.ge [sflag:s24], $0x1  }
0xa7: {  	[sflag:s24] =	ssyncset.done $0x0  }
0xa8: {  	s25 =	simm.s32 $0x1B8E;
	[sflag:s24] =	ssyncadd.s32 $0xFFFFFFFF  }
0xa9: {  	s26 =	simm.s32 $execute0_lowered;
	[smem:$0x3FD2] =	sst s25  }
0xaa: {  	s8 =	sshll.u32 s26, $0x1;
	_ =	strace $0x80000046;
	[dreg:$0x1] =	wrdreg $0xFFFFFFFF  }
0xab: {  	s28 =	simm.s32 $_size_execute0_lowered;
	s7 =	sadd.s32 s7, s8;
	[dreg:$0x0] =	wrdreg $0x0  }
0xac: {  	s8 =	sshll.u32 s28, $0x1;
	[dreg:$0x2] =	wrdreg s7  }
0xad: {  	[dreg:$0x3] =	wrdreg s8  }
0xae: {  	[dreg:$0x4] =	wrdreg $0xC0  }
0xaf: {  	_ =	task [dreg:s11], $0x5FFFF  }
0xb0: {  	[dreg:$0x1] =	wrdreg $0xFFFFFFFF  }
0xb1: {  	[dreg:$0x0] =	wrdreg $0x60  }
0xb2: {  	[dreg:$0x2] =	wrdreg s2  }
0xb3: {  	[dreg:$0x3] =	wrdreg s19  }
0xb4: {  	[dreg:$0x4] =	wrdreg s4  }
0xb5: {  	[dreg:$0x5] =	wrdreg s5  }
0xb6: {  	[dreg:$0x6] =	wrdreg s6  }
0xb7: {  	[dreg:$0x7] =	wrdreg $0x9  }
0xb8: {  	_ =	task.clear_ibuf [dreg:s11], $0x8FFFF;
	_ =	strace $0x90000046  }
0xb9: {  	s29 =	simm.s32 $0x9;
	_ =	strace $0x80000048  }
0xba: {  	_ =	swait.ge [sflag:s29], $0x1  }
0xbb: {  	[sflag:s29] =	ssyncadd.s32 $0xFFFFFFFF  }
0xbc: {  	_ =	strace $0x90000048  }
0xbd: {  	_ =	sfence  }
0xbe: {  	s30 =	sld [smem:$0x0];
	_ =	sdelay $0x2  }
0xbf: {  	s31 =	sshll.u32 s1, $0xD;
	s1 =	sshrl.u32 s1, $0x2  }
0xc0: {  	s3 =	sand.u32 $0x4000, s31;
	s1 =	sadd.s32 s1, s30  }
0xc1: {  	s0 =	sor.u32 s3, s0;
	s1 =	sshll.u32 s1, $0x11  }
0xc2: {  	s0 =	sor.u32 s1, s0  }
0xc3: {  	s0 =	sadd.s32 $0x8F2B, s0  }
0xc4: {  	[sflag:s0] =	ssyncadd.remote.s32 $0x1  }
0xc5: {  	_ =	sfence.sel $0xFFFF  }
0xc6: {  	[dreg:$0x0] =	wrdreg $0xFFFFFFFF;
	(pc) =	sbr.abs _section_cstart, $3  }
0xc7: {  	[dreg:$0x1] =	wrdreg $0xFFFFFFFF  }
0xc8: {  	_ =	task.clear_ibuf [dreg:s11], $0x2FFFF;
	_ =	strace $0x9FFFFFFF  }
0xc9: {  	(tm) =	ssettm $0x7FFFFFFF  }
tec
execute0_lowered:
.L_overlay_start_1:
0x0: {  	(tag) =	ssettag $0x1  }
0x1: {  	s0 =	rddreg [dreg:$0x0]  }
0x2: {  	s1 =	rddreg [dreg:$0x1]  }
0x3: {  	s2 =	rddreg [dreg:$0x2];
	s4 =	simm.s32 $0x0;
	s3 =	srdreg.scid  }
0x4: {  	s5 =	stileid.u32;
	s9 =	simm.s32 $0x400;
	s11 =	simm.s32 $0x200  }
0x5: {  	s14 =	simm.s32 $0xC600;
	[smem:$0x7FF] =	sst s4;
	s3 =	sand.u32 $0x1, s3  }
0x6: {  	s5 =	sshll.u32 s5, $0x7;
	s29 =	ssub.s32 $0x2, s3;
	s3 =	sshll.u32 s3, $0x6  }
0x7: {  	s17 =	simm.s32 $0x6600;
	_ =	strace $0x80000047;
	s7 =	sor.u32 s3, s5  }
.Ltmp0:
0x8: {  	s6 =	sshrl.u32 s29, $0x1;
	s0 =	sadd.s32 s0, s7;
	(pc) =	sbr.rel .LBB2_1-.Ltmp0, $4  }
0x9: {  	v0 =	vlaneseq.u32;
	s30 =	sadd.s32 s2, s3;
	s1 =	sadd.s32 s1, s7;
	[dreg:$0x7] =	wrdreg s0  }
0xa: {  	v1 =	vmul.u32 $0x80, v0;
	s4 =	ssub.s32 s29, s6;
	[dreg:$0x8] =	wrdreg s1;
	s0 =	sadd.s32 s5, s30  }
0xb: {  	s18 =	simm.s32 $0x8600;
	v3 =	vor.u32 $0x10, v0;
	v5 =	vor.u32 $0x20, v0;
	v7 =	vor.u32 $0x30, v0;
	s31 =	smax.u32 s4, $0x1;
	[dreg:$0x9] =	wrdreg s0  }
0xc: {  	s19 =	simm.s32 $0xA600;
	v2 =	vor.u32 $0x800, v1;
	v4 =	vor.u32 $0x1000, v1;
	v6 =	vor.u32 $0x1800, v1;
	s2 =	simm.s32 $0x0;
	[dreg:$0xa] =	wrdreg s31  }
.LBB2_43:
0xd: {  	s0 =	rddreg [dreg:$0x4];
	s1 =	simm.s32 $0x80  }
0xe: {  	[hbm4b:s0+s1] =	stream.indirect.scatter [tilespmem:s14], [sflag:$0x2], $0x80, s9, s1, $0xb8;
	[tilespmem:$0x1C600] =	vst v63  }
0xf: {  	s2 =	simm.s32 $0x480;
	s3 =	simm.s32 $0x10600  }
0x10: {  	[hbm4b:s0+s1] =	stream.indirect.scatter [tilespmem:s3], [sflag:$0x2], $0x80, s2, s1, $0xb8;
	[tilespmem:$0x1C600] =	vst v63  }
0x11: {  	s24 =	simm.s32 $0x500;
	s25 =	simm.s32 $0x14600  }
0x12: {  	[hbm4b:s0+s1] =	stream.indirect.scatter [tilespmem:s25], [sflag:$0x2], $0x80, s24, s1, $0xb8;
	[tilespmem:$0x1C600] =	vst v63  }
0x13: {  	s26 =	simm.s32 $0x580;
	s28 =	simm.s32 $0x18600;
	s29 =	simm.s32 $0x2  }
0x14: {  	[hbm4b:s0+s1] =	stream.indirect.scatter [tilespmem:s28], [sflag:$0x2], $0x80, s26, s1, $0xb8;
	[tilespmem:$0x1C600] =	vst v63  }
0x15: {  	_ =	swait.ge [sflag:s29], $0x4000  }
0x16: {  	[sflag:s29] =	ssyncset.done $0x0  }
0x17: {  	[sflag:s29] =	ssyncadd.s32 $0xFFFFC000  }
0x18: {  	_ =	swait.ge [sflag:s29], $0x4000  }
0x19: {  	[sflag:s29] =	ssyncset.done $0x0  }
0x1a: {  	[sflag:s29] =	ssyncadd.s32 $0xFFFFC000  }
0x1b: {  	_ =	swait.ge [sflag:s29], $0x4000  }
0x1c: {  	[sflag:s29] =	ssyncset.done $0x0  }
0x1d: {  	[sflag:s29] =	ssyncadd.s32 $0xFFFFC000  }
0x1e: {  	_ =	swait.ge [sflag:s29], $0x4000  }
0x1f: {  	s30 =	rddreg [dreg:$0xb]  }
0x20: {  	s31 =	rddreg [dreg:$0xa];
	s2 =	sadd.s32 $0x1, s30  }
0x21: {  	p0 =	sne.s32 s2, s31  }
.Ltmp1:
0x22: {  	_ = 	snop;
	(pc) =	sbr.rel @!p0 .LBB2_44-.Ltmp1, $3  }
0x23: {  	_ =	sdelay $0x1  }
0x24: {  	[sflag:s29] =	ssyncset.done $0x0  }
0x25: {  	[sflag:s29] =	ssyncadd.s32 $0xFFFFC000  }
.LBB2_1:
0x26: {  	[dreg:$0xb] =	wrdreg s2  }
0x27: {  	s0 =	simm.s32 $0x0;
	s1 =	rddreg [dreg:$0x7];
	s25 =	simm.s32 $0x3  }
0x28: {  	[tilespmem:s0], [sflag:$0x3] =	stream.linear.gather [hbm4b:s1+s0], $0x200, $0x38;
	[tilespmem:$0x1C600] =	vst v63  }
0x29: {  	_ =	swait.ge [sflag:s25], $0x200  }
0x2a: {  	[sflag:s25] =	ssyncset.done $0x0  }
0x2b: {  	s26 =	rddreg [dreg:$0x8];
	[sflag:s25] =	ssyncadd.s32 $0xFFFFFE00  }
0x2c: {  	[tilespmem:s11], [sflag:$0x3] =	stream.linear.gather [hbm4b:s26+s0], $0x200, $0x38;
	[tilespmem:$0x1C600] =	vst v63  }
0x2d: {  	_ =	swait.ge [sflag:s25], $0x200  }
0x2e: {  	[sflag:s25] =	ssyncset.done $0x0  }
0x2f: {  	s28 =	rddreg [dreg:$0x9];
	[sflag:s25] =	ssyncadd.s32 $0xFFFFFE00  }
0x30: {  	[tilespmem:s9], [sflag:$0x3] =	stream.linear.gather [hbm4b:s28+s0], $0x200, $0x38;
	[tilespmem:$0x1C600] =	vst v63  }
0x31: {  	_ =	swait.ge [sflag:s25], $0x200  }
0x32: {  	[sflag:s25] =	ssyncset.done $0x0  }
0x33: {  	[sflag:s25] =	ssyncadd.s32 $0xFFFFFE00  }
0x34: {  	v10 =	vld [tilespmem:s11+$0x0];
	_ =	sdelay $0x1  }
0x35: {  	v8 =	vld [tilespmem:s0+$0x0];
	_ =	sdelay $0x2  }
0x36: {  	(v2sf) =	vpush v10, $0x5  }
0x37: {  	(v2sf) =	vpush v10, $0x4  }
0x38: {  	(v2sf) =	vpush v8, $0x4  }
0x39: {  	(v2sf) =	vpush v10, $0x2  }
0x3a: {  	(v2sf) =	vpush v8, $0xB  }
0x3b: {  	(v2sf) =	vpush v8, $0x1  }
0x3c: {  	(v2sf) =	vpush v10, $0x1  }
0x3d: {  	(v2sf) =	vpush v10, $0x0;
	_ =	sdelay $0x1  }
0x3e: {  	(v2sf) =	vpush v8, $0x2  }
0x3f: {  	(v2sf) =	vpush v8, $0x0  }
0x40: {  	(v2sf) =	vpush v8, $0x3;
	_ =	sdelay $0x2  }
0x41: {  	(v2sf) =	vpush v8, $0xA  }
0x42: {  	(v2sf) =	vpush v8, $0x9;
	s5 =	spop (v2sf)  }
0x43: {  	(v2sf) =	vpush v8, $0x8;
	s8 =	spop (v2sf)  }
0x44: {  	s7 =	spop (v2sf)  }
0x45: {  	s30 =	spop (v2sf)  }
0x46: {  	(v2sf) =	vpush v8, $0x5;
	s29 =	spop (v2sf)  }
0x47: {  	(v2sf) =	vpush v10, $0x3;
	s6 =	spop (v2sf)  }
0x48: {  	s11 =	spop (v2sf)  }
0x49: {  	s23 =	simm.s32 $0xF;
	(v2sf) =	vpush v8, $0x6;
	s13 =	spop (v2sf)  }
0x4a: {  	s21 =	simm.s32 $0x1;
	s22 =	simm.s32 $0x1;
	(v2sf) =	vpush v8, $0x7;
	[smem:$0x0] =	sst s13  }
0x4b: {  	s31 =	simm.s32 $0x2F;
	s1 =	simm.s32 $0x1;
	s10 =	spop (v2sf)  }
0x4c: {  	s25 =	simm.s32 $0x8;
	s0 =	simm.s32 $0x0;
	s12 =	spop (v2sf)  }
0x4d: {  	p2 =	sne.s32 s10, s6;
	p0 =	seq.s32 s12, $0xFFFFFFFF;
	s20 =	spop (v2sf)  }
0x4e: {  	p1 =	sne.s32 s12, $0xFFFFFFFF;
	p3 =	sne.s32 s6, s12;
	[smem:$0x200] =	sst @!p0 s12  }
0x4f: {  	[smem:$0x480] =	sst @!p0 s0;
	s0 =	simm.s32 $0x1F;
	p0 =	seq.s32 s10, s6  }
0x50: {  	s22 =	simm.s32 @!p1 $0x0;
	p1 =	seq.s32 s6, s12;
	s3 =	spop (v2sf)  }
0x51: {  	s1 =	simm.s32 @!p3 $0x0;
	p3 =	seq.s32 s20, s10;
	(v2sf) =	vpush v10, $0x9;
	s2 =	spop (v2sf)  }
0x52: {  	s22 =	sadd.s32 $0x0, s22;
	(v2sf) =	vpush v10, $0x7;
	s4 =	spop (v2sf);
	[smem:$0x1] =	sst s11  }
0x53: {  	s12 =	simm.s32 $0x3;
	[smem:s22+$0x200] =	sst @!p1 s6;
	s6 =	simm.s32 $0x1  }
0x54: {  	p5 =	seq.s32 s29, s3;
	[smem:s22+$0x480] =	sst @!p1 s21;
	s6 =	simm.s32 @!p2 $0x0  }
0x55: {  	(v2sf) =	vpush v10, $0x6;
	p1 =	sne.s32 s20, s10;
	s21 =	sadd.s32 s1, s22;
	s9 =	spop (v2sf)  }
0x56: {  	s1 =	simm.s32 $0x2;
	(v2sf) =	vpush v8, $0xF;
	s15 =	spop (v2sf);
	[smem:$0x2] =	sst s30  }
0x57: {  	p2 =	seq.s32 s7, s20;
	[smem:s21+$0x200] =	sst @!p0 s10;
	s10 =	sadd.s32 s6, s21;
	(v2sf) =	vpush v8, $0xE  }
0x58: {  	s6 =	simm.s32 $0x9;
	s11 =	spop (v2sf);
	[smem:s21+$0x480] =	sst @!p0 s1;
	(v2sf) =	vpush v10, $0x8  }
0x59: {  	p0 =	sne.s32 s7, s20;
	s1 =	spop (v2sf);
	(v2sf) =	vpush v8, $0xC;
	[smem:$0x3] =	sst s15  }
0x5a: {  	s21 =	simm.s32 $0x210;
	[smem:s10+$0x200] =	sst @!p3 s20;
	s20 =	simm.s32 $0x1  }
0x5b: {  	p4 =	sne.s32 s4, s1;
	[smem:s10+$0x480] =	sst @!p3 s12;
	s12 =	simm.s32 $0x1  }
0x5c: {  	s20 =	simm.s32 @!p1 $0x0;
	p3 =	sne.s32 s9, s7;
	p1 =	seq.s32 s9, s7  }
0x5d: {  	(v2sf) =	vpush v8, $0xD;
	[smem:$0x4] =	sst s8;
	s8 =	simm.s32 $0x4;
	s12 =	simm.s32 @!p0 $0x0  }
0x5e: {  	s10 =	sadd.s32 s20, s10;
	p0 =	seq.s32 s11, s9;
	s20 =	simm.s32 $0x1  }
0x5f: {  	[smem:s10+$0x200] =	sst @!p2 s7;
	s20 =	simm.s32 @!p3 $0x0;
	p3 =	seq.s32 s4, s1  }
0x60: {  	[smem:s10+$0x480] =	sst @!p2 s8;
	s8 =	sadd.s32 s12, s10;
	p2 =	sne.s32 s11, s9  }
0x61: {  	(v2sf) =	vpush v10, $0xA;
	s10 =	simm.s32 $0x7;
	s16 =	spop (v2sf);
	[smem:$0x5] =	sst s5  }
0x62: {  	s12 =	simm.s32 $0x1;
	s5 =	simm.s32 $0x5;
	[smem:s8+$0x200] =	sst @!p1 s9  }
0x63: {  	s9 =	simm.s32 $0x6;
	s22 =	spop (v2sf);
	[smem:s8+$0x480] =	sst @!p1 s5  }
0x64: {  	s5 =	simm.s32 $0x1;
	s8 =	sadd.s32 s20, s8;
	p1 =	sne.s32 s2, s4  }
0x65: {  	s20 =	simm.s32 $0x1;
	s5 =	simm.s32 @!p2 $0x0;
	s24 =	spop (v2sf)  }
0x66: {  	(v2sf) =	vpush v10, $0xB;
	p2 =	sne.s32 s1, s11;
	s20 =	simm.s32 @!p1 $0x0;
	[smem:$0x6] =	sst s24  }
0x67: {  	p1 =	seq.s32 s3, s2;
	[smem:s8+$0x200] =	sst @!p0 s11;
	s24 =	spop (v2sf)  }
0x68: {  	[smem:s8+$0x480] =	sst @!p0 s9;
	s9 =	simm.s32 $0x8;
	s8 =	sadd.s32 s5, s8  }
0x69: {  	(v2sf) =	vpush v10, $0xC;
	v8 =	vld [tilespmem:s21+$0x0];
	p0 =	seq.s32 s1, s11;
	s5 =	spop (v2sf);
	[smem:$0x7] =	sst s22  }
0x6a: {  	s11 =	simm.s32 $0x1;
	s22 =	simm.s32 $0x10;
	[smem:s8+$0x200] =	sst @!p0 s1  }
0x6b: {  	s1 =	simm.s32 $0x1;
	[smem:s8+$0x480] =	sst @!p0 s10;
	s10 =	simm.s32 $0x1  }
0x6c: {  	p0 =	sne.s32 s3, s2;
	s1 =	simm.s32 @!p4 $0x0;
	s26 =	spop (v2sf)  }
0x6d: {  	(v2sf) =	vpush v10, $0xF;
	p4 =	seq.s32 s2, s4;
	p6 =	sne.s32 s24, s5;
	s10 =	simm.s32 @!p2 $0x0  }
0x6e: {  	p2 =	sne.s32 s29, s3;
	[smem:s25] =	sst s26;
	(v2sf) =	vpush v10, $0xD;
	s8 =	sadd.s32 s10, s8  }
0x6f: {  	v9 =	vld [tilespmem:s22+$0x0];
	s11 =	simm.s32 @!p0 $0x0;
	(v2sf) =	vpush v10, $0xE;
	s10 =	spop (v2sf);
	[smem:s8+$0x200] =	sst @!p3 s4  }
0x70: {  	s12 =	simm.s32 @!p2 $0x0;
	(v2sf) =	vpush v8, $0x5;
	s1 =	sadd.s32 s1, s8;
	[smem:s8+$0x480] =	sst @!p3 s9  }
0x71: {  	p0 =	sne.s32 s10, s29;
	s8 =	spop (v2sf);
	(v2sf) =	vpush v8, $0x4;
	[smem:$0x9] =	sst s16  }
0x72: {  	s4 =	simm.s32 $0x1;
	[smem:s1+$0x200] =	sst @!p4 s2;
	s2 =	simm.s32 $0x1  }
0x73: {  	p3 =	seq.s32 s10, s29;
	s2 =	simm.s32 @!p0 $0x0;
	[smem:s1+$0x480] =	sst @!p4 s6  }
0x74: {  	(v2sf) =	vpush v9, $0x4;
	p0 =	sne.s32 s8, s10;
	s28 =	spop (v2sf);
	s1 =	sadd.s32 s20, s1  }
0x75: {  	s6 =	simm.s32 $0xA;
	s20 =	simm.s32 $0x1;
	p4 =	seq.s32 s8, s10;
	(v2sf) =	vpush v8, $0x2  }
0x76: {  	s4 =	simm.s32 @!p0 $0x0;
	p0 =	sne.s32 s5, s8;
	(v2sf) =	vpush v9, $0xB;
	[smem:$0xA] =	sst s28  }
0x77: {  	p2 =	seq.s32 s5, s8;
	[smem:s1+$0x200] =	sst @!p1 s3;
	s20 =	simm.s32 @!p0 $0x0;
	(v2sf) =	vpush v9, $0x1  }
0x78: {  	s3 =	simm.s32 $0x18;
	[smem:s1+$0x480] =	sst @!p1 s6;
	(v2sf) =	vpush v8, $0x1;
	s30 =	spop (v2sf)  }
0x79: {  	s1 =	sadd.s32 s11, s1;
	s6 =	simm.s32 $0xB;
	(v2sf) =	vpush v8, $0x0;
	[smem:$0xB] =	sst s30  }
.LBB2_2:
0x7a: {  	s9 =	smov.u32 s31;
	s31 =	sadd.s32 $0x10, s31  }
0x7b: {  	[smem:s1+$0x200] =	sst @!p5 s29;
	p0 =	sne.s32 s31, $0x20F  }
0x7c: {  	(v2sf) =	vpush v9, $0x2;
	p1 =	seq.s32 s24, s5;
	[dreg:$0x6] =	wrdreg s9;
	s9 =	simm.s32 @!p0 $0x0  }
0x7d: {  	s22 =	sadd.s32 $0x10, s22;
	[smem:s1+$0x480] =	sst @!p5 s6;
	s9 =	simm.s32 @p0 $0x1  }
0x7e: {  	s1 =	sadd.s32 s12, s1;
	s7 =	spop (v2sf);
	(v2sf) =	vpush v9, $0x0;
	[smem:$0x7FD] =	sst s9  }
0x7f: {  	s6 =	sadd.s32 $0xFFFFFFFD, s23;
	(v2sf) =	vpush v9, $0x3;
	[smem:s25+$0x4] =	sst s7;
	s11 =	spop (v2sf)  }
0x80: {  	s7 =	sadd.s32 $0xFFFFFFFE, s23;
	[smem:s1+$0x200] =	sst @!p3 s10;
	s13 =	spop (v2sf)  }
0x81: {  	[smem:s1+$0x480] =	sst @!p3 s6;
	s1 =	sadd.s32 s2, s1;
	s15 =	spop (v2sf)  }
0x82: {  	(v2sf) =	vpush v9, $0xA;
	s2 =	simm.s32 $0x1;
	[smem:s25+$0x5] =	sst s13;
	s28 =	sadd.s32 s4, s1  }
0x83: {  	(v2sf) =	vpush v9, $0x9;
	s2 =	simm.s32 @!p6 $0x0;
	s10 =	spop (v2sf);
	s20 =	sadd.s32 s20, s28  }
0x84: {  	[smem:s1+$0x200] =	sst @!p4 s8;
	(v2sf) =	vpush v9, $0x8;
	s4 =	sadd.s32 s2, s20;
	s2 =	spop (v2sf)  }
0x85: {  	s21 =	sadd.s32 $0x10, s21;
	[smem:s1+$0x480] =	sst @!p4 s7;
	s12 =	spop (v2sf)  }
0x86: {  	s30 =	simm.s32 $0x1;
	[smem:s25+$0x6] =	sst s15;
	s16 =	spop (v2sf)  }
0x87: {  	(v2sf) =	vpush v9, $0x5;
	s1 =	sadd.s32 $0xFFFFFFFF, s23;
	[smem:s28+$0x200] =	sst @!p2 s5;
	s29 =	spop (v2sf)  }
0x88: {  	s6 =	sadd.s32 $0xFFFFFFFA, s0;
	[smem:s28+$0x480] =	sst @!p2 s1;
	s1 =	spop (v2sf)  }
0x89: {  	s13 =	sadd.s32 $0xFFFFFFF2, s0;
	[smem:s25+$0x7] =	sst s11;
	s11 =	spop (v2sf)  }
0x8a: {  	s8 =	sadd.s32 $0xFFFFFFF8, s0;
	[smem:s20+$0x200] =	sst @!p1 s24;
	s28 =	spop (v2sf)  }
0x8b: {  	[smem:s20+$0x480] =	sst @!p1 s23;
	s23 =	sadd.s32 $0xFFFFFFF1, s0;
	s9 =	spop (v2sf)  }
0x8c: {  	(v2sf) =	vpush v8, $0x3;
	[smem:s3+$0xFFFFFFF8] =	sst s28;
	s28 =	simm.s32 $0x1;
	p1 =	sne.s32 s9, s1  }
0x8d: {  	p3 =	seq.s32 s9, s1;
	s26 =	spop (v2sf);
	s30 =	simm.s32 @!p1 $0x0  }
0x8e: {  	(v2sf) =	vpush v9, $0x6;
	p2 =	seq.s32 s26, s24;
	p0 =	sne.s32 s1, s26;
	s20 =	spop (v2sf)  }
0x8f: {  	p4 =	sne.s32 s26, s24;
	s24 =	simm.s32 $0x1;
	p5 =	seq.s32 s1, s26  }
0x90: {  	[smem:s4+$0x200] =	sst @!p2 s26;
	s24 =	simm.s32 @!p4 $0x0;
	p1 =	sne.s32 s20, s9  }
0x91: {  	p4 =	seq.s32 s20, s9;
	s26 =	simm.s32 $0x1;
	s25 =	spop (v2sf)  }
0x92: {  	[smem:s4+$0x480] =	sst @!p2 s23;
	s28 =	simm.s32 @!p1 $0x0;
	s23 =	spop (v2sf)  }
0x93: {  	p1 =	sne.s32 s12, s20;
	s15 =	sadd.s32 s24, s4;
	s4 =	spop (v2sf)  }
0x94: {  	p2 =	seq.s32 s12, s20;
	[smem:s3+$0xFFFFFFF9] =	sst s11;
	p6 =	sne.s32 s23, s4  }
0x95: {  	s26 =	simm.s32 @!p0 $0x0;
	[smem:s15+$0x200] =	sst @!p5 s1;
	s11 =	simm.s32 @!p6 $0x0  }
0x96: {  	(v2sf) =	vpush v9, $0x7;
	s24 =	spop (v2sf);
	[smem:s15+$0x480] =	sst @!p5 s13;
	s11 =	simm.s32 @p6 $0x1  }
0x97: {  	(v2sf) =	vpush v8, $0x9;
	s15 =	sadd.s32 s26, s15;
	[smem:$0x7F9] =	sst s11;
	s11 =	simm.s32 $0x1  }
0x98: {  	(v2sf) =	vpush v8, $0x7;
	[smem:s3+$0xFFFFFFFA] =	sst s16;
	s11 =	simm.s32 @!p1 $0x0;
	p1 =	sne.s32 s24, s12  }
0x99: {  	(v2sf) =	vpush v8, $0x6;
	s26 =	sadd.s32 $0xFFFFFFF3, s0;
	[smem:s15+$0x200] =	sst @!p3 s9;
	s1 =	simm.s32 @!p1 $0x0  }
0x9a: {  	s13 =	sadd.s32 $0xFFFFFFF4, s0;
	[smem:s15+$0x480] =	sst @!p3 s26;
	s1 =	simm.s32 @p1 $0x1  }
0x9b: {  	s16 =	simm.s32 $0x1;
	[smem:$0x7F8] =	sst s1;
	s1 =	spop (v2sf)  }
0x9c: {  	p6 =	seq.s32 s24, s12;
	s15 =	sadd.s32 s30, s15;
	[smem:s3+$0xFFFFFFFB] =	sst s1  }
0x9d: {  	p1 =	sne.s32 s29, s25;
	s5 =	spop (v2sf);
	s30 =	sld [smem:$0x7F8]  }
0x9e: {  	s1 =	simm.s32 $0x1;
	[smem:s15+$0x200] =	sst @!p4 s20;
	s20 =	simm.s32 @!p1 $0x0  }
0x9f: {  	p0 =	sne.s32 s5, s24;
	s20 =	simm.s32 @p1 $0x1;
	[smem:s15+$0x480] =	sst @!p4 s13  }
0xa0: {  	(v2sf) =	vpush v9, $0xF;
	s16 =	simm.s32 @!p0 $0x0;
	p0 =	sne.s32 s25, s23;
	[smem:$0x7FB] =	sst s20  }
0xa1: {  	(v2sf) =	vpush v9, $0xE;
	s13 =	sadd.s32 s28, s15;
	s9 =	simm.s32 @!p0 $0x0;
	[smem:s3+$0xFFFFFFFC] =	sst s2  }
0xa2: {  	p5 =	seq.s32 s5, s24;
	(v2sf) =	vpush v8, $0x8;
	s9 =	simm.s32 @p0 $0x1;
	[smem:s13+$0x200] =	sst @!p2 s12  }
0xa3: {  	s15 =	sadd.s32 $0xFFFFFFF5, s0;
	s2 =	simm.s32 $0x1;
	[smem:$0x7FA] =	sst s9  }
0xa4: {  	p1 =	seq.s32 s30, $0x1;
	s11 =	sadd.s32 s11, s13;
	[smem:s13+$0x480] =	sst @!p2 s15  }
0xa5: {  	s2 =	simm.s32 @!p1 $0x0;
	s9 =	spop (v2sf);
	[smem:s3+$0xFFFFFFFD] =	sst s10  }
0xa6: {  	s12 =	sadd.s32 $0xFFFFFFF6, s0;
	s20 =	spop (v2sf);
	[smem:s11+$0x200] =	sst @!p6 s24  }
0xa7: {  	s13 =	simm.s32 $0x1;
	s26 =	spop (v2sf);
	[smem:s11+$0x480] =	sst @!p6 s12  }
0xa8: {  	p0 =	sne.s32 s9, s5;
	s28 =	spop (v2sf);
	s12 =	sld [smem:$0x7F9]  }
0xa9: {  	(v2sf) =	vpush v9, $0xC;
	s2 =	sadd.s32 s2, s11;
	s1 =	simm.s32 @!p0 $0x0;
	[smem:s3+$0xFFFFFFFE] =	sst s28  }
0xaa: {  	(v2sf) =	vpush v9, $0xD;
	p0 =	sne.s32 s4, s9;
	s11 =	sadd.s32 $0xFFFFFFF7, s0;
	[smem:s2+$0x200] =	sst @!p5 s5  }
0xab: {  	s7 =	sadd.s32 $0xFFFFFFF9, s0;
	s13 =	simm.s32 @!p0 $0x0;
	[smem:s2+$0x480] =	sst @!p5 s11  }
0xac: {  	p0 =	seq.s32 s12, $0x1;
	s12 =	sadd.s32 s16, s2;
	s16 =	sld [smem:$0x7FA]  }
0xad: {  	s30 =	simm.s32 $0x1;
	p3 =	seq.s32 s9, s5;
	(v2sf) =	vpush v8, $0xA;
	s11 =	sld [smem:$0x7FB]  }
0xae: {  	p4 =	seq.s32 s4, s9;
	s28 =	simm.s32 $0x1;
	[smem:s3+$0xFFFFFFFF] =	sst s26  }
0xaf: {  	s30 =	simm.s32 @!p0 $0x0;
	[smem:s12+$0x200] =	sst @!p3 s9;
	s24 =	spop (v2sf)  }
0xb0: {  	(v2sf) =	vpush v8, $0xB;
	p0 =	seq.s32 s16, $0x1;
	[smem:s12+$0x480] =	sst @!p3 s8;
	s5 =	spop (v2sf)  }
0xb1: {  	s28 =	simm.s32 @!p0 $0x0;
	p0 =	sne.s32 s24, s5;
	s26 =	spop (v2sf)  }
0xb2: {  	s1 =	sadd.s32 s1, s12;
	s2 =	simm.s32 @!p0 $0x0;
	[smem:s3] =	sst s26  }
0xb3: {  	p2 =	seq.s32 s23, s4;
	s2 =	simm.s32 @p0 $0x1;
	[smem:s1+$0x200] =	sst @!p4 s4  }
0xb4: {  	p6 =	seq.s32 s25, s23;
	p5 =	seq.s32 s29, s25;
	[smem:$0x7FC] =	sst s2  }
0xb5: {  	s9 =	sadd.s32 s13, s1;
	s12 =	simm.s32 $0x1;
	[smem:s1+$0x480] =	sst @!p4 s7  }
0xb6: {  	v10 =	vld [tilespmem:s21+$0x0];
	p0 =	seq.s32 s11, $0x1;
	s4 =	simm.s32 $0x1;
	[smem:s3+$0x1] =	sst s20  }
0xb7: {  	(v2sf) =	vpush v8, $0xC;
	s12 =	simm.s32 @!p0 $0x0;
	s2 =	simm.s32 $0x1;
	s26 =	sld [smem:$0x7FC]  }
0xb8: {  	v9 =	vld [tilespmem:s22+$0x0];
	(v2sf) =	vpush v8, $0xF;
	s10 =	spop (v2sf);
	s20 =	simm.s32 $0x1;
	[smem:s9+$0x200] =	sst @!p2 s23  }
0xb9: {  	(v2sf) =	vpush v8, $0xD;
	p3 =	seq.s32 s10, s29;
	s8 =	spop (v2sf);
	[smem:s9+$0x480] =	sst @!p2 s6  }
0xba: {  	(v2sf) =	vpush v8, $0xE;
	p1 =	sne.s32 s10, s29;
	s6 =	sadd.s32 s30, s9;
	s30 =	sld [smem:$0x7FD]  }
0xbb: {  	v8 =	vmov v10;
	s23 =	smov.u32 s0;
	p0 =	sne.s32 s8, s10;
	(v2sf) =	vpush v10, $0x5;
	s2 =	simm.s32 @!p1 $0x0  }
0xbc: {  	p4 =	seq.s32 s8, s10;
	p1 =	sne.s32 s5, s8;
	s15 =	spop (v2sf);
	(v2sf) =	vpush v8, $0x4  }
0xbd: {  	s4 =	simm.s32 @!p0 $0x0;
	[smem:s3+$0x2] =	sst s15;
	(v2sf) =	vpush v9, $0x4;
	p0 =	seq.s32 s30, $0x1  }
.Ltmp2:
0xbe: {  	p2 =	seq.s32 s5, s8;
	[smem:s6+$0x200] =	sst @!p6 s25;
	(v2sf) =	vpush v8, $0x2;
	(pc) =	sbr.rel @p0 .LBB2_2-.Ltmp2, $4  }
0xbf: {  	s7 =	sadd.s32 $0xFFFFFFFB, s23;
	s16 =	spop (v2sf);
	s25 =	rddreg [dreg:$0x6];
	(v2sf) =	vpush v9, $0xB  }
0xc0: {  	s20 =	simm.s32 @!p1 $0x0;
	s1 =	sadd.s32 s28, s6;
	s0 =	smov.u32 s25;
	(v2sf) =	vpush v9, $0x1  }
0xc1: {  	[smem:s6+$0x480] =	sst @!p6 s7;
	p6 =	seq.s32 s26, $0x1;
	s25 =	smov.u32 s3;
	(v2sf) =	vpush v8, $0x1  }
0xc2: {  	s6 =	sadd.s32 $0xFFFFFFFC, s23;
	s3 =	sadd.s32 $0x10, s3;
	[smem:s25+$0x3] =	sst s16;
	(v2sf) =	vpush v8, $0x0  }
0xc3: {  	(v2sf) =	vpush v9, $0x2  }
0xc4: {  	(v2sf) =	vpush v9, $0x0;
	_ =	sdelay $0x1  }
0xc5: {  	[smem:s1+$0x200] =	sst @!p5 s29;
	s22 =	spop (v2sf)  }
0xc6: {  	s11 =	simm.s32 $0x1;
	[smem:s1+$0x480] =	sst @!p5 s6;
	s9 =	spop (v2sf)  }
0xc7: {  	s1 =	sadd.s32 s12, s1;
	[smem:s25+$0x4] =	sst s22;
	s26 =	spop (v2sf)  }
0xc8: {  	s6 =	sadd.s32 $0xFFFFFFFD, s23;
	[smem:s1+$0x200] =	sst @!p3 s10;
	s28 =	spop (v2sf)  }
0xc9: {  	p0 =	seq.s32 s24, s5;
	(v2sf) =	vpush v9, $0x3;
	[smem:s1+$0x480] =	sst @!p3 s6;
	s7 =	spop (v2sf)  }
0xca: {  	(v2sf) =	vpush v9, $0xA;
	s1 =	sadd.s32 s2, s1;
	[smem:s25+$0x5] =	sst s26;
	s29 =	spop (v2sf)  }
0xcb: {  	(v2sf) =	vpush v9, $0x9;
	s2 =	sadd.s32 $0xFFFFFFFE, s23;
	[smem:s1+$0x200] =	sst @!p4 s8;
	s8 =	spop (v2sf)  }
0xcc: {  	s15 =	simm.s32 $0x1;
	(v2sf) =	vpush v9, $0x8;
	[smem:s1+$0x480] =	sst @!p4 s2;
	s13 =	spop (v2sf)  }
0xcd: {  	(v2sf) =	vpush v9, $0x5;
	s1 =	sadd.s32 s4, s1;
	[smem:s25+$0x6] =	sst s28;
	s6 =	spop (v2sf)  }
0xce: {  	s2 =	sadd.s32 $0xFFFFFFFF, s23;
	(v2sf) =	vpush v8, $0x3;
	[smem:s1+$0x200] =	sst @!p2 s5;
	s4 =	spop (v2sf)  }
0xcf: {  	s11 =	simm.s32 @!p6 $0x0;
	[smem:s1+$0x480] =	sst @!p2 s2;
	s30 =	spop (v2sf)  }
0xd0: {  	s1 =	sadd.s32 s20, s1;
	[smem:s25+$0x7] =	sst s9;
	s16 =	spop (v2sf)  }
0xd1: {  	s10 =	sadd.s32 $0xFFFFFFF5, s0;
	[smem:s1+$0x200] =	sst @!p0 s24;
	s9 =	spop (v2sf)  }
0xd2: {  	s5 =	sadd.s32 $0xFFFFFFF2, s0;
	[smem:s1+$0x480] =	sst @!p0 s23;
	s12 =	spop (v2sf)  }
0xd3: {  	(v2sf) =	vpush v9, $0x6;
	s1 =	sadd.s32 s11, s1;
	[smem:s3+$0xFFFFFFF8] =	sst s16;
	p0 =	seq.s32 s12, s24  }
0xd4: {  	s11 =	sadd.s32 $0xFFFFFFF1, s0;
	s16 =	simm.s32 $0x1;
	[smem:s1+$0x200] =	sst @!p0 s12  }
0xd5: {  	(v2sf) =	vpush v9, $0x7;
	p1 =	sne.s32 s12, s24;
	[smem:s1+$0x480] =	sst @!p0 s11;
	s11 =	simm.s32 $0x1  }
0xd6: {  	p0 =	sne.s32 s9, s4;
	s11 =	simm.s32 @!p1 $0x0;
	p1 =	seq.s32 s4, s12  }
0xd7: {  	(v2sf) =	vpush v8, $0x9;
	[smem:s3+$0xFFFFFFF9] =	sst s30;
	s15 =	simm.s32 @!p0 $0x0;
	s1 =	sadd.s32 s11, s1  }
0xd8: {  	p0 =	seq.s32 s9, s4;
	s11 =	spop (v2sf);
	(v2sf) =	vpush v8, $0x7;
	[smem:s1+$0x200] =	sst @!p1 s4  }
0xd9: {  	[smem:s1+$0x480] =	sst @!p1 s5;
	p1 =	sne.s32 s4, s12;
	s4 =	spop (v2sf);
	(v2sf) =	vpush v8, $0x6  }
0xda: {  	s2 =	sadd.s32 $0xFFFFFFF9, s0;
	s16 =	simm.s32 @!p1 $0x0;
	s5 =	spop (v2sf)  }
0xdb: {  	[smem:s3+$0xFFFFFFFA] =	sst s13;
	s12 =	spop (v2sf);
	s1 =	sadd.s32 s16, s1  }
0xdc: {  	s16 =	sadd.s32 $0xFFFFFFF3, s0;
	s13 =	spop (v2sf);
	[smem:s1+$0x200] =	sst @!p0 s9  }
0xdd: {  	s20 =	simm.s32 $0x1;
	(v2sf) =	vpush v9, $0xF;
	s21 =	spop (v2sf);
	[smem:s1+$0x480] =	sst @!p0 s16  }
0xde: {  	(v2sf) =	vpush v9, $0xE;
	p0 =	seq.s32 s11, s9;
	s1 =	sadd.s32 s15, s1;
	[smem:s3+$0xFFFFFFFB] =	sst s21  }
0xdf: {  	p1 =	sne.s32 s11, s9;
	(v2sf) =	vpush v8, $0x8;
	s9 =	sadd.s32 $0xFFFFFFF4, s0;
	[smem:s1+$0x200] =	sst @!p0 s11  }
0xe0: {  	s20 =	simm.s32 @!p1 $0x0;
	p1 =	sne.s32 s8, s11;
	[smem:s1+$0x480] =	sst @!p0 s9  }
0xe1: {  	p0 =	seq.s32 s8, s11;
	s1 =	sadd.s32 s20, s1;
	[smem:s3+$0xFFFFFFFC] =	sst s29  }
0xe2: {  	s9 =	simm.s32 $0x1;
	s11 =	spop (v2sf);
	[smem:s1+$0x200] =	sst @!p0 s8  }
0xe3: {  	s9 =	simm.s32 @!p1 $0x0;
	p1 =	sne.s32 s13, s8;
	[smem:s1+$0x480] =	sst @!p0 s10  }
0xe4: {  	(v2sf) =	vpush v9, $0xC;
	p0 =	seq.s32 s13, s8;
	s10 =	spop (v2sf);
	s8 =	simm.s32 $0x1  }
0xe5: {  	(v2sf) =	vpush v9, $0xD;
	s1 =	sadd.s32 s9, s1;
	s8 =	simm.s32 @!p1 $0x0;
	[smem:s3+$0xFFFFFFFD] =	sst s7  }
0xe6: {  	(v2sf) =	vpush v8, $0xA;
	s20 =	spop (v2sf);
	s7 =	sadd.s32 $0xFFFFFFF6, s0;
	[smem:s1+$0x200] =	sst @!p0 s13  }
0xe7: {  	p1 =	seq.s32 s11, s13;
	s21 =	spop (v2sf);
	[smem:s1+$0x480] =	sst @!p0 s7  }
0xe8: {  	p0 =	sne.s32 s11, s13;
	s7 =	simm.s32 $0x1;
	s22 =	spop (v2sf)  }
0xe9: {  	s1 =	sadd.s32 s8, s1;
	(v2sf) =	vpush v8, $0xB;
	s8 =	sadd.s32 $0xFFFFFFF7, s0;
	[smem:s3+$0xFFFFFFFE] =	sst s22  }
0xea: {  	s13 =	sadd.s32 $0xFFFFFFF8, s0;
	s7 =	simm.s32 @!p0 $0x0;
	[smem:s1+$0x200] =	sst @!p1 s11  }
0xeb: {  	p0 =	seq.s32 s10, s11;
	[smem:s1+$0x480] =	sst @!p1 s8;
	p1 =	sne.s32 s10, s11  }
0xec: {  	(v2sf) =	vpush v8, $0xC;
	s11 =	simm.s32 $0x1;
	s1 =	sadd.s32 s7, s1;
	s7 =	spop (v2sf)  }
0xed: {  	s11 =	simm.s32 @!p1 $0x0;
	[smem:s3+$0xFFFFFFFF] =	sst s21;
	s8 =	spop (v2sf)  }
0xee: {  	p1 =	sne.s32 s12, s10;
	[smem:s1+$0x200] =	sst @!p0 s10;
	s23 =	spop (v2sf)  }
0xef: {  	(v2sf) =	vpush v8, $0xF;
	[smem:s1+$0x480] =	sst @!p0 s13;
	p0 =	seq.s32 s12, s10;
	s10 =	simm.s32 $0x1  }
0xf0: {  	(v2sf) =	vpush v8, $0xD;
	s1 =	sadd.s32 s11, s1;
	s11 =	simm.s32 $0x1;
	[smem:s3] =	sst s23  }
0xf1: {  	(v2sf) =	vpush v8, $0xE;
	s10 =	simm.s32 @!p1 $0x0;
	p1 =	sne.s32 s5, s12;
	[smem:s1+$0x200] =	sst @!p0 s12  }
0xf2: {  	s11 =	simm.s32 @!p1 $0x0;
	p1 =	seq.s32 s5, s12;
	[smem:s1+$0x480] =	sst @!p0 s2  }
0xf3: {  	s2 =	spop (v2sf);
	s1 =	sadd.s32 s10, s1;
	[smem:s3+$0x1] =	sst s20  }
0xf4: {  	s9 =	sadd.s32 $0xFFFFFFFA, s0;
	s10 =	spop (v2sf);
	[smem:s1+$0x200] =	sst @!p1 s5  }
0xf5: {  	p0 =	sne.s32 s4, s5;
	s24 =	spop (v2sf);
	[smem:s1+$0x480] =	sst @!p1 s9  }
0xf6: {  	p1 =	seq.s32 s4, s5;
	s1 =	sadd.s32 s11, s1;
	s5 =	simm.s32 $0x1  }
0xf7: {  	s9 =	sadd.s32 $0xFFFFFFFB, s0;
	[smem:s3+$0x2] =	sst s24;
	s5 =	simm.s32 @!p0 $0x0  }
0xf8: {  	p0 =	sne.s32 s6, s4;
	s25 =	spop (v2sf);
	[smem:s1+$0x200] =	sst @!p1 s4  }
0xf9: {  	[smem:s1+$0x480] =	sst @!p1 s9;
	p1 =	seq.s32 s6, s4;
	s4 =	simm.s32 $0x1  }
0xfa: {  	s1 =	sadd.s32 s5, s1;
	s5 =	sadd.s32 $0xFFFFFFFC, s0;
	[smem:s3+$0x3] =	sst s25  }
0xfb: {  	s26 =	spop (v2sf);
	s4 =	simm.s32 @!p0 $0x0;
	[smem:s1+$0x200] =	sst @!p1 s6  }
0xfc: {  	p0 =	seq.s32 s2, s6;
	[smem:s1+$0x480] =	sst @!p1 s5;
	p1 =	sne.s32 s2, s6  }
0xfd: {  	s6 =	simm.s32 $0x1;
	s1 =	sadd.s32 s4, s1;
	s4 =	sadd.s32 $0xFFFFFFFD, s0  }
0xfe: {  	s28 =	spop (v2sf);
	[smem:s3+$0x4] =	sst s26;
	s6 =	simm.s32 @!p1 $0x0  }
0xff: {  	p1 =	sne.s32 s10, s2;
	s29 =	spop (v2sf);
	[smem:s1+$0x200] =	sst @!p0 s2  }
0x100: {  	s30 =	spop (v2sf);
	[smem:s1+$0x480] =	sst @!p0 s4;
	p0 =	seq.s32 s10, s2  }
0x101: {  	s2 =	simm.s32 $0x1;
	s1 =	sadd.s32 s6, s1;
	[smem:s3+$0x5] =	sst s29  }
0x102: {  	s4 =	sadd.s32 $0xFFFFFFFE, s0;
	s6 =	simm.s32 $0x1;
	[smem:s1+$0x200] =	sst @!p0 s10  }
0x103: {  	s2 =	simm.s32 @!p1 $0x0;
	p1 =	sne.s32 s8, s10;
	[smem:s1+$0x480] =	sst @!p0 s4  }
0x104: {  	p0 =	seq.s32 s8, s10;
	s1 =	sadd.s32 s2, s1;
	[smem:s3+$0x6] =	sst s30  }
0x105: {  	s6 =	simm.s32 @!p1 $0x0;
	s2 =	sadd.s32 $0xFFFFFFFF, s0;
	[smem:s1+$0x200] =	sst @!p0 s8  }
0x106: {  	p1 =	sne.s32 s7, s8;
	[smem:s1+$0x480] =	sst @!p0 s2;
	p0 =	seq.s32 s7, s8  }
0x107: {  	s1 =	sadd.s32 s6, s1;
	s2 =	simm.s32 $0x1;
	[smem:s3+$0x7] =	sst s28  }
0x108: {  	s2 =	simm.s32 @!p1 $0x0;
	[smem:s1+$0x200] =	sst @!p0 s7  }
0x109: {  	s11 =	simm.s32 $0x200;
	s31 =	sadd.s32 s2, s1;
	[smem:s1+$0x480] =	sst @!p0 s0  }
0x10a: {  	p0 =	slt.s32 s31, $0x1;
	[smem:s31+$0x480] =	sst s11  }
0x10b: {  	s0 =	sld @!p0 [smem:$0x200];
	_ =	sdelay $0x1  }
0x10c: {  	s1 =	simm.s32 @!p0 $0x400  }
0x10d: {  	s8 =	rddreg [dreg:$0x3];
	s2 =	simm.s32 @!p0 $0x7A1400;
	s0 =	sand.u32 @!p0 $0xFFFFF80, s0  }
0x10e: {  	s3 =	simm.s32 @!p0 $0x600;
	p1 =	seq.s32 @!p0 s31, $0x1;
	s0 =	sadd.s32 @!p0 s8, s0  }
0x10f: {  	[tilespmem:s3], [sflag:$0x1] =	stream.strided.gather @!p0 [hbm4b:s0+s1], $0x2000, s2, s1, $0x38;
	[tilespmem:$0x1C600] =	vst v63  }
0x110: {  	p0 =	por p0, p1  }
.Ltmp3:
0x111: {  	_ = 	snop;
	(pc) =	sbr.rel @p0 .LBB2_5-.Ltmp3, $2  }
0x112: {  	_ =	sdelay $0x2  }
0x113: {  	s13 =	simm.s32 $0x2600;
	s9 =	simm.s32 $0x400  }
0x114: {  	s0 =	sld [smem:$0x201]  }
0x115: {  	p0 =	slt.u32 s31, $0x3  }
0x116: {  	p2 =	seq.s32 @!p0 s31, $0x3  }
0x117: {  	s1 =	sld @!p0 [smem:$0x202];
	p3 =	por p2, p0;
	s0 =	sand.u32 $0xFFFFF80, s0  }
0x118: {  	s2 =	simm.s32 $0x7A1400;
	p4 =	slt.u32 @!p3 s31, $0x5;
	s0 =	sadd.s32 s8, s0  }
0x119: {  	[tilespmem:s13], [sflag:$0x1] =	stream.strided.gather [hbm4b:s0+s9], $0x2000, s2, s9, $0x38;
	[tilespmem:$0x1C600] =	vst v63  }
0x11a: {  	s3 =	simm.s32 @!p0 $0x4600;
	p1 =	por @!p0 p4, p2;
	s0 =	sand.u32 @!p0 $0xFFFFF80, s1  }
0x11b: {  	s1 =	simm.s32 @!p0 $0x400;
	s2 =	simm.s32 @!p0 $0x7A1400;
	s0 =	sadd.s32 @!p0 s8, s0  }
0x11c: {  	[tilespmem:s3], [sflag:$0x1] =	stream.strided.gather @!p0 [hbm4b:s0+s1], $0x2000, s2, s1, $0x38;
	[tilespmem:$0x1C600] =	vst v63  }
0x11d: {  	p1 =	por p1, p0;
	s0 =	sld @!p3 [smem:$0x203]  }
0x11e: {  	p5 =	seq.s32 @!p1 s31, $0x5  }
0x11f: {  	s4 =	sld @!p1 [smem:$0x204];
	p4 =	por @!p3 p5, p4;
	s1 =	simm.s32 @!p3 $0x400  }
0x120: {  	s2 =	simm.s32 @!p3 $0x7A1400;
	p2 =	por @!p0 p4, p2;
	s0 =	sand.u32 @!p3 $0xFFFFF80, s0  }
0x121: {  	s3 =	simm.s32 @!p3 $0x6600;
	p0 =	por p2, p0;
	s0 =	sadd.s32 @!p3 s8, s0  }
0x122: {  	[tilespmem:s3], [sflag:$0x1] =	stream.strided.gather @!p3 [hbm4b:s0+s1], $0x2000, s2, s1, $0x38;
	[tilespmem:$0x1C600] =	vst v63  }
0x123: {  	s0 =	sand.u32 @!p1 $0xFFFFF80, s4;
	s1 =	sld @!p0 [smem:$0x205];
	s2 =	simm.s32 @!p1 $0x400  }
0x124: {  	s3 =	simm.s32 @!p1 $0x7A1400;
	s4 =	simm.s32 @!p1 $0x8600;
	s0 =	sadd.s32 @!p1 s8, s0  }
0x125: {  	[tilespmem:s4], [sflag:$0x1] =	stream.strided.gather @!p1 [hbm4b:s0+s2], $0x2000, s3, s2, $0x38;
	[tilespmem:$0x1C600] =	vst v63  }
0x126: {  	s2 =	simm.s32 @!p0 $0x7A1400;
	s0 =	sand.u32 @!p0 $0xFFFFF80, s1  }
0x127: {  	s3 =	simm.s32 @!p0 $0xA600;
	s1 =	simm.s32 @!p0 $0x400;
	s0 =	sadd.s32 @!p0 s8, s0  }
0x128: {  	[tilespmem:s3], [sflag:$0x1] =	stream.strided.gather @!p0 [hbm4b:s0+s1], $0x2000, s2, s1, $0x38;
	[tilespmem:$0x1C600] =	vst v63  }
.LBB2_5:
.Ltmp4:
0x129: {  	(pc) =	sbr.rel .LBB2_6-.Ltmp4, $3  }
0x12a: {  	_ =	sdelay $0x1  }
0x12b: {  	s0 =	simm.s32 $0x0  }
0x12c: {  	s10 =	simm.s32 $0x1;
	s12 =	simm.s32 $0x600;
	s15 =	simm.s32 $0x4600  }
.LBB2_40:
0x12d: {  	_ =	sdelay $0x3  }
0x12e: {  	[tilespmem:v10+s14+$0x0] =	vst.idx.msk $0xffff, v8  }
0x12f: {  	v63 =	vor.u32 s1, v7;
	v8 =	vld.idx.msk [tilespmem:v9+s19+$0x0], $0xffff;
	_ =	sdelay $0x4  }
0x130: {  	[tilespmem:v63+s14+$0x0] =	vst.idx.msk $0xffff, v8  }
.LBB2_41:
0x131: {  	s1 =	sadd.s32 $0xB, s3  }
0x132: {  	p0 =	sge.u32 s1, s31  }
0x133: {  	s1 =	sld @!p0 [smem:s1+$0x200];
	_ =	sdelay $0x2  }
0x134: {  	s2 =	simm.s32 @!p0 $0x400;
	s1 =	sand.u32 @!p0 $0xFFFFF80, s1  }
0x135: {  	s3 =	simm.s32 @!p0 $0x7A1400;
	s4 =	simm.s32 @!p0 $0xA600;
	s1 =	sadd.s32 @!p0 s8, s1  }
0x136: {  	[tilespmem:s4], [sflag:$0x1] =	stream.strided.gather @!p0 [hbm4b:s1+s2], $0x2000, s3, s2, $0x38;
	[tilespmem:$0x1C600] =	vst v63  }
.LBB2_42:
0x137: {  	s0 =	sadd.s32 $0x1, s0  }
0x138: {  	p0 =	sne.s32 s0, $0x56  }
.Ltmp5:
0x139: {  	_ = 	snop;
	(pc) =	sbr.rel @!p0 .LBB2_43-.Ltmp5, $1  }
0x13a: {  	_ =	sdelay $0x3  }
.LBB2_6:
0x13b: {  	s3 =	smul.u32 $0x6, s0;
	_ =	sdelay $0x1  }
0x13c: {  	p0 =	sge.s32 s3, s31  }
.Ltmp6:
0x13d: {  	_ = 	snop;
	(pc) =	sbr.rel @p0 .LBB2_12-.Ltmp6, $1  }
0x13e: {  	_ =	sdelay $0x3  }
0x13f: {  	_ =	swait.ge [sflag:s10], $0x2000  }
0x140: {  	[sflag:s10] =	ssyncset.done $0x0  }
0x141: {  	[sflag:s10] =	ssyncadd.s32 $0xFFFFE000  }
0x142: {  	s4 =	sld [smem:s3+$0x480]  }
0x143: {  	s2 =	sld [smem:s3+$0x481];
	_ =	sdelay $0x2  }
0x144: {  	p0 =	sge.s32 s4, s2  }
.Ltmp7:
0x145: {  	_ = 	snop;
	(pc) =	sbr.rel @p0 .LBB2_11-.Ltmp7, $1  }
0x146: {  	_ =	sdelay $0x3  }
0x147: {  	s1 =	sshll.u32 s4, $0x2  }
0x148: {  	s5 =	sshra.s32 s1, $0x2  }
0x149: {  	s6 =	sld [smem:s5+$0x0];
	_ =	sdelay $0x2  }
0x14a: {  	v8 =	vadd.s32 s6, v1;
	_ =	sdelay $0x3  }
0x14b: {  	s1 =	sshll.u32 s4, $0x7  }
0x14c: {  	v9 =	vor.u32 s1, v0;
	v8 =	vld.idx.msk [tilespmem:v8+s12+$0x0], $0xffff  }
0x14d: {  	v10 =	vadd.s32 s6, v2;
	_ =	sdelay $0x3  }
0x14e: {  	[tilespmem:v9+s14+$0x0] =	vst.idx.msk $0xffff, v8  }
0x14f: {  	v9 =	vor.u32 s1, v3;
	v8 =	vld.idx.msk [tilespmem:v10+s12+$0x0], $0xffff  }
0x150: {  	v10 =	vadd.s32 s6, v4;
	_ =	sdelay $0x2  }
0x151: {  	s4 =	sadd.s32 $0x1, s4  }
0x152: {  	p0 =	sne.s32 s2, s4;
	[tilespmem:v9+s14+$0x0] =	vst.idx.msk $0xffff, v8  }
.Ltmp8:
0x153: {  	v8 =	vld.idx.msk [tilespmem:v10+s12+$0x0], $0xffff;
	v10 =	vor.u32 s1, v5;
	(pc) =	sbr.rel @!p0 .LBB2_10-.Ltmp8, $2  }
0x154: {  	v9 =	vadd.s32 s6, v6;
	_ =	sdelay $0x2  }
0x155: {  	s5 =	sadd.s32 $0x1, s5  }
.LBB2_9:
0x156: {  	s6 =	sld [smem:s5+$0x0];
	[tilespmem:v10+s14+$0x0] =	vst.idx.msk $0xffff, v8;
	s7 =	smov.u32 s4;
	s4 =	sadd.s32 $0x1, s4  }
0x157: {  	p0 =	sne.s32 s2, s4;
	v8 =	vld.idx.msk [tilespmem:v9+s12+$0x0], $0xffff  }
0x158: {  	v9 =	vor.u32 s1, v7  }
0x159: {  	v10 =	vadd.s32 s6, v1;
	_ =	sdelay $0x3  }
0x15a: {  	[tilespmem:v9+s14+$0x0] =	vst.idx.msk $0xffff, v8  }
0x15b: {  	s1 =	sshll.u32 s7, $0x7;
	v8 =	vld.idx.msk [tilespmem:v10+s12+$0x0], $0xffff  }
0x15c: {  	v9 =	vor.u32 s1, v0  }
0x15d: {  	v10 =	vadd.s32 s6, v2;
	_ =	sdelay $0x3  }
0x15e: {  	[tilespmem:v9+s14+$0x0] =	vst.idx.msk $0xffff, v8  }
0x15f: {  	v8 =	vld.idx.msk [tilespmem:v10+s12+$0x0], $0xffff  }
0x160: {  	v9 =	vor.u32 s1, v3  }
0x161: {  	v10 =	vadd.s32 s6, v4;
	_ =	sdelay $0x3  }
0x162: {  	[tilespmem:v9+s14+$0x0] =	vst.idx.msk $0xffff, v8  }
0x163: {  	v8 =	vld.idx.msk [tilespmem:v10+s12+$0x0], $0xffff  }
.Ltmp9:
0x164: {  	v10 =	vor.u32 s1, v5;
	(pc) =	sbr.rel @p0 .LBB2_9-.Ltmp9, $2  }
0x165: {  	v9 =	vadd.s32 s6, v6;
	_ =	sdelay $0x2  }
0x166: {  	s5 =	sadd.s32 $0x1, s5  }
.LBB2_10:
0x167: {  	_ =	sdelay $0x3  }
0x168: {  	[tilespmem:v10+s14+$0x0] =	vst.idx.msk $0xffff, v8  }
0x169: {  	v63 =	vor.u32 s1, v7;
	v8 =	vld.idx.msk [tilespmem:v9+s12+$0x0], $0xffff;
	_ =	sdelay $0x4  }
0x16a: {  	[tilespmem:v63+s14+$0x0] =	vst.idx.msk $0xffff, v8  }
.LBB2_11:
0x16b: {  	s1 =	sadd.s32 $0x6, s3  }
0x16c: {  	p0 =	sge.u32 s1, s31  }
0x16d: {  	s1 =	sld @!p0 [smem:s1+$0x200];
	_ =	sdelay $0x2  }
0x16e: {  	s2 =	simm.s32 @!p0 $0x400;
	s1 =	sand.u32 @!p0 $0xFFFFF80, s1  }
0x16f: {  	s4 =	simm.s32 @!p0 $0x7A1400;
	s5 =	simm.s32 @!p0 $0x600;
	s1 =	sadd.s32 @!p0 s8, s1  }
0x170: {  	[tilespmem:s5], [sflag:$0x1] =	stream.strided.gather @!p0 [hbm4b:s1+s2], $0x2000, s4, s2, $0x38;
	[tilespmem:$0x1C600] =	vst v63  }
.LBB2_12:
0x171: {  	s1 =	sor.u32 $0x1, s3  }
0x172: {  	p0 =	sge.s32 s1, s31  }
.Ltmp10:
0x173: {  	_ = 	snop;
	(pc) =	sbr.rel @p0 .LBB2_18-.Ltmp10, $1  }
0x174: {  	_ =	sdelay $0x3  }
0x175: {  	_ =	swait.ge [sflag:s10], $0x2000  }
0x176: {  	[sflag:s10] =	ssyncset.done $0x0  }
0x177: {  	[sflag:s10] =	ssyncadd.s32 $0xFFFFE000  }
0x178: {  	s4 =	sld [smem:s3+$0x481]  }
0x179: {  	s2 =	sld [smem:s3+$0x482];
	_ =	sdelay $0x2  }
0x17a: {  	p0 =	sge.s32 s4, s2  }
.Ltmp11:
0x17b: {  	_ = 	snop;
	(pc) =	sbr.rel @p0 .LBB2_17-.Ltmp11, $1  }
0x17c: {  	_ =	sdelay $0x3  }
0x17d: {  	s1 =	sshll.u32 s4, $0x2  }
0x17e: {  	s5 =	sshra.s32 s1, $0x2  }
0x17f: {  	s6 =	sld [smem:s5+$0x0];
	_ =	sdelay $0x2  }
0x180: {  	v8 =	vadd.s32 s6, v1;
	_ =	sdelay $0x3  }
0x181: {  	s1 =	sshll.u32 s4, $0x7  }
0x182: {  	v9 =	vor.u32 s1, v0;
	v8 =	vld.idx.msk [tilespmem:v8+s13+$0x0], $0xffff  }
0x183: {  	v10 =	vadd.s32 s6, v2;
	_ =	sdelay $0x3  }
0x184: {  	[tilespmem:v9+s14+$0x0] =	vst.idx.msk $0xffff, v8  }
0x185: {  	v9 =	vor.u32 s1, v3;
	v8 =	vld.idx.msk [tilespmem:v10+s13+$0x0], $0xffff  }
0x186: {  	v10 =	vadd.s32 s6, v4;
	_ =	sdelay $0x2  }
0x187: {  	s4 =	sadd.s32 $0x1, s4  }
0x188: {  	p0 =	sne.s32 s2, s4;
	[tilespmem:v9+s14+$0x0] =	vst.idx.msk $0xffff, v8  }
.Ltmp12:
0x189: {  	v8 =	vld.idx.msk [tilespmem:v10+s13+$0x0], $0xffff;
	v10 =	vor.u32 s1, v5;
	(pc) =	sbr.rel @!p0 .LBB2_16-.Ltmp12, $2  }
0x18a: {  	v9 =	vadd.s32 s6, v6;
	_ =	sdelay $0x2  }
0x18b: {  	s5 =	sadd.s32 $0x1, s5  }
.LBB2_15:
0x18c: {  	s6 =	sld [smem:s5+$0x0];
	[tilespmem:v10+s14+$0x0] =	vst.idx.msk $0xffff, v8;
	s7 =	smov.u32 s4;
	s4 =	sadd.s32 $0x1, s4  }
0x18d: {  	p0 =	sne.s32 s2, s4;
	v8 =	vld.idx.msk [tilespmem:v9+s13+$0x0], $0xffff  }
0x18e: {  	v9 =	vor.u32 s1, v7  }
0x18f: {  	v10 =	vadd.s32 s6, v1;
	_ =	sdelay $0x3  }
0x190: {  	[tilespmem:v9+s14+$0x0] =	vst.idx.msk $0xffff, v8  }
0x191: {  	s1 =	sshll.u32 s7, $0x7;
	v8 =	vld.idx.msk [tilespmem:v10+s13+$0x0], $0xffff  }
0x192: {  	v9 =	vor.u32 s1, v0  }
0x193: {  	v10 =	vadd.s32 s6, v2;
	_ =	sdelay $0x3  }
0x194: {  	[tilespmem:v9+s14+$0x0] =	vst.idx.msk $0xffff, v8  }
0x195: {  	v8 =	vld.idx.msk [tilespmem:v10+s13+$0x0], $0xffff  }
0x196: {  	v9 =	vor.u32 s1, v3  }
0x197: {  	v10 =	vadd.s32 s6, v4;
	_ =	sdelay $0x3  }
0x198: {  	[tilespmem:v9+s14+$0x0] =	vst.idx.msk $0xffff, v8  }
0x199: {  	v8 =	vld.idx.msk [tilespmem:v10+s13+$0x0], $0xffff  }
.Ltmp13:
0x19a: {  	v10 =	vor.u32 s1, v5;
	(pc) =	sbr.rel @p0 .LBB2_15-.Ltmp13, $2  }
0x19b: {  	v9 =	vadd.s32 s6, v6;
	_ =	sdelay $0x2  }
0x19c: {  	s5 =	sadd.s32 $0x1, s5  }
.LBB2_16:
0x19d: {  	_ =	sdelay $0x3  }
0x19e: {  	[tilespmem:v10+s14+$0x0] =	vst.idx.msk $0xffff, v8  }
0x19f: {  	v63 =	vor.u32 s1, v7;
	v8 =	vld.idx.msk [tilespmem:v9+s13+$0x0], $0xffff;
	_ =	sdelay $0x4  }
0x1a0: {  	[tilespmem:v63+s14+$0x0] =	vst.idx.msk $0xffff, v8  }
.LBB2_17:
0x1a1: {  	s1 =	sadd.s32 $0x7, s3  }
0x1a2: {  	p0 =	sge.u32 s1, s31  }
0x1a3: {  	s1 =	sld @!p0 [smem:s1+$0x200];
	_ =	sdelay $0x2  }
0x1a4: {  	s2 =	simm.s32 @!p0 $0x400;
	s1 =	sand.u32 @!p0 $0xFFFFF80, s1  }
0x1a5: {  	s4 =	simm.s32 @!p0 $0x7A1400;
	s5 =	simm.s32 @!p0 $0x2600;
	s1 =	sadd.s32 @!p0 s8, s1  }
0x1a6: {  	[tilespmem:s5], [sflag:$0x1] =	stream.strided.gather @!p0 [hbm4b:s1+s2], $0x2000, s4, s2, $0x38;
	[tilespmem:$0x1C600] =	vst v63  }
.LBB2_18:
0x1a7: {  	s1 =	sadd.s32 $0x2, s3  }
0x1a8: {  	p0 =	sge.s32 s1, s31  }
.Ltmp14:
0x1a9: {  	_ = 	snop;
	(pc) =	sbr.rel @p0 .LBB2_24-.Ltmp14, $1  }
0x1aa: {  	_ =	sdelay $0x3  }
0x1ab: {  	_ =	swait.ge [sflag:s10], $0x2000  }
0x1ac: {  	[sflag:s10] =	ssyncset.done $0x0  }
0x1ad: {  	[sflag:s10] =	ssyncadd.s32 $0xFFFFE000  }
0x1ae: {  	s4 =	sld [smem:s1+$0x480]  }
0x1af: {  	s2 =	sld [smem:s3+$0x483];
	_ =	sdelay $0x2  }
0x1b0: {  	p0 =	sge.s32 s4, s2  }
.Ltmp15:
0x1b1: {  	_ = 	snop;
	(pc) =	sbr.rel @p0 .LBB2_23-.Ltmp15, $1  }
0x1b2: {  	_ =	sdelay $0x3  }
0x1b3: {  	s1 =	sshll.u32 s4, $0x2  }
0x1b4: {  	s5 =	sshra.s32 s1, $0x2  }
0x1b5: {  	s6 =	sld [smem:s5+$0x0];
	_ =	sdelay $0x2  }
0x1b6: {  	v8 =	vadd.s32 s6, v1;
	_ =	sdelay $0x3  }
0x1b7: {  	s1 =	sshll.u32 s4, $0x7  }
0x1b8: {  	v9 =	vor.u32 s1, v0;
	v8 =	vld.idx.msk [tilespmem:v8+s15+$0x0], $0xffff  }
0x1b9: {  	v10 =	vadd.s32 s6, v2;
	_ =	sdelay $0x3  }
0x1ba: {  	[tilespmem:v9+s14+$0x0] =	vst.idx.msk $0xffff, v8  }
0x1bb: {  	v9 =	vor.u32 s1, v3;
	v8 =	vld.idx.msk [tilespmem:v10+s15+$0x0], $0xffff  }
0x1bc: {  	v10 =	vadd.s32 s6, v4;
	_ =	sdelay $0x2  }
0x1bd: {  	s4 =	sadd.s32 $0x1, s4  }
0x1be: {  	p0 =	sne.s32 s2, s4;
	[tilespmem:v9+s14+$0x0] =	vst.idx.msk $0xffff, v8  }
.Ltmp16:
0x1bf: {  	v8 =	vld.idx.msk [tilespmem:v10+s15+$0x0], $0xffff;
	v10 =	vor.u32 s1, v5;
	(pc) =	sbr.rel @!p0 .LBB2_22-.Ltmp16, $2  }
0x1c0: {  	v9 =	vadd.s32 s6, v6;
	_ =	sdelay $0x2  }
0x1c1: {  	s5 =	sadd.s32 $0x1, s5  }
.LBB2_21:
0x1c2: {  	s6 =	sld [smem:s5+$0x0];
	[tilespmem:v10+s14+$0x0] =	vst.idx.msk $0xffff, v8;
	s7 =	smov.u32 s4;
	s4 =	sadd.s32 $0x1, s4  }
0x1c3: {  	p0 =	sne.s32 s2, s4;
	v8 =	vld.idx.msk [tilespmem:v9+s15+$0x0], $0xffff  }
0x1c4: {  	v9 =	vor.u32 s1, v7  }
0x1c5: {  	v10 =	vadd.s32 s6, v1;
	_ =	sdelay $0x3  }
0x1c6: {  	[tilespmem:v9+s14+$0x0] =	vst.idx.msk $0xffff, v8  }
0x1c7: {  	s1 =	sshll.u32 s7, $0x7;
	v8 =	vld.idx.msk [tilespmem:v10+s15+$0x0], $0xffff  }
0x1c8: {  	v9 =	vor.u32 s1, v0  }
0x1c9: {  	v10 =	vadd.s32 s6, v2;
	_ =	sdelay $0x3  }
0x1ca: {  	[tilespmem:v9+s14+$0x0] =	vst.idx.msk $0xffff, v8  }
0x1cb: {  	v8 =	vld.idx.msk [tilespmem:v10+s15+$0x0], $0xffff  }
0x1cc: {  	v9 =	vor.u32 s1, v3  }
0x1cd: {  	v10 =	vadd.s32 s6, v4;
	_ =	sdelay $0x3  }
0x1ce: {  	[tilespmem:v9+s14+$0x0] =	vst.idx.msk $0xffff, v8  }
0x1cf: {  	v8 =	vld.idx.msk [tilespmem:v10+s15+$0x0], $0xffff  }
.Ltmp17:
0x1d0: {  	v10 =	vor.u32 s1, v5;
	(pc) =	sbr.rel @p0 .LBB2_21-.Ltmp17, $2  }
0x1d1: {  	v9 =	vadd.s32 s6, v6;
	_ =	sdelay $0x2  }
0x1d2: {  	s5 =	sadd.s32 $0x1, s5  }
.LBB2_22:
0x1d3: {  	_ =	sdelay $0x3  }
0x1d4: {  	[tilespmem:v10+s14+$0x0] =	vst.idx.msk $0xffff, v8  }
0x1d5: {  	v63 =	vor.u32 s1, v7;
	v8 =	vld.idx.msk [tilespmem:v9+s15+$0x0], $0xffff;
	_ =	sdelay $0x4  }
0x1d6: {  	[tilespmem:v63+s14+$0x0] =	vst.idx.msk $0xffff, v8  }
.LBB2_23:
0x1d7: {  	s1 =	sadd.s32 $0x8, s3  }
0x1d8: {  	p0 =	sge.u32 s1, s31  }
0x1d9: {  	s1 =	sld @!p0 [smem:s1+$0x200];
	_ =	sdelay $0x2  }
0x1da: {  	s2 =	simm.s32 @!p0 $0x400;
	s1 =	sand.u32 @!p0 $0xFFFFF80, s1  }
0x1db: {  	s4 =	simm.s32 @!p0 $0x7A1400;
	s5 =	simm.s32 @!p0 $0x4600;
	s1 =	sadd.s32 @!p0 s8, s1  }
0x1dc: {  	[tilespmem:s5], [sflag:$0x1] =	stream.strided.gather @!p0 [hbm4b:s1+s2], $0x2000, s4, s2, $0x38;
	[tilespmem:$0x1C600] =	vst v63  }
.LBB2_24:
0x1dd: {  	s1 =	sadd.s32 $0x3, s3  }
0x1de: {  	p0 =	sge.s32 s1, s31  }
.Ltmp18:
0x1df: {  	_ = 	snop;
	(pc) =	sbr.rel @p0 .LBB2_30-.Ltmp18, $1  }
0x1e0: {  	_ =	sdelay $0x3  }
0x1e1: {  	_ =	swait.ge [sflag:s10], $0x2000  }
0x1e2: {  	[sflag:s10] =	ssyncset.done $0x0  }
0x1e3: {  	[sflag:s10] =	ssyncadd.s32 $0xFFFFE000  }
0x1e4: {  	s4 =	sld [smem:s1+$0x480]  }
0x1e5: {  	s2 =	sld [smem:s3+$0x484];
	_ =	sdelay $0x2  }
0x1e6: {  	p0 =	sge.s32 s4, s2  }
.Ltmp19:
0x1e7: {  	_ = 	snop;
	(pc) =	sbr.rel @p0 .LBB2_29-.Ltmp19, $1  }
0x1e8: {  	_ =	sdelay $0x3  }
0x1e9: {  	s1 =	sshll.u32 s4, $0x2  }
0x1ea: {  	s5 =	sshra.s32 s1, $0x2  }
0x1eb: {  	s6 =	sld [smem:s5+$0x0];
	_ =	sdelay $0x2  }
0x1ec: {  	v8 =	vadd.s32 s6, v1;
	_ =	sdelay $0x3  }
0x1ed: {  	s1 =	sshll.u32 s4, $0x7  }
0x1ee: {  	v9 =	vor.u32 s1, v0;
	v8 =	vld.idx.msk [tilespmem:v8+s17+$0x0], $0xffff  }
0x1ef: {  	v10 =	vadd.s32 s6, v2;
	_ =	sdelay $0x3  }
0x1f0: {  	[tilespmem:v9+s14+$0x0] =	vst.idx.msk $0xffff, v8  }
0x1f1: {  	v9 =	vor.u32 s1, v3;
	v8 =	vld.idx.msk [tilespmem:v10+s17+$0x0], $0xffff  }
0x1f2: {  	v10 =	vadd.s32 s6, v4;
	_ =	sdelay $0x2  }
0x1f3: {  	s4 =	sadd.s32 $0x1, s4  }
0x1f4: {  	p0 =	sne.s32 s2, s4;
	[tilespmem:v9+s14+$0x0] =	vst.idx.msk $0xffff, v8  }
.Ltmp20:
0x1f5: {  	v8 =	vld.idx.msk [tilespmem:v10+s17+$0x0], $0xffff;
	v10 =	vor.u32 s1, v5;
	(pc) =	sbr.rel @!p0 .LBB2_28-.Ltmp20, $2  }
0x1f6: {  	v9 =	vadd.s32 s6, v6;
	_ =	sdelay $0x2  }
0x1f7: {  	s5 =	sadd.s32 $0x1, s5  }
.LBB2_27:
0x1f8: {  	s6 =	sld [smem:s5+$0x0];
	[tilespmem:v10+s14+$0x0] =	vst.idx.msk $0xffff, v8;
	s7 =	smov.u32 s4;
	s4 =	sadd.s32 $0x1, s4  }
0x1f9: {  	p0 =	sne.s32 s2, s4;
	v8 =	vld.idx.msk [tilespmem:v9+s17+$0x0], $0xffff  }
0x1fa: {  	v9 =	vor.u32 s1, v7  }
0x1fb: {  	v10 =	vadd.s32 s6, v1;
	_ =	sdelay $0x3  }
0x1fc: {  	[tilespmem:v9+s14+$0x0] =	vst.idx.msk $0xffff, v8  }
0x1fd: {  	s1 =	sshll.u32 s7, $0x7;
	v8 =	vld.idx.msk [tilespmem:v10+s17+$0x0], $0xffff  }
0x1fe: {  	v9 =	vor.u32 s1, v0  }
0x1ff: {  	v10 =	vadd.s32 s6, v2;
	_ =	sdelay $0x3  }
0x200: {  	[tilespmem:v9+s14+$0x0] =	vst.idx.msk $0xffff, v8  }
0x201: {  	v8 =	vld.idx.msk [tilespmem:v10+s17+$0x0], $0xffff  }
0x202: {  	v9 =	vor.u32 s1, v3  }
0x203: {  	v10 =	vadd.s32 s6, v4;
	_ =	sdelay $0x3  }
0x204: {  	[tilespmem:v9+s14+$0x0] =	vst.idx.msk $0xffff, v8  }
0x205: {  	v8 =	vld.idx.msk [tilespmem:v10+s17+$0x0], $0xffff  }
.Ltmp21:
0x206: {  	v10 =	vor.u32 s1, v5;
	(pc) =	sbr.rel @p0 .LBB2_27-.Ltmp21, $2  }
0x207: {  	v9 =	vadd.s32 s6, v6;
	_ =	sdelay $0x2  }
0x208: {  	s5 =	sadd.s32 $0x1, s5  }
.LBB2_28:
0x209: {  	_ =	sdelay $0x3  }
0x20a: {  	[tilespmem:v10+s14+$0x0] =	vst.idx.msk $0xffff, v8  }
0x20b: {  	v63 =	vor.u32 s1, v7;
	v8 =	vld.idx.msk [tilespmem:v9+s17+$0x0], $0xffff;
	_ =	sdelay $0x4  }
0x20c: {  	[tilespmem:v63+s14+$0x0] =	vst.idx.msk $0xffff, v8  }
.LBB2_29:
0x20d: {  	s1 =	sadd.s32 $0x9, s3  }
0x20e: {  	p0 =	sge.u32 s1, s31  }
0x20f: {  	s1 =	sld @!p0 [smem:s1+$0x200];
	_ =	sdelay $0x2  }
0x210: {  	s2 =	simm.s32 @!p0 $0x400;
	s1 =	sand.u32 @!p0 $0xFFFFF80, s1  }
0x211: {  	s4 =	simm.s32 @!p0 $0x7A1400;
	s5 =	simm.s32 @!p0 $0x6600;
	s1 =	sadd.s32 @!p0 s8, s1  }
0x212: {  	[tilespmem:s5], [sflag:$0x1] =	stream.strided.gather @!p0 [hbm4b:s1+s2], $0x2000, s4, s2, $0x38;
	[tilespmem:$0x1C600] =	vst v63  }
.LBB2_30:
0x213: {  	s1 =	sadd.s32 $0x4, s3  }
0x214: {  	p0 =	sge.s32 s1, s31  }
.Ltmp22:
0x215: {  	_ = 	snop;
	(pc) =	sbr.rel @p0 .LBB2_36-.Ltmp22, $1  }
0x216: {  	_ =	sdelay $0x3  }
0x217: {  	_ =	swait.ge [sflag:s10], $0x2000  }
0x218: {  	[sflag:s10] =	ssyncset.done $0x0  }
0x219: {  	[sflag:s10] =	ssyncadd.s32 $0xFFFFE000  }
0x21a: {  	s4 =	sld [smem:s1+$0x480]  }
0x21b: {  	s2 =	sld [smem:s3+$0x485];
	_ =	sdelay $0x2  }
0x21c: {  	p0 =	sge.s32 s4, s2  }
.Ltmp23:
0x21d: {  	_ = 	snop;
	(pc) =	sbr.rel @p0 .LBB2_35-.Ltmp23, $1  }
0x21e: {  	_ =	sdelay $0x3  }
0x21f: {  	s1 =	sshll.u32 s4, $0x2  }
0x220: {  	s5 =	sshra.s32 s1, $0x2  }
0x221: {  	s6 =	sld [smem:s5+$0x0];
	_ =	sdelay $0x2  }
0x222: {  	v8 =	vadd.s32 s6, v1;
	_ =	sdelay $0x3  }
0x223: {  	s1 =	sshll.u32 s4, $0x7  }
0x224: {  	v9 =	vor.u32 s1, v0;
	v8 =	vld.idx.msk [tilespmem:v8+s18+$0x0], $0xffff  }
0x225: {  	v10 =	vadd.s32 s6, v2;
	_ =	sdelay $0x3  }
0x226: {  	[tilespmem:v9+s14+$0x0] =	vst.idx.msk $0xffff, v8  }
0x227: {  	v9 =	vor.u32 s1, v3;
	v8 =	vld.idx.msk [tilespmem:v10+s18+$0x0], $0xffff  }
0x228: {  	v10 =	vadd.s32 s6, v4;
	_ =	sdelay $0x2  }
0x229: {  	s4 =	sadd.s32 $0x1, s4  }
0x22a: {  	p0 =	sne.s32 s2, s4;
	[tilespmem:v9+s14+$0x0] =	vst.idx.msk $0xffff, v8  }
.Ltmp24:
0x22b: {  	v8 =	vld.idx.msk [tilespmem:v10+s18+$0x0], $0xffff;
	v10 =	vor.u32 s1, v5;
	(pc) =	sbr.rel @!p0 .LBB2_34-.Ltmp24, $2  }
0x22c: {  	v9 =	vadd.s32 s6, v6;
	_ =	sdelay $0x2  }
0x22d: {  	s5 =	sadd.s32 $0x1, s5  }
.LBB2_33:
0x22e: {  	s6 =	sld [smem:s5+$0x0];
	[tilespmem:v10+s14+$0x0] =	vst.idx.msk $0xffff, v8;
	s7 =	smov.u32 s4;
	s4 =	sadd.s32 $0x1, s4  }
0x22f: {  	p0 =	sne.s32 s2, s4;
	v8 =	vld.idx.msk [tilespmem:v9+s18+$0x0], $0xffff  }
0x230: {  	v9 =	vor.u32 s1, v7  }
0x231: {  	v10 =	vadd.s32 s6, v1;
	_ =	sdelay $0x3  }
0x232: {  	[tilespmem:v9+s14+$0x0] =	vst.idx.msk $0xffff, v8  }
0x233: {  	s1 =	sshll.u32 s7, $0x7;
	v8 =	vld.idx.msk [tilespmem:v10+s18+$0x0], $0xffff  }
0x234: {  	v9 =	vor.u32 s1, v0  }
0x235: {  	v10 =	vadd.s32 s6, v2;
	_ =	sdelay $0x3  }
0x236: {  	[tilespmem:v9+s14+$0x0] =	vst.idx.msk $0xffff, v8  }
0x237: {  	v8 =	vld.idx.msk [tilespmem:v10+s18+$0x0], $0xffff  }
0x238: {  	v9 =	vor.u32 s1, v3  }
0x239: {  	v10 =	vadd.s32 s6, v4;
	_ =	sdelay $0x3  }
0x23a: {  	[tilespmem:v9+s14+$0x0] =	vst.idx.msk $0xffff, v8  }
0x23b: {  	v8 =	vld.idx.msk [tilespmem:v10+s18+$0x0], $0xffff  }
.Ltmp25:
0x23c: {  	v10 =	vor.u32 s1, v5;
	(pc) =	sbr.rel @p0 .LBB2_33-.Ltmp25, $2  }
0x23d: {  	v9 =	vadd.s32 s6, v6;
	_ =	sdelay $0x2  }
0x23e: {  	s5 =	sadd.s32 $0x1, s5  }
.LBB2_34:
0x23f: {  	_ =	sdelay $0x3  }
0x240: {  	[tilespmem:v10+s14+$0x0] =	vst.idx.msk $0xffff, v8  }
0x241: {  	v63 =	vor.u32 s1, v7;
	v8 =	vld.idx.msk [tilespmem:v9+s18+$0x0], $0xffff;
	_ =	sdelay $0x4  }
0x242: {  	[tilespmem:v63+s14+$0x0] =	vst.idx.msk $0xffff, v8  }
.LBB2_35:
0x243: {  	s1 =	sadd.s32 $0xA, s3  }
0x244: {  	p0 =	sge.u32 s1, s31  }
0x245: {  	s1 =	sld @!p0 [smem:s1+$0x200];
	_ =	sdelay $0x2  }
0x246: {  	s2 =	simm.s32 @!p0 $0x400;
	s1 =	sand.u32 @!p0 $0xFFFFF80, s1  }
0x247: {  	s4 =	simm.s32 @!p0 $0x7A1400;
	s5 =	simm.s32 @!p0 $0x8600;
	s1 =	sadd.s32 @!p0 s8, s1  }
0x248: {  	[tilespmem:s5], [sflag:$0x1] =	stream.strided.gather @!p0 [hbm4b:s1+s2], $0x2000, s4, s2, $0x38;
	[tilespmem:$0x1C600] =	vst v63  }
.LBB2_36:
0x249: {  	s1 =	sadd.s32 $0x5, s3  }
0x24a: {  	p0 =	sge.s32 s1, s31  }
.Ltmp26:
0x24b: {  	_ = 	snop;
	(pc) =	sbr.rel @p0 .LBB2_42-.Ltmp26, $1  }
0x24c: {  	_ =	sdelay $0x3  }
0x24d: {  	_ =	swait.ge [sflag:s10], $0x2000  }
0x24e: {  	[sflag:s10] =	ssyncset.done $0x0  }
0x24f: {  	[sflag:s10] =	ssyncadd.s32 $0xFFFFE000  }
0x250: {  	s4 =	sld [smem:s1+$0x480]  }
0x251: {  	s2 =	sld [smem:s3+$0x486];
	_ =	sdelay $0x2  }
0x252: {  	p0 =	sge.s32 s4, s2  }
.Ltmp27:
0x253: {  	_ = 	snop;
	(pc) =	sbr.rel @p0 .LBB2_41-.Ltmp27, $1  }
0x254: {  	_ =	sdelay $0x3  }
0x255: {  	s1 =	sshll.u32 s4, $0x2  }
0x256: {  	s5 =	sshra.s32 s1, $0x2  }
0x257: {  	s6 =	sld [smem:s5+$0x0];
	_ =	sdelay $0x2  }
0x258: {  	v8 =	vadd.s32 s6, v1;
	_ =	sdelay $0x3  }
0x259: {  	s1 =	sshll.u32 s4, $0x7  }
0x25a: {  	v9 =	vor.u32 s1, v0;
	v8 =	vld.idx.msk [tilespmem:v8+s19+$0x0], $0xffff  }
0x25b: {  	v10 =	vadd.s32 s6, v2;
	_ =	sdelay $0x3  }
0x25c: {  	[tilespmem:v9+s14+$0x0] =	vst.idx.msk $0xffff, v8  }
0x25d: {  	v9 =	vor.u32 s1, v3;
	v8 =	vld.idx.msk [tilespmem:v10+s19+$0x0], $0xffff  }
0x25e: {  	v10 =	vadd.s32 s6, v4;
	_ =	sdelay $0x2  }
0x25f: {  	s4 =	sadd.s32 $0x1, s4  }
0x260: {  	p0 =	sne.s32 s2, s4;
	[tilespmem:v9+s14+$0x0] =	vst.idx.msk $0xffff, v8  }
.Ltmp28:
0x261: {  	v8 =	vld.idx.msk [tilespmem:v10+s19+$0x0], $0xffff;
	v10 =	vor.u32 s1, v5;
	(pc) =	sbr.rel @!p0 .LBB2_40-.Ltmp28, $2  }
0x262: {  	v9 =	vadd.s32 s6, v6;
	_ =	sdelay $0x2  }
0x263: {  	s5 =	sadd.s32 $0x1, s5  }
.LBB2_39:
0x264: {  	s6 =	sld [smem:s5+$0x0];
	[tilespmem:v10+s14+$0x0] =	vst.idx.msk $0xffff, v8;
	s7 =	smov.u32 s4;
	s4 =	sadd.s32 $0x1, s4  }
0x265: {  	p0 =	sne.s32 s2, s4;
	v8 =	vld.idx.msk [tilespmem:v9+s19+$0x0], $0xffff  }
0x266: {  	v9 =	vor.u32 s1, v7  }
0x267: {  	v10 =	vadd.s32 s6, v1;
	_ =	sdelay $0x3  }
0x268: {  	[tilespmem:v9+s14+$0x0] =	vst.idx.msk $0xffff, v8  }
0x269: {  	s1 =	sshll.u32 s7, $0x7;
	v8 =	vld.idx.msk [tilespmem:v10+s19+$0x0], $0xffff  }
0x26a: {  	v9 =	vor.u32 s1, v0  }
0x26b: {  	v10 =	vadd.s32 s6, v2;
	_ =	sdelay $0x3  }
0x26c: {  	[tilespmem:v9+s14+$0x0] =	vst.idx.msk $0xffff, v8  }
0x26d: {  	v8 =	vld.idx.msk [tilespmem:v10+s19+$0x0], $0xffff  }
0x26e: {  	v9 =	vor.u32 s1, v3  }
0x26f: {  	v10 =	vadd.s32 s6, v4;
	_ =	sdelay $0x3  }
0x270: {  	[tilespmem:v9+s14+$0x0] =	vst.idx.msk $0xffff, v8  }
0x271: {  	v8 =	vld.idx.msk [tilespmem:v10+s19+$0x0], $0xffff  }
.Ltmp29:
0x272: {  	v10 =	vor.u32 s1, v5;
	(pc) =	sbr.rel @p0 .LBB2_39-.Ltmp29, $2  }
0x273: {  	v9 =	vadd.s32 s6, v6;
	_ =	sdelay $0x2  }
0x274: {  	s5 =	sadd.s32 $0x1, s5  }
.Ltmp30:
0x275: {  	_ = 	snop;
	(pc) =	sbr.rel .LBB2_40-.Ltmp30, $1  }
0x276: {  	_ =	sdelay $0x3  }
.LBB2_44:
0x277: {  	_ =	sfence.sel $0x180000  }
0x278: {  	[bflag:$0x0] =	sbarrier.arrive $0xFFFF  }
0x279: {  	_ =	strace $0x90000047  }
0x27a: {  	s0 =	stileid.u32;
	[bflag:$0x2] =	sbarrier.arrive $0xFFFF  }
0x27b: {  	p0 =	sne.s32 s0, $0x0;
	s0 =	rddreg [dreg:$0x5]  }
0x27c: {  	s0 =	sadd.s32 @!p0 $0x100000, s0  }
0x27d: {  	[sflag:s0] =	ssyncadd.tile.s32 @!p0 $0x1;
	_ =	shalt  }
.Lfunc_end2:
_tile_overlayer_lowered:
.L_overlay_start_2:
0x27e: {  	(tag) =	ssettag $0x2  }
0x27f: {  	s0 =	rddreg [dreg:$0x0];
	s2 =	stileid.u32  }
0x280: {  	s1 =	rddreg [dreg:$0x1];
	p0 =	sne.s32 s2, $0x0  }
0x281: {  	s3 =	rddreg [dreg:$0x2];
	[bflag:$0x3] =	sbarrier.arrive $0xFFFF;
	s2 =	simm.s32 @!p0 $0x1C03  }
0x282: {  	[timem:s3], [sflag:s2] =	dma.local @!p0 [hbm:s0], s1  }
0x283: {  	s0 =	simm.s32 @!p0 $0x3  }
0x284: {  	_ =	swait.ge @!p0 [sflag:s0], s1  }
0x285: {  	s1 =	ssub.s32 @!p0 $0x0, s1;
	[sflag:s0] =	ssyncset.done @!p0 $0x0  }
0x286: {  	[sflag:s0] =	ssyncadd.s32 @!p0 s1  }
0x287: {  	[bflag:$0x3] =	sbarrier.arrive $0xFFFF  }
0x288: {  	_ =	shalt  }

</sc_bundles>
